<compile_context>
chip_gen: v7x
topology: tpu7x:2x2x1
jax: 0.10.2.dev20260603
libtpu: 0.0.44.dev20260713+nightly
codegen_flags: <defaults>
</compile_context>

<pallas_src>
import functools

import jax
import jax.numpy as jnp
from jax import lax
from jax.experimental import pallas as pl
from jax.experimental.pallas import tpu as pltpu
from jax.experimental.pallas import tpu_sc as plsc

_NUM_WORKERS = 32
_LANES = 16
_TW = 128


def _make_kernel(batch, embed_dim):
    bpw = batch // _NUM_WORKERS
    nblk = bpw // _LANES
    mesh = plsc.VectorSubcoreMesh(core_axis_name="c", subcore_axis_name="s")

    @functools.partial(
        pl.kernel,
        mesh=mesh,
        compiler_params=pltpu.CompilerParams(
            needs_layout_passes=False, use_tc_tiling_on_sc=True),
        out_type=jax.ShapeDtypeStruct((batch,), jnp.float32),
        scratch_types=[
            pltpu.VMEM((bpw,), jnp.int32),
            pltpu.VMEM((bpw,), jnp.int32),
            pltpu.VMEM((embed_dim, _LANES * _TW), jnp.float32),
            pltpu.VMEM((bpw * embed_dim,), jnp.float32),
            pltpu.VMEM((bpw,), jnp.float32),
            pltpu.SemaphoreType.DMA,
        ],
    )
    def scores_kernel(uids_hbm, iids_hbm, utab_hbm, itab_hbm, out_hbm,
                      uidx, iidx, ring, ucols, outv, sem):
        wid = lax.axis_index("s") * 2 + lax.axis_index("c")
        base = wid * bpw
        pltpu.sync_copy(uids_hbm.at[pl.ds(base, bpw)], uidx)
        pltpu.sync_copy(iids_hbm.at[pl.ds(base, bpw)], iidx)
        lane = lax.iota(jnp.int32, _LANES)

        def fetch_block(tab_hbm, idx_ref, j16):
            vec = idx_ref[pl.ds(j16 * _LANES, _LANES)]
            for k in range(_LANES):
                rt = pl.multiple_of((vec[k] // _TW) * _TW, _TW)
                pltpu.async_copy(
                    tab_hbm.at[:, pl.ds(rt, _TW)],
                    ring.at[:, pl.ds(k * _TW, _TW)], sem)
            pltpu.make_async_copy(
                tab_hbm.at[:, pl.ds(0, _LANES * _TW)], ring, sem).wait()
            return lane * _TW + vec % _TW

        def ublock(j16, carry):
            cols = fetch_block(utab_hbm, uidx, j16)
            for d in range(embed_dim):
                u_d = plsc.load_gather(
                    ring, [jnp.zeros((_LANES,), jnp.int32) + d, cols])
                ucols[pl.ds((j16 * embed_dim + d) * _LANES, _LANES)] = u_d
            return carry

        lax.fori_loop(0, nblk, ublock, 0, unroll=False)

        def vblock(j16, carry):
            cols = fetch_block(itab_hbm, iidx, j16)
            acc = jnp.zeros((_LANES,), jnp.float32)
            for d in range(embed_dim):
                v_d = plsc.load_gather(
                    ring, [jnp.zeros((_LANES,), jnp.int32) + d, cols])
                u_d = ucols[pl.ds((j16 * embed_dim + d) * _LANES, _LANES)]
                acc = acc + u_d * v_d
            outv[pl.ds(j16 * _LANES, _LANES)] = acc
            return carry

        lax.fori_loop(0, nblk, vblock, 0, unroll=False)
        pltpu.sync_copy(outv, out_hbm.at[pl.ds(base, bpw)])

    return scores_kernel


@jax.jit
def kernel(user_ids, item_ids, user_table, item_table):
    batch = user_ids.shape[0]
    embed_dim = user_table.shape[1]
    uids = user_ids.astype(jnp.int32)
    iids = item_ids.astype(jnp.int32)
    utab_t = user_table.astype(jnp.float32).T
    itab_t = item_table.astype(jnp.float32).T
    return _make_kernel(batch, embed_dim)(uids, iids, utab_t, itab_t)

# --- scband reference (transcript-rebuilt; emitter-appended) ---
"""Pipeline reference for scband-mfmodel-21191368638624 (READ-ONLY COPY).

The authoritative reference and input builder live on the scoring server;
editing this copy changes nothing except your own understanding.
"""

import jax, jax.numpy as jnp
import numpy as np

NUM_USERS = 1000000
NUM_ITEMS = 1000000
EMBED_DIM = 32
BATCH = 16384

def setup_inputs(seed: int = 0) -> dict:
    key = jax.random.key(seed)
    k1, k2, k3, k4 = jax.random.split(key, 4)
    user_ids = jax.random.randint(k1, (BATCH,), 0, NUM_USERS, dtype=jnp.int32).astype(jnp.int64)
    item_ids = jax.random.randint(k2, (BATCH,), 0, NUM_ITEMS, dtype=jnp.int32).astype(jnp.int64)
    user_table = jax.random.normal(k3, (NUM_USERS, EMBED_DIM), dtype=jnp.float32) * 0.01
    item_table = jax.random.normal(k4, (NUM_ITEMS, EMBED_DIM), dtype=jnp.float32) * 0.01
    return {"user_ids": user_ids, "item_ids": item_ids, "user_table": user_table, "item_table": item_table}

def reference(user_ids, item_ids, user_table, item_table):
    user_emb = jnp.take(user_table, user_ids, axis=0)
    item_emb = jnp.take(item_table, item_ids, axis=0)
    pos_scores = jnp.sum(user_emb * item_emb, axis=1)
    return pos_scores

if __name__ == "__main__":
    import jax
    _d = setup_inputs()
    print(jax.jit(kernel)(*tuple(_d.values())))

</pallas_src>

<mosaic_0001>
#map = affine_map<(d0, d1) -> (0)>
#map1 = affine_map<(d0, d1) -> (0, 0)>
module attributes {stable_mosaic.version = 14 : i64} {
  func.func @scores_kernel(%arg0: i32, %arg1: i32, %arg2: memref<16384xi32, #tpu.memory_space<hbm>>, %arg3: memref<16384xi32, #tpu.memory_space<hbm>>, %arg4: memref<32x1000000xf32, #tpu.memory_space<hbm>>, %arg5: memref<32x1000000xf32, #tpu.memory_space<hbm>>, %arg6: memref<16384xf32, #tpu.memory_space<hbm>>, %arg7: memref<512xi32, #tpu.memory_space<vmem>>, %arg8: memref<512xi32, #tpu.memory_space<vmem>>, %arg9: memref<32x2048xf32, #tpu.memory_space<vmem>>, %arg10: memref<16384xf32, #tpu.memory_space<vmem>>, %arg11: memref<512xf32, #tpu.memory_space<vmem>>, %arg12: memref<!tpu.dma_semaphore, #tpu.memory_space<semaphore_mem>>) attributes {dimension_semantics = [#tpu.dimension_semantics<core_parallel>, #tpu.dimension_semantics<subcore_parallel>], iteration_bounds = array<i64: 2, 16>, scalar_prefetch = 0 : i64, scratch_operands = 6 : i64, tpu.core_type = #tpu.core_type<sc_vector_subcore>, window_params = [{transform_indices = #map}, {transform_indices = #map}, {transform_indices = #map1}, {transform_indices = #map1}, {transform_indices = #map}]} {
    %mul3A = arith.constant 2 : i32
    %mul3A_0 = arith.muli %arg1, %mul3A : i32
    %add3A = arith.addi %mul3A_0, %arg0 : i32
    %mul3A_1 = arith.constant 512 : i32
    %mul3A_2 = arith.muli %add3A, %mul3A_1 : i32
    "tpu.region"() ({
      %run_scoped3A = tpu.sem_alloc : memref<!tpu.dma_semaphore, #tpu.memory_space<semaphore_mem>>
      %dma_start3A = tpu.memref_slice %arg2[%mul3A_2] : memref<16384xi32, #tpu.memory_space<hbm>> -> memref<512xi32, #tpu.memory_space<hbm>>
      %dma_start3A_14 = tpu.memref_slice %arg2[%mul3A_2] : memref<16384xi32, #tpu.memory_space<hbm>> -> memref<512xi32, #tpu.memory_space<hbm>>
      tpu.enqueue_dma source(%dma_start3A_14 : memref<512xi32, #tpu.memory_space<hbm>>) target(%arg7 : memref<512xi32, #tpu.memory_space<vmem>>) target_semaphore(%run_scoped3A : memref<!tpu.dma_semaphore, #tpu.memory_space<semaphore_mem>>)
      %dma_wait3A = tpu.memref_slice %arg2[%mul3A_2] : memref<16384xi32, #tpu.memory_space<hbm>> -> memref<512xi32, #tpu.memory_space<hbm>>
      %dma_wait3A_15 = tpu.memref_slice %arg2[%mul3A_2] : memref<16384xi32, #tpu.memory_space<hbm>> -> memref<512xi32, #tpu.memory_space<hbm>>
      tpu.wait_dma2 semaphore(%run_scoped3A : memref<!tpu.dma_semaphore, #tpu.memory_space<semaphore_mem>>) src(%dma_wait3A_15 : memref<512xi32, #tpu.memory_space<hbm>>) dst(%arg7 : memref<512xi32, #tpu.memory_space<vmem>>)
      tpu.yield
    }) : () -> ()
    "tpu.region"() ({
      %run_scoped3A = tpu.sem_alloc : memref<!tpu.dma_semaphore, #tpu.memory_space<semaphore_mem>>
      %dma_start3A = tpu.memref_slice %arg3[%mul3A_2] : memref<16384xi32, #tpu.memory_space<hbm>> -> memref<512xi32, #tpu.memory_space<hbm>>
      %dma_start3A_14 = tpu.memref_slice %arg3[%mul3A_2] : memref<16384xi32, #tpu.memory_space<hbm>> -> memref<512xi32, #tpu.memory_space<hbm>>
      tpu.enqueue_dma source(%dma_start3A_14 : memref<512xi32, #tpu.memory_space<hbm>>) target(%arg8 : memref<512xi32, #tpu.memory_space<vmem>>) target_semaphore(%run_scoped3A : memref<!tpu.dma_semaphore, #tpu.memory_space<semaphore_mem>>)
      %dma_wait3A = tpu.memref_slice %arg3[%mul3A_2] : memref<16384xi32, #tpu.memory_space<hbm>> -> memref<512xi32, #tpu.memory_space<hbm>>
      %dma_wait3A_15 = tpu.memref_slice %arg3[%mul3A_2] : memref<16384xi32, #tpu.memory_space<hbm>> -> memref<512xi32, #tpu.memory_space<hbm>>
      tpu.wait_dma2 semaphore(%run_scoped3A : memref<!tpu.dma_semaphore, #tpu.memory_space<semaphore_mem>>) src(%dma_wait3A_15 : memref<512xi32, #tpu.memory_space<hbm>>) dst(%arg8 : memref<512xi32, #tpu.memory_space<vmem>>)
      tpu.yield
    }) : () -> ()
    %iota3A = tpu.iota {dimensions = array<i32: 0>} : vector<16xi32>
    %scan3A = arith.constant 0 : i32
    %scan3A_3 = arith.constant 0 : i32
    %scan3A_4 = arith.constant 32 : i32
    %scan3A_5 = arith.addi %scan3A_3, %scan3A_4 : i32
    %scan3A_6 = arith.constant 1 : i32
    scf.for %scan3A_14 = %scan3A_3 to %scan3A_5 step %scan3A_6  : i32 {
      %mul3A_15 = arith.constant 16 : i32
      %mul3A_16 = arith.muli %scan3A_14, %mul3A_15 : i32
      %get3A = arith.index_cast %mul3A_16 : i32 to index
      %get3A_17 = tpu.vector_load %arg7[%get3A] {strides = array<i32>} : memref<512xi32, #tpu.memory_space<vmem>>, vector<16xi32>,
      %slice3A = vector.extract_strided_slice %get3A_17 {offsets = [0], sizes = [1], strides = [1]} : vector<16xi32> to vector<1xi32>
      %squeeze3A = vector.extract %slice3A[0] : i32 from vector<1xi32>
      %jit3A = arith.constant 128 : i32
      %div3A = arith.divsi %squeeze3A, %jit3A : i32
      %sign3A = arith.constant 0 : i32
      %sign3A_18 = arith.cmpi sgt, %squeeze3A, %sign3A : i32
      %sign3A_19 = arith.extui %sign3A_18 : i1 to i32
      %sign3A_20 = arith.constant 0 : i32
      %sign3A_21 = arith.cmpi slt, %squeeze3A, %sign3A_20 : i32
      %sign3A_22 = arith.extui %sign3A_21 : i1 to i32
      %sign3A_23 = arith.subi %sign3A_19, %sign3A_22 : i32
      %sign3A_24 = arith.constant 0 : i32
      %sign3A_25 = arith.cmpi sgt, %jit3A, %sign3A_24 : i32
      %sign3A_26 = arith.extui %sign3A_25 : i1 to i32
      %sign3A_27 = arith.constant 0 : i32
      %sign3A_28 = arith.cmpi slt, %jit3A, %sign3A_27 : i32
      %sign3A_29 = arith.extui %sign3A_28 : i1 to i32
      %sign3A_30 = arith.subi %sign3A_26, %sign3A_29 : i32
      %ne3A = arith.cmpi ne, %sign3A_23, %sign3A_30 : i32
      %rem3A = arith.remsi %squeeze3A, %jit3A : i32
      %ne3A_31 = arith.constant 0 : i32
      %ne3A_32 = arith.cmpi ne, %rem3A, %ne3A_31 : i32
      %and3A = arith.andi %ne3A, %ne3A_32 : i1
      %sub3A = arith.constant 1 : i32
      %sub3A_33 = arith.subi %div3A, %sub3A : i32
      %select_n3A = arith.select %and3A, %sub3A_33, %div3A : i32
      %mul3A_34 = arith.constant 128 : i32
      %mul3A_35 = arith.muli %select_n3A, %mul3A_34 : i32
      %multiple_of3A = tpu.assume_multiple %mul3A_35, 128 : i32
      %dma_start3A = arith.constant 0 : i32
      %dma_start3A_36 = arith.constant 0 : i32
      %dma_start3A_37 = tpu.memref_slice %arg9[%dma_start3A, %dma_start3A_36] : memref<32x2048xf32, #tpu.memory_space<vmem>> -> memref<32x128xf32, #tpu.memory_space<vmem>>
      %dma_start3A_38 = arith.constant 0 : i32
      %dma_start3A_39 = tpu.memref_slice %arg4[%dma_start3A_38, %multiple_of3A] : memref<32x1000000xf32, #tpu.memory_space<hbm>> -> memref<32x128xf32, #tpu.memory_space<hbm>>
      %dma_start3A_40 = arith.constant 0 : i32
      %dma_start3A_41 = arith.constant 0 : i32
      %dma_start3A_42 = tpu.memref_slice %arg9[%dma_start3A_40, %dma_start3A_41] : memref<32x2048xf32, #tpu.memory_space<vmem>> -> memref<32x128xf32, #tpu.memory_space<vmem>>
      %dma_start3A_43 = arith.constant 0 : i32
      %dma_start3A_44 = tpu.memref_slice %arg4[%dma_start3A_43, %multiple_of3A] : memref<32x1000000xf32, #tpu.memory_space<hbm>> -> memref<32x128xf32, #tpu.memory_space<hbm>>
      tpu.enqueue_dma source(%dma_start3A_44 : memref<32x128xf32, #tpu.memory_space<hbm>>) target(%dma_start3A_42 : memref<32x128xf32, #tpu.memory_space<vmem>>) target_semaphore(%arg12 : memref<!tpu.dma_semaphore, #tpu.memory_space<semaphore_mem>>)
      %slice3A_45 = vector.extract_strided_slice %get3A_17 {offsets = [1], sizes = [1], strides = [1]} : vector<16xi32> to vector<1xi32>
      %squeeze3A_46 = vector.extract %slice3A_45[0] : i32 from vector<1xi32>
      %jit3A_47 = arith.constant 128 : i32
      %div3A_48 = arith.divsi %squeeze3A_46, %jit3A_47 : i32
      %sign3A_49 = arith.constant 0 : i32
      %sign3A_50 = arith.cmpi sgt, %squeeze3A_46, %sign3A_49 : i32
      %sign3A_51 = arith.extui %sign3A_50 : i1 to i32
      %sign3A_52 = arith.constant 0 : i32
      %sign3A_53 = arith.cmpi slt, %squeeze3A_46, %sign3A_52 : i32
      %sign3A_54 = arith.extui %sign3A_53 : i1 to i32
      %sign3A_55 = arith.subi %sign3A_51, %sign3A_54 : i32
      %sign3A_56 = arith.constant 0 : i32
      %sign3A_57 = arith.cmpi sgt, %jit3A_47, %sign3A_56 : i32
      %sign3A_58 = arith.extui %sign3A_57 : i1 to i32
      %sign3A_59 = arith.constant 0 : i32
      %sign3A_60 = arith.cmpi slt, %jit3A_47, %sign3A_59 : i32
      %sign3A_61 = arith.extui %sign3A_60 : i1 to i32
      %sign3A_62 = arith.subi %sign3A_58, %sign3A_61 : i32
      %ne3A_63 = arith.cmpi ne, %sign3A_55, %sign3A_62 : i32
      %rem3A_64 = arith.remsi %squeeze3A_46, %jit3A_47 : i32
      %ne3A_65 = arith.constant 0 : i32
      %ne3A_66 = arith.cmpi ne, %rem3A_64, %ne3A_65 : i32
      %and3A_67 = arith.andi %ne3A_63, %ne3A_66 : i1
      %sub3A_68 = arith.constant 1 : i32
      %sub3A_69 = arith.subi %div3A_48, %sub3A_68 : i32
      %select_n3A_70 = arith.select %and3A_67, %sub3A_69, %div3A_48 : i32
      %mul3A_71 = arith.constant 128 : i32
      %mul3A_72 = arith.muli %select_n3A_70, %mul3A_71 : i32
      %multiple_of3A_73 = tpu.assume_multiple %mul3A_72, 128 : i32
      %dma_start3A_74 = arith.constant 0 : i32
      %dma_start3A_75 = arith.constant 128 : i32
      %dma_start3A_76 = tpu.memref_slice %arg9[%dma_start3A_74, %dma_start3A_75] : memref<32x2048xf32, #tpu.memory_space<vmem>> -> memref<32x128xf32, #tpu.memory_space<vmem>>
      %dma_start3A_77 = arith.constant 0 : i32
      %dma_start3A_78 = tpu.memref_slice %arg4[%dma_start3A_77, %multiple_of3A_73] : memref<32x1000000xf32, #tpu.memory_space<hbm>> -> memref<32x128xf32, #tpu.memory_space<hbm>>
      %dma_start3A_79 = arith.constant 0 : i32
      %dma_start3A_80 = arith.constant 128 : i32
      %dma_start3A_81 = tpu.memref_slice %arg9[%dma_start3A_79, %dma_start3A_80] : memref<32x2048xf32, #tpu.memory_space<vmem>> -> memref<32x128xf32, #tpu.memory_space<vmem>>
      %dma_start3A_82 = arith.constant 0 : i32
      %dma_start3A_83 = tpu.memref_slice %arg4[%dma_start3A_82, %multiple_of3A_73] : memref<32x1000000xf32, #tpu.memory_space<hbm>> -> memref<32x128xf32, #tpu.memory_space<hbm>>
      tpu.enqueue_dma source(%dma_start3A_83 : memref<32x128xf32, #tpu.memory_space<hbm>>) target(%dma_start3A_81 : memref<32x128xf32, #tpu.memory_space<vmem>>) target_semaphore(%arg12 : memref<!tpu.dma_semaphore, #tpu.memory_space<semaphore_mem>>)
      %slice3A_84 = vector.extract_strided_slice %get3A_17 {offsets = [2], sizes = [1], strides = [1]} : vector<16xi32> to vector<1xi32>
      %squeeze3A_85 = vector.extract %slice3A_84[0] : i32 from vector<1xi32>
      %jit3A_86 = arith.constant 128 : i32
      %div3A_87 = arith.divsi %squeeze3A_85, %jit3A_86 : i32
      %sign3A_88 = arith.constant 0 : i32
      %sign3A_89 = arith.cmpi sgt, %squeeze3A_85, %sign3A_88 : i32
      %sign3A_90 = arith.extui %sign3A_89 : i1 to i32
      %sign3A_91 = arith.constant 0 : i32
      %sign3A_92 = arith.cmpi slt, %squeeze3A_85, %sign3A_91 : i32
      %sign3A_93 = arith.extui %sign3A_92 : i1 to i32
      %sign3A_94 = arith.subi %sign3A_90, %sign3A_93 : i32
      %sign3A_95 = arith.constant 0 : i32
      %sign3A_96 = arith.cmpi sgt, %jit3A_86, %sign3A_95 : i32
      %sign3A_97 = arith.extui %sign3A_96 : i1 to i32
      %sign3A_98 = arith.constant 0 : i32
      %sign3A_99 = arith.cmpi slt, %jit3A_86, %sign3A_98 : i32
      %sign3A_100 = arith.extui %sign3A_99 : i1 to i32
      %sign3A_101 = arith.subi %sign3A_97, %sign3A_100 : i32
      %ne3A_102 = arith.cmpi ne, %sign3A_94, %sign3A_101 : i32
      %rem3A_103 = arith.remsi %squeeze3A_85, %jit3A_86 : i32
      %ne3A_104 = arith.constant 0 : i32
      %ne3A_105 = arith.cmpi ne, %rem3A_103, %ne3A_104 : i32
      %and3A_106 = arith.andi %ne3A_102, %ne3A_105 : i1
      %sub3A_107 = arith.constant 1 : i32
      %sub3A_108 = arith.subi %div3A_87, %sub3A_107 : i32
      %select_n3A_109 = arith.select %and3A_106, %sub3A_108, %div3A_87 : i32
      %mul3A_110 = arith.constant 128 : i32
      %mul3A_111 = arith.muli %select_n3A_109, %mul3A_110 : i32
      %multiple_of3A_112 = tpu.assume_multiple %mul3A_111, 128 : i32
      %dma_start3A_113 = arith.constant 0 : i32
      %dma_start3A_114 = arith.constant 256 : i32
      %dma_start3A_115 = tpu.memref_slice %arg9[%dma_start3A_113, %dma_start3A_114] : memref<32x2048xf32, #tpu.memory_space<vmem>> -> memref<32x128xf32, #tpu.memory_space<vmem>>
      %dma_start3A_116 = arith.constant 0 : i32
      %dma_start3A_117 = tpu.memref_slice %arg4[%dma_start3A_116, %multiple_of3A_112] : memref<32x1000000xf32, #tpu.memory_space<hbm>> -> memref<32x128xf32, #tpu.memory_space<hbm>>
      %dma_start3A_118 = arith.constant 0 : i32
      %dma_start3A_119 = arith.constant 256 : i32
      %dma_start3A_120 = tpu.memref_slice %arg9[%dma_start3A_118, %dma_start3A_119] : memref<32x2048xf32, #tpu.memory_space<vmem>> -> memref<32x128xf32, #tpu.memory_space<vmem>>
      %dma_start3A_121 = arith.constant 0 : i32
      %dma_start3A_122 = tpu.memref_slice %arg4[%dma_start3A_121, %multiple_of3A_112] : memref<32x1000000xf32, #tpu.memory_space<hbm>> -> memref<32x128xf32, #tpu.memory_space<hbm>>
      tpu.enqueue_dma source(%dma_start3A_122 : memref<32x128xf32, #tpu.memory_space<hbm>>) target(%dma_start3A_120 : memref<32x128xf32, #tpu.memory_space<vmem>>) target_semaphore(%arg12 : memref<!tpu.dma_semaphore, #tpu.memory_space<semaphore_mem>>)
      %slice3A_123 = vector.extract_strided_slice %get3A_17 {offsets = [3], sizes = [1], strides = [1]} : vector<16xi32> to vector<1xi32>
      %squeeze3A_124 = vector.extract %slice3A_123[0] : i32 from vector<1xi32>
      %jit3A_125 = arith.constant 128 : i32
      %div3A_126 = arith.divsi %squeeze3A_124, %jit3A_125 : i32
      %sign3A_127 = arith.constant 0 : i32
      %sign3A_128 = arith.cmpi sgt, %squeeze3A_124, %sign3A_127 : i32
      %sign3A_129 = arith.extui %sign3A_128 : i1 to i32
      %sign3A_130 = arith.constant 0 : i32
      %sign3A_131 = arith.cmpi slt, %squeeze3A_124, %sign3A_130 : i32
      %sign3A_132 = arith.extui %sign3A_131 : i1 to i32
      %sign3A_133 = arith.subi %sign3A_129, %sign3A_132 : i32
      %sign3A_134 = arith.constant 0 : i32
      %sign3A_135 = arith.cmpi sgt, %jit3A_125, %sign3A_134 : i32
      %sign3A_136 = arith.extui %sign3A_135 : i1 to i32
      %sign3A_137 = arith.constant 0 : i32
      %sign3A_138 = arith.cmpi slt, %jit3A_125, %sign3A_137 : i32
      %sign3A_139 = arith.extui %sign3A_138 : i1 to i32
      %sign3A_140 = arith.subi %sign3A_136, %sign3A_139 : i32
      %ne3A_141 = arith.cmpi ne, %sign3A_133, %sign3A_140 : i32
      %rem3A_142 = arith.remsi %squeeze3A_124, %jit3A_125 : i32
      %ne3A_143 = arith.constant 0 : i32
      %ne3A_144 = arith.cmpi ne, %rem3A_142, %ne3A_143 : i32
      %and3A_145 = arith.andi %ne3A_141, %ne3A_144 : i1
      %sub3A_146 = arith.constant 1 : i32
      %sub3A_147 = arith.subi %div3A_126, %sub3A_146 : i32
      %select_n3A_148 = arith.select %and3A_145, %sub3A_147, %div3A_126 : i32
      %mul3A_149 = arith.constant 128 : i32
      %mul3A_150 = arith.muli %select_n3A_148, %mul3A_149 : i32
      %multiple_of3A_151 = tpu.assume_multiple %mul3A_150, 128 : i32
      %dma_start3A_152 = arith.constant 0 : i32
      %dma_start3A_153 = arith.constant 384 : i32
      %dma_start3A_154 = tpu.memref_slice %arg9[%dma_start3A_152, %dma_start3A_153] : memref<32x2048xf32, #tpu.memory_space<vmem>> -> memref<32x128xf32, #tpu.memory_space<vmem>>
      %dma_start3A_155 = arith.constant 0 : i32
      %dma_start3A_156 = tpu.memref_slice %arg4[%dma_start3A_155, %multiple_of3A_151] : memref<32x1000000xf32, #tpu.memory_space<hbm>> -> memref<32x128xf32, #tpu.memory_space<hbm>>
      %dma_start3A_157 = arith.constant 0 : i32
      %dma_start3A_158 = arith.constant 384 : i32
      %dma_start3A_159 = tpu.memref_slice %arg9[%dma_start3A_157, %dma_start3A_158] : memref<32x2048xf32, #tpu.memory_space<vmem>> -> memref<32x128xf32, #tpu.memory_space<vmem>>
      %dma_start3A_160 = arith.constant 0 : i32
      %dma_start3A_161 = tpu.memref_slice %arg4[%dma_start3A_160, %multiple_of3A_151] : memref<32x1000000xf32, #tpu.memory_space<hbm>> -> memref<32x128xf32, #tpu.memory_space<hbm>>
      tpu.enqueue_dma source(%dma_start3A_161 : memref<32x128xf32, #tpu.memory_space<hbm>>) target(%dma_start3A_159 : memref<32x128xf32, #tpu.memory_space<vmem>>) target_semaphore(%arg12 : memref<!tpu.dma_semaphore, #tpu.memory_space<semaphore_mem>>)
      %slice3A_162 = vector.extract_strided_slice %get3A_17 {offsets = [4], sizes = [1], strides = [1]} : vector<16xi32> to vector<1xi32>
      %squeeze3A_163 = vector.extract %slice3A_162[0] : i32 from vector<1xi32>
      %jit3A_164 = arith.constant 128 : i32
      %div3A_165 = arith.divsi %squeeze3A_163, %jit3A_164 : i32
      %sign3A_166 = arith.constant 0 : i32
      %sign3A_167 = arith.cmpi sgt, %squeeze3A_163, %sign3A_166 : i32
      %sign3A_168 = arith.extui %sign3A_167 : i1 to i32
      %sign3A_169 = arith.constant 0 : i32
      %sign3A_170 = arith.cmpi slt, %squeeze3A_163, %sign3A_169 : i32
      %sign3A_171 = arith.extui %sign3A_170 : i1 to i32
      %sign3A_172 = arith.subi %sign3A_168, %sign3A_171 : i32
      %sign3A_173 = arith.constant 0 : i32
      %sign3A_174 = arith.cmpi sgt, %jit3A_164, %sign3A_173 : i32
      %sign3A_175 = arith.extui %sign3A_174 : i1 to i32
      %sign3A_176 = arith.constant 0 : i32
      %sign3A_177 = arith.cmpi slt, %jit3A_164, %sign3A_176 : i32
      %sign3A_178 = arith.extui %sign3A_177 : i1 to i32
      %sign3A_179 = arith.subi %sign3A_175, %sign3A_178 : i32
      %ne3A_180 = arith.cmpi ne, %sign3A_172, %sign3A_179 : i32
      %rem3A_181 = arith.remsi %squeeze3A_163, %jit3A_164 : i32
      %ne3A_182 = arith.constant 0 : i32
      %ne3A_183 = arith.cmpi ne, %rem3A_181, %ne3A_182 : i32
      %and3A_184 = arith.andi %ne3A_180, %ne3A_183 : i1
      %sub3A_185 = arith.constant 1 : i32
      %sub3A_186 = arith.subi %div3A_165, %sub3A_185 : i32
      %select_n3A_187 = arith.select %and3A_184, %sub3A_186, %div3A_165 : i32
      %mul3A_188 = arith.constant 128 : i32
      %mul3A_189 = arith.muli %select_n3A_187, %mul3A_188 : i32
      %multiple_of3A_190 = tpu.assume_multiple %mul3A_189, 128 : i32
      %dma_start3A_191 = arith.constant 0 : i32
      %dma_start3A_192 = arith.constant 512 : i32
      %dma_start3A_193 = tpu.memref_slice %arg9[%dma_start3A_191, %dma_start3A_192] : memref<32x2048xf32, #tpu.memory_space<vmem>> -> memref<32x128xf32, #tpu.memory_space<vmem>>
      %dma_start3A_194 = arith.constant 0 : i32
      %dma_start3A_195 = tpu.memref_slice %arg4[%dma_start3A_194, %multiple_of3A_190] : memref<32x1000000xf32, #tpu.memory_space<hbm>> -> memref<32x128xf32, #tpu.memory_space<hbm>>
      %dma_start3A_196 = arith.constant 0 : i32
      %dma_start3A_197 = arith.constant 512 : i32
      %dma_start3A_198 = tpu.memref_slice %arg9[%dma_start3A_196, %dma_start3A_197] : memref<32x2048xf32, #tpu.memory_space<vmem>> -> memref<32x128xf32, #tpu.memory_space<vmem>>
      %dma_start3A_199 = arith.constant 0 : i32
      %dma_start3A_200 = tpu.memref_slice %arg4[%dma_start3A_199, %multiple_of3A_190] : memref<32x1000000xf32, #tpu.memory_space<hbm>> -> memref<32x128xf32, #tpu.memory_space<hbm>>
      tpu.enqueue_dma source(%dma_start3A_200 : memref<32x128xf32, #tpu.memory_space<hbm>>) target(%dma_start3A_198 : memref<32x128xf32, #tpu.memory_space<vmem>>) target_semaphore(%arg12 : memref<!tpu.dma_semaphore, #tpu.memory_space<semaphore_mem>>)
      %slice3A_201 = vector.extract_strided_slice %get3A_17 {offsets = [5], sizes = [1], strides = [1]} : vector<16xi32> to vector<1xi32>
      %squeeze3A_202 = vector.extract %slice3A_201[0] : i32 from vector<1xi32>
      %jit3A_203 = arith.constant 128 : i32
      %div3A_204 = arith.divsi %squeeze3A_202, %jit3A_203 : i32
      %sign3A_205 = arith.constant 0 : i32
      %sign3A_206 = arith.cmpi sgt, %squeeze3A_202, %sign3A_205 : i32
      %sign3A_207 = arith.extui %sign3A_206 : i1 to i32
      %sign3A_208 = arith.constant 0 : i32
      %sign3A_209 = arith.cmpi slt, %squeeze3A_202, %sign3A_208 : i32
      %sign3A_210 = arith.extui %sign3A_209 : i1 to i32
      %sign3A_211 = arith.subi %sign3A_207, %sign3A_210 : i32
      %sign3A_212 = arith.constant 0 : i32
      %sign3A_213 = arith.cmpi sgt, %jit3A_203, %sign3A_212 : i32
      %sign3A_214 = arith.extui %sign3A_213 : i1 to i32
      %sign3A_215 = arith.constant 0 : i32
      %sign3A_216 = arith.cmpi slt, %jit3A_203, %sign3A_215 : i32
      %sign3A_217 = arith.extui %sign3A_216 : i1 to i32
      %sign3A_218 = arith.subi %sign3A_214, %sign3A_217 : i32
      %ne3A_219 = arith.cmpi ne, %sign3A_211, %sign3A_218 : i32
      %rem3A_220 = arith.remsi %squeeze3A_202, %jit3A_203 : i32
      %ne3A_221 = arith.constant 0 : i32
      %ne3A_222 = arith.cmpi ne, %rem3A_220, %ne3A_221 : i32
      %and3A_223 = arith.andi %ne3A_219, %ne3A_222 : i1
      %sub3A_224 = arith.constant 1 : i32
      %sub3A_225 = arith.subi %div3A_204, %sub3A_224 : i32
      %select_n3A_226 = arith.select %and3A_223, %sub3A_225, %div3A_204 : i32
      %mul3A_227 = arith.constant 128 : i32
      %mul3A_228 = arith.muli %select_n3A_226, %mul3A_227 : i32
      %multiple_of3A_229 = tpu.assume_multiple %mul3A_228, 128 : i32
      %dma_start3A_230 = arith.constant 0 : i32
      %dma_start3A_231 = arith.constant 640 : i32
      %dma_start3A_232 = tpu.memref_slice %arg9[%dma_start3A_230, %dma_start3A_231] : memref<32x2048xf32, #tpu.memory_space<vmem>> -> memref<32x128xf32, #tpu.memory_space<vmem>>
      %dma_start3A_233 = arith.constant 0 : i32
      %dma_start3A_234 = tpu.memref_slice %arg4[%dma_start3A_233, %multiple_of3A_229] : memref<32x1000000xf32, #tpu.memory_space<hbm>> -> memref<32x128xf32, #tpu.memory_space<hbm>>
      %dma_start3A_235 = arith.constant 0 : i32
      %dma_start3A_236 = arith.constant 640 : i32
      %dma_start3A_237 = tpu.memref_slice %arg9[%dma_start3A_235, %dma_start3A_236] : memref<32x2048xf32, #tpu.memory_space<vmem>> -> memref<32x128xf32, #tpu.memory_space<vmem>>
      %dma_start3A_238 = arith.constant 0 : i32
      %dma_start3A_239 = tpu.memref_slice %arg4[%dma_start3A_238, %multiple_of3A_229] : memref<32x1000000xf32, #tpu.memory_space<hbm>> -> memref<32x128xf32, #tpu.memory_space<hbm>>
      tpu.enqueue_dma source(%dma_start3A_239 : memref<32x128xf32, #tpu.memory_space<hbm>>) target(%dma_start3A_237 : memref<32x128xf32, #tpu.memory_space<vmem>>) target_semaphore(%arg12 : memref<!tpu.dma_semaphore, #tpu.memory_space<semaphore_mem>>)
      %slice3A_240 = vector.extract_strided_slice %get3A_17 {offsets = [6], sizes = [1], strides = [1]} : vector<16xi32> to vector<1xi32>
      %squeeze3A_241 = vector.extract %slice3A_240[0] : i32 from vector<1xi32>
      %jit3A_242 = arith.constant 128 : i32
      %div3A_243 = arith.divsi %squeeze3A_241, %jit3A_242 : i32
      %sign3A_244 = arith.constant 0 : i32
      %sign3A_245 = arith.cmpi sgt, %squeeze3A_241, %sign3A_244 : i32
      %sign3A_246 = arith.extui %sign3A_245 : i1 to i32
      %sign3A_247 = arith.constant 0 : i32
      %sign3A_248 = arith.cmpi slt, %squeeze3A_241, %sign3A_247 : i32
      %sign3A_249 = arith.extui %sign3A_248 : i1 to i32
      %sign3A_250 = arith.subi %sign3A_246, %sign3A_249 : i32
      %sign3A_251 = arith.constant 0 : i32
      %sign3A_252 = arith.cmpi sgt, %jit3A_242, %sign3A_251 : i32
      %sign3A_253 = arith.extui %sign3A_252 : i1 to i32
      %sign3A_254 = arith.constant 0 : i32
      %sign3A_255 = arith.cmpi slt, %jit3A_242, %sign3A_254 : i32
      %sign3A_256 = arith.extui %sign3A_255 : i1 to i32
      %sign3A_257 = arith.subi %sign3A_253, %sign3A_256 : i32
      %ne3A_258 = arith.cmpi ne, %sign3A_250, %sign3A_257 : i32
      %rem3A_259 = arith.remsi %squeeze3A_241, %jit3A_242 : i32
      %ne3A_260 = arith.constant 0 : i32
      %ne3A_261 = arith.cmpi ne, %rem3A_259, %ne3A_260 : i32
      %and3A_262 = arith.andi %ne3A_258, %ne3A_261 : i1
      %sub3A_263 = arith.constant 1 : i32
      %sub3A_264 = arith.subi %div3A_243, %sub3A_263 : i32
      %select_n3A_265 = arith.select %and3A_262, %sub3A_264, %div3A_243 : i32
      %mul3A_266 = arith.constant 128 : i32
      %mul3A_267 = arith.muli %select_n3A_265, %mul3A_266 : i32
      %multiple_of3A_268 = tpu.assume_multiple %mul3A_267, 128 : i32
      %dma_start3A_269 = arith.constant 0 : i32
      %dma_start3A_270 = arith.constant 768 : i32
      %dma_start3A_271 = tpu.memref_slice %arg9[%dma_start3A_269, %dma_start3A_270] : memref<32x2048xf32, #tpu.memory_space<vmem>> -> memref<32x128xf32, #tpu.memory_space<vmem>>
      %dma_start3A_272 = arith.constant 0 : i32
      %dma_start3A_273 = tpu.memref_slice %arg4[%dma_start3A_272, %multiple_of3A_268] : memref<32x1000000xf32, #tpu.memory_space<hbm>> -> memref<32x128xf32, #tpu.memory_space<hbm>>
      %dma_start3A_274 = arith.constant 0 : i32
      %dma_start3A_275 = arith.constant 768 : i32
      %dma_start3A_276 = tpu.memref_slice %arg9[%dma_start3A_274, %dma_start3A_275] : memref<32x2048xf32, #tpu.memory_space<vmem>> -> memref<32x128xf32, #tpu.memory_space<vmem>>
      %dma_start3A_277 = arith.constant 0 : i32
      %dma_start3A_278 = tpu.memref_slice %arg4[%dma_start3A_277, %multiple_of3A_268] : memref<32x1000000xf32, #tpu.memory_space<hbm>> -> memref<32x128xf32, #tpu.memory_space<hbm>>
      tpu.enqueue_dma source(%dma_start3A_278 : memref<32x128xf32, #tpu.memory_space<hbm>>) target(%dma_start3A_276 : memref<32x128xf32, #tpu.memory_space<vmem>>) target_semaphore(%arg12 : memref<!tpu.dma_semaphore, #tpu.memory_space<semaphore_mem>>)
      %slice3A_279 = vector.extract_strided_slice %get3A_17 {offsets = [7], sizes = [1], strides = [1]} : vector<16xi32> to vector<1xi32>
      %squeeze3A_280 = vector.extract %slice3A_279[0] : i32 from vector<1xi32>
      %jit3A_281 = arith.constant 128 : i32
      %div3A_282 = arith.divsi %squeeze3A_280, %jit3A_281 : i32
      %sign3A_283 = arith.constant 0 : i32
      %sign3A_284 = arith.cmpi sgt, %squeeze3A_280, %sign3A_283 : i32
      %sign3A_285 = arith.extui %sign3A_284 : i1 to i32
      %sign3A_286 = arith.constant 0 : i32
      %sign3A_287 = arith.cmpi slt, %squeeze3A_280, %sign3A_286 : i32
      %sign3A_288 = arith.extui %sign3A_287 : i1 to i32
      %sign3A_289 = arith.subi %sign3A_285, %sign3A_288 : i32
      %sign3A_290 = arith.constant 0 : i32
      %sign3A_291 = arith.cmpi sgt, %jit3A_281, %sign3A_290 : i32
      %sign3A_292 = arith.extui %sign3A_291 : i1 to i32
      %sign3A_293 = arith.constant 0 : i32
      %sign3A_294 = arith.cmpi slt, %jit3A_281, %sign3A_293 : i32
      %sign3A_295 = arith.extui %sign3A_294 : i1 to i32
      %sign3A_296 = arith.subi %sign3A_292, %sign3A_295 : i32
      %ne3A_297 = arith.cmpi ne, %sign3A_289, %sign3A_296 : i32
      %rem3A_298 = arith.remsi %squeeze3A_280, %jit3A_281 : i32
      %ne3A_299 = arith.constant 0 : i32
      %ne3A_300 = arith.cmpi ne, %rem3A_298, %ne3A_299 : i32
      %and3A_301 = arith.andi %ne3A_297, %ne3A_300 : i1
      %sub3A_302 = arith.constant 1 : i32
      %sub3A_303 = arith.subi %div3A_282, %sub3A_302 : i32
      %select_n3A_304 = arith.select %and3A_301, %sub3A_303, %div3A_282 : i32
      %mul3A_305 = arith.constant 128 : i32
      %mul3A_306 = arith.muli %select_n3A_304, %mul3A_305 : i32
      %multiple_of3A_307 = tpu.assume_multiple %mul3A_306, 128 : i32
      %dma_start3A_308 = arith.constant 0 : i32
      %dma_start3A_309 = arith.constant 896 : i32
      %dma_start3A_310 = tpu.memref_slice %arg9[%dma_start3A_308, %dma_start3A_309] : memref<32x2048xf32, #tpu.memory_space<vmem>> -> memref<32x128xf32, #tpu.memory_space<vmem>>
      %dma_start3A_311 = arith.constant 0 : i32
      %dma_start3A_312 = tpu.memref_slice %arg4[%dma_start3A_311, %multiple_of3A_307] : memref<32x1000000xf32, #tpu.memory_space<hbm>> -> memref<32x128xf32, #tpu.memory_space<hbm>>
      %dma_start3A_313 = arith.constant 0 : i32
      %dma_start3A_314 = arith.constant 896 : i32
      %dma_start3A_315 = tpu.memref_slice %arg9[%dma_start3A_313, %dma_start3A_314] : memref<32x2048xf32, #tpu.memory_space<vmem>> -> memref<32x128xf32, #tpu.memory_space<vmem>>
      %dma_start3A_316 = arith.constant 0 : i32
      %dma_start3A_317 = tpu.memref_slice %arg4[%dma_start3A_316, %multiple_of3A_307] : memref<32x1000000xf32, #tpu.memory_space<hbm>> -> memref<32x128xf32, #tpu.memory_space<hbm>>
      tpu.enqueue_dma source(%dma_start3A_317 : memref<32x128xf32, #tpu.memory_space<hbm>>) target(%dma_start3A_315 : memref<32x128xf32, #tpu.memory_space<vmem>>) target_semaphore(%arg12 : memref<!tpu.dma_semaphore, #tpu.memory_space<semaphore_mem>>)
      %slice3A_318 = vector.extract_strided_slice %get3A_17 {offsets = [8], sizes = [1], strides = [1]} : vector<16xi32> to vector<1xi32>
      %squeeze3A_319 = vector.extract %slice3A_318[0] : i32 from vector<1xi32>
      %jit3A_320 = arith.constant 128 : i32
      %div3A_321 = arith.divsi %squeeze3A_319, %jit3A_320 : i32
      %sign3A_322 = arith.constant 0 : i32
      %sign3A_323 = arith.cmpi sgt, %squeeze3A_319, %sign3A_322 : i32
      %sign3A_324 = arith.extui %sign3A_323 : i1 to i32
      %sign3A_325 = arith.constant 0 : i32
      %sign3A_326 = arith.cmpi slt, %squeeze3A_319, %sign3A_325 : i32
      %sign3A_327 = arith.extui %sign3A_326 : i1 to i32
      %sign3A_328 = arith.subi %sign3A_324, %sign3A_327 : i32
      %sign3A_329 = arith.constant 0 : i32
      %sign3A_330 = arith.cmpi sgt, %jit3A_320, %sign3A_329 : i32
      %sign3A_331 = arith.extui %sign3A_330 : i1 to i32
      %sign3A_332 = arith.constant 0 : i32
      %sign3A_333 = arith.cmpi slt, %jit3A_320, %sign3A_332 : i32
      %sign3A_334 = arith.extui %sign3A_333 : i1 to i32
      %sign3A_335 = arith.subi %sign3A_331, %sign3A_334 : i32
      %ne3A_336 = arith.cmpi ne, %sign3A_328, %sign3A_335 : i32
      %rem3A_337 = arith.remsi %squeeze3A_319, %jit3A_320 : i32
      %ne3A_338 = arith.constant 0 : i32
      %ne3A_339 = arith.cmpi ne, %rem3A_337, %ne3A_338 : i32
      %and3A_340 = arith.andi %ne3A_336, %ne3A_339 : i1
      %sub3A_341 = arith.constant 1 : i32
      %sub3A_342 = arith.subi %div3A_321, %sub3A_341 : i32
      %select_n3A_343 = arith.select %and3A_340, %sub3A_342, %div3A_321 : i32
      %mul3A_344 = arith.constant 128 : i32
      %mul3A_345 = arith.muli %select_n3A_343, %mul3A_344 : i32
      %multiple_of3A_346 = tpu.assume_multiple %mul3A_345, 128 : i32
      %dma_start3A_347 = arith.constant 0 : i32
      %dma_start3A_348 = arith.constant 1024 : i32
      %dma_start3A_349 = tpu.memref_slice %arg9[%dma_start3A_347, %dma_start3A_348] : memref<32x2048xf32, #tpu.memory_space<vmem>> -> memref<32x128xf32, #tpu.memory_space<vmem>>
      %dma_start3A_350 = arith.constant 0 : i32
      %dma_start3A_351 = tpu.memref_slice %arg4[%dma_start3A_350, %multiple_of3A_346] : memref<32x1000000xf32, #tpu.memory_space<hbm>> -> memref<32x128xf32, #tpu.memory_space<hbm>>
      %dma_start3A_352 = arith.constant 0 : i32
      %dma_start3A_353 = arith.constant 1024 : i32
      %dma_start3A_354 = tpu.memref_slice %arg9[%dma_start3A_352, %dma_start3A_353] : memref<32x2048xf32, #tpu.memory_space<vmem>> -> memref<32x128xf32, #tpu.memory_space<vmem>>
      %dma_start3A_355 = arith.constant 0 : i32
      %dma_start3A_356 = tpu.memref_slice %arg4[%dma_start3A_355, %multiple_of3A_346] : memref<32x1000000xf32, #tpu.memory_space<hbm>> -> memref<32x128xf32, #tpu.memory_space<hbm>>
      tpu.enqueue_dma source(%dma_start3A_356 : memref<32x128xf32, #tpu.memory_space<hbm>>) target(%dma_start3A_354 : memref<32x128xf32, #tpu.memory_space<vmem>>) target_semaphore(%arg12 : memref<!tpu.dma_semaphore, #tpu.memory_space<semaphore_mem>>)
      %slice3A_357 = vector.extract_strided_slice %get3A_17 {offsets = [9], sizes = [1], strides = [1]} : vector<16xi32> to vector<1xi32>
      %squeeze3A_358 = vector.extract %slice3A_357[0] : i32 from vector<1xi32>
      %jit3A_359 = arith.constant 128 : i32
      %div3A_360 = arith.divsi %squeeze3A_358, %jit3A_359 : i32
      %sign3A_361 = arith.constant 0 : i32
      %sign3A_362 = arith.cmpi sgt, %squeeze3A_358, %sign3A_361 : i32
      %sign3A_363 = arith.extui %sign3A_362 : i1 to i32
      %sign3A_364 = arith.constant 0 : i32
      %sign3A_365 = arith.cmpi slt, %squeeze3A_358, %sign3A_364 : i32
      %sign3A_366 = arith.extui %sign3A_365 : i1 to i32
      %sign3A_367 = arith.subi %sign3A_363, %sign3A_366 : i32
      %sign3A_368 = arith.constant 0 : i32
      %sign3A_369 = arith.cmpi sgt, %jit3A_359, %sign3A_368 : i32
      %sign3A_370 = arith.extui %sign3A_369 : i1 to i32
      %sign3A_371 = arith.constant 0 : i32
      %sign3A_372 = arith.cmpi slt, %jit3A_359, %sign3A_371 : i32
      %sign3A_373 = arith.extui %sign3A_372 : i1 to i32
      %sign3A_374 = arith.subi %sign3A_370, %sign3A_373 : i32
      %ne3A_375 = arith.cmpi ne, %sign3A_367, %sign3A_374 : i32
      %rem3A_376 = arith.remsi %squeeze3A_358, %jit3A_359 : i32
      %ne3A_377 = arith.constant 0 : i32
      %ne3A_378 = arith.cmpi ne, %rem3A_376, %ne3A_377 : i32
      %and3A_379 = arith.andi %ne3A_375, %ne3A_378 : i1
      %sub3A_380 = arith.constant 1 : i32
      %sub3A_381 = arith.subi %div3A_360, %sub3A_380 : i32
      %select_n3A_382 = arith.select %and3A_379, %sub3A_381, %div3A_360 : i32
      %mul3A_383 = arith.constant 128 : i32
      %mul3A_384 = arith.muli %select_n3A_382, %mul3A_383 : i32
      %multiple_of3A_385 = tpu.assume_multiple %mul3A_384, 128 : i32
      %dma_start3A_386 = arith.constant 0 : i32
      %dma_start3A_387 = arith.constant 1152 : i32
      %dma_start3A_388 = tpu.memref_slice %arg9[%dma_start3A_386, %dma_start3A_387] : memref<32x2048xf32, #tpu.memory_space<vmem>> -> memref<32x128xf32, #tpu.memory_space<vmem>>
      %dma_start3A_389 = arith.constant 0 : i32
      %dma_start3A_390 = tpu.memref_slice %arg4[%dma_start3A_389, %multiple_of3A_385] : memref<32x1000000xf32, #tpu.memory_space<hbm>> -> memref<32x128xf32, #tpu.memory_space<hbm>>
      %dma_start3A_391 = arith.constant 0 : i32
      %dma_start3A_392 = arith.constant 1152 : i32
      %dma_start3A_393 = tpu.memref_slice %arg9[%dma_start3A_391, %dma_start3A_392] : memref<32x2048xf32, #tpu.memory_space<vmem>> -> memref<32x128xf32, #tpu.memory_space<vmem>>
      %dma_start3A_394 = arith.constant 0 : i32
      %dma_start3A_395 = tpu.memref_slice %arg4[%dma_start3A_394, %multiple_of3A_385] : memref<32x1000000xf32, #tpu.memory_space<hbm>> -> memref<32x128xf32, #tpu.memory_space<hbm>>
      tpu.enqueue_dma source(%dma_start3A_395 : memref<32x128xf32, #tpu.memory_space<hbm>>) target(%dma_start3A_393 : memref<32x128xf32, #tpu.memory_space<vmem>>) target_semaphore(%arg12 : memref<!tpu.dma_semaphore, #tpu.memory_space<semaphore_mem>>)
      %slice3A_396 = vector.extract_strided_slice %get3A_17 {offsets = [10], sizes = [1], strides = [1]} : vector<16xi32> to vector<1xi32>
      %squeeze3A_397 = vector.extract %slice3A_396[0] : i32 from vector<1xi32>
      %jit3A_398 = arith.constant 128 : i32
      %div3A_399 = arith.divsi %squeeze3A_397, %jit3A_398 : i32
      %sign3A_400 = arith.constant 0 : i32
      %sign3A_401 = arith.cmpi sgt, %squeeze3A_397, %sign3A_400 : i32
      %sign3A_402 = arith.extui %sign3A_401 : i1 to i32
      %sign3A_403 = arith.constant 0 : i32
      %sign3A_404 = arith.cmpi slt, %squeeze3A_397, %sign3A_403 : i32
      %sign3A_405 = arith.extui %sign3A_404 : i1 to i32
      %sign3A_406 = arith.subi %sign3A_402, %sign3A_405 : i32
      %sign3A_407 = arith.constant 0 : i32
      %sign3A_408 = arith.cmpi sgt, %jit3A_398, %sign3A_407 : i32
      %sign3A_409 = arith.extui %sign3A_408 : i1 to i32
      %sign3A_410 = arith.constant 0 : i32
      %sign3A_411 = arith.cmpi slt, %jit3A_398, %sign3A_410 : i32
      %sign3A_412 = arith.extui %sign3A_411 : i1 to i32
      %sign3A_413 = arith.subi %sign3A_409, %sign3A_412 : i32
      %ne3A_414 = arith.cmpi ne, %sign3A_406, %sign3A_413 : i32
      %rem3A_415 = arith.remsi %squeeze3A_397, %jit3A_398 : i32
      %ne3A_416 = arith.constant 0 : i32
      %ne3A_417 = arith.cmpi ne, %rem3A_415, %ne3A_416 : i32
      %and3A_418 = arith.andi %ne3A_414, %ne3A_417 : i1
      %sub3A_419 = arith.constant 1 : i32
      %sub3A_420 = arith.subi %div3A_399, %sub3A_419 : i32
      %select_n3A_421 = arith.select %and3A_418, %sub3A_420, %div3A_399 : i32
      %mul3A_422 = arith.constant 128 : i32
      %mul3A_423 = arith.muli %select_n3A_421, %mul3A_422 : i32
      %multiple_of3A_424 = tpu.assume_multiple %mul3A_423, 128 : i32
      %dma_start3A_425 = arith.constant 0 : i32
      %dma_start3A_426 = arith.constant 1280 : i32
      %dma_start3A_427 = tpu.memref_slice %arg9[%dma_start3A_425, %dma_start3A_426] : memref<32x2048xf32, #tpu.memory_space<vmem>> -> memref<32x128xf32, #tpu.memory_space<vmem>>
      %dma_start3A_428 = arith.constant 0 : i32
      %dma_start3A_429 = tpu.memref_slice %arg4[%dma_start3A_428, %multiple_of3A_424] : memref<32x1000000xf32, #tpu.memory_space<hbm>> -> memref<32x128xf32, #tpu.memory_space<hbm>>
      %dma_start3A_430 = arith.constant 0 : i32
      %dma_start3A_431 = arith.constant 1280 : i32
      %dma_start3A_432 = tpu.memref_slice %arg9[%dma_start3A_430, %dma_start3A_431] : memref<32x2048xf32, #tpu.memory_space<vmem>> -> memref<32x128xf32, #tpu.memory_space<vmem>>
      %dma_start3A_433 = arith.constant 0 : i32
      %dma_start3A_434 = tpu.memref_slice %arg4[%dma_start3A_433, %multiple_of3A_424] : memref<32x1000000xf32, #tpu.memory_space<hbm>> -> memref<32x128xf32, #tpu.memory_space<hbm>>
      tpu.enqueue_dma source(%dma_start3A_434 : memref<32x128xf32, #tpu.memory_space<hbm>>) target(%dma_start3A_432 : memref<32x128xf32, #tpu.memory_space<vmem>>) target_semaphore(%arg12 : memref<!tpu.dma_semaphore, #tpu.memory_space<semaphore_mem>>)
      %slice3A_435 = vector.extract_strided_slice %get3A_17 {offsets = [11], sizes = [1], strides = [1]} : vector<16xi32> to vector<1xi32>
      %squeeze3A_436 = vector.extract %slice3A_435[0] : i32 from vector<1xi32>
      %jit3A_437 = arith.constant 128 : i32
      %div3A_438 = arith.divsi %squeeze3A_436, %jit3A_437 : i32
      %sign3A_439 = arith.constant 0 : i32
      %sign3A_440 = arith.cmpi sgt, %squeeze3A_436, %sign3A_439 : i32
      %sign3A_441 = arith.extui %sign3A_440 : i1 to i32
      %sign3A_442 = arith.constant 0 : i32
      %sign3A_443 = arith.cmpi slt, %squeeze3A_436, %sign3A_442 : i32
      %sign3A_444 = arith.extui %sign3A_443 : i1 to i32
      %sign3A_445 = arith.subi %sign3A_441, %sign3A_444 : i32
      %sign3A_446 = arith.constant 0 : i32
      %sign3A_447 = arith.cmpi sgt, %jit3A_437, %sign3A_446 : i32
      %sign3A_448 = arith.extui %sign3A_447 : i1 to i32
      %sign3A_449 = arith.constant 0 : i32
      %sign3A_450 = arith.cmpi slt, %jit3A_437, %sign3A_449 : i32
      %sign3A_451 = arith.extui %sign3A_450 : i1 to i32
      %sign3A_452 = arith.subi %sign3A_448, %sign3A_451 : i32
      %ne3A_453 = arith.cmpi ne, %sign3A_445, %sign3A_452 : i32
      %rem3A_454 = arith.remsi %squeeze3A_436, %jit3A_437 : i32
      %ne3A_455 = arith.constant 0 : i32
      %ne3A_456 = arith.cmpi ne, %rem3A_454, %ne3A_455 : i32
      %and3A_457 = arith.andi %ne3A_453, %ne3A_456 : i1
      %sub3A_458 = arith.constant 1 : i32
      %sub3A_459 = arith.subi %div3A_438, %sub3A_458 : i32
      %select_n3A_460 = arith.select %and3A_457, %sub3A_459, %div3A_438 : i32
      %mul3A_461 = arith.constant 128 : i32
      %mul3A_462 = arith.muli %select_n3A_460, %mul3A_461 : i32
      %multiple_of3A_463 = tpu.assume_multiple %mul3A_462, 128 : i32
      %dma_start3A_464 = arith.constant 0 : i32
      %dma_start3A_465 = arith.constant 1408 : i32
      %dma_start3A_466 = tpu.memref_slice %arg9[%dma_start3A_464, %dma_start3A_465] : memref<32x2048xf32, #tpu.memory_space<vmem>> -> memref<32x128xf32, #tpu.memory_space<vmem>>
      %dma_start3A_467 = arith.constant 0 : i32
      %dma_start3A_468 = tpu.memref_slice %arg4[%dma_start3A_467, %multiple_of3A_463] : memref<32x1000000xf32, #tpu.memory_space<hbm>> -> memref<32x128xf32, #tpu.memory_space<hbm>>
      %dma_start3A_469 = arith.constant 0 : i32
      %dma_start3A_470 = arith.constant 1408 : i32
      %dma_start3A_471 = tpu.memref_slice %arg9[%dma_start3A_469, %dma_start3A_470] : memref<32x2048xf32, #tpu.memory_space<vmem>> -> memref<32x128xf32, #tpu.memory_space<vmem>>
      %dma_start3A_472 = arith.constant 0 : i32
      %dma_start3A_473 = tpu.memref_slice %arg4[%dma_start3A_472, %multiple_of3A_463] : memref<32x1000000xf32, #tpu.memory_space<hbm>> -> memref<32x128xf32, #tpu.memory_space<hbm>>
      tpu.enqueue_dma source(%dma_start3A_473 : memref<32x128xf32, #tpu.memory_space<hbm>>) target(%dma_start3A_471 : memref<32x128xf32, #tpu.memory_space<vmem>>) target_semaphore(%arg12 : memref<!tpu.dma_semaphore, #tpu.memory_space<semaphore_mem>>)
      %slice3A_474 = vector.extract_strided_slice %get3A_17 {offsets = [12], sizes = [1], strides = [1]} : vector<16xi32> to vector<1xi32>
      %squeeze3A_475 = vector.extract %slice3A_474[0] : i32 from vector<1xi32>
      %jit3A_476 = arith.constant 128 : i32
      %div3A_477 = arith.divsi %squeeze3A_475, %jit3A_476 : i32
      %sign3A_478 = arith.constant 0 : i32
      %sign3A_479 = arith.cmpi sgt, %squeeze3A_475, %sign3A_478 : i32
      %sign3A_480 = arith.extui %sign3A_479 : i1 to i32
      %sign3A_481 = arith.constant 0 : i32
      %sign3A_482 = arith.cmpi slt, %squeeze3A_475, %sign3A_481 : i32
      %sign3A_483 = arith.extui %sign3A_482 : i1 to i32
      %sign3A_484 = arith.subi %sign3A_480, %sign3A_483 : i32
      %sign3A_485 = arith.constant 0 : i32
      %sign3A_486 = arith.cmpi sgt, %jit3A_476, %sign3A_485 : i32
      %sign3A_487 = arith.extui %sign3A_486 : i1 to i32
      %sign3A_488 = arith.constant 0 : i32
      %sign3A_489 = arith.cmpi slt, %jit3A_476, %sign3A_488 : i32
      %sign3A_490 = arith.extui %sign3A_489 : i1 to i32
      %sign3A_491 = arith.subi %sign3A_487, %sign3A_490 : i32
      %ne3A_492 = arith.cmpi ne, %sign3A_484, %sign3A_491 : i32
      %rem3A_493 = arith.remsi %squeeze3A_475, %jit3A_476 : i32
      %ne3A_494 = arith.constant 0 : i32
      %ne3A_495 = arith.cmpi ne, %rem3A_493, %ne3A_494 : i32
      %and3A_496 = arith.andi %ne3A_492, %ne3A_495 : i1
      %sub3A_497 = arith.constant 1 : i32
      %sub3A_498 = arith.subi %div3A_477, %sub3A_497 : i32
      %select_n3A_499 = arith.select %and3A_496, %sub3A_498, %div3A_477 : i32
      %mul3A_500 = arith.constant 128 : i32
      %mul3A_501 = arith.muli %select_n3A_499, %mul3A_500 : i32
      %multiple_of3A_502 = tpu.assume_multiple %mul3A_501, 128 : i32
      %dma_start3A_503 = arith.constant 0 : i32
      %dma_start3A_504 = arith.constant 1536 : i32
      %dma_start3A_505 = tpu.memref_slice %arg9[%dma_start3A_503, %dma_start3A_504] : memref<32x2048xf32, #tpu.memory_space<vmem>> -> memref<32x128xf32, #tpu.memory_space<vmem>>
      %dma_start3A_506 = arith.constant 0 : i32
      %dma_start3A_507 = tpu.memref_slice %arg4[%dma_start3A_506, %multiple_of3A_502] : memref<32x1000000xf32, #tpu.memory_space<hbm>> -> memref<32x128xf32, #tpu.memory_space<hbm>>
      %dma_start3A_508 = arith.constant 0 : i32
      %dma_start3A_509 = arith.constant 1536 : i32
      %dma_start3A_510 = tpu.memref_slice %arg9[%dma_start3A_508, %dma_start3A_509] : memref<32x2048xf32, #tpu.memory_space<vmem>> -> memref<32x128xf32, #tpu.memory_space<vmem>>
      %dma_start3A_511 = arith.constant 0 : i32
      %dma_start3A_512 = tpu.memref_slice %arg4[%dma_start3A_511, %multiple_of3A_502] : memref<32x1000000xf32, #tpu.memory_space<hbm>> -> memref<32x128xf32, #tpu.memory_space<hbm>>
      tpu.enqueue_dma source(%dma_start3A_512 : memref<32x128xf32, #tpu.memory_space<hbm>>) target(%dma_start3A_510 : memref<32x128xf32, #tpu.memory_space<vmem>>) target_semaphore(%arg12 : memref<!tpu.dma_semaphore, #tpu.memory_space<semaphore_mem>>)
      %slice3A_513 = vector.extract_strided_slice %get3A_17 {offsets = [13], sizes = [1], strides = [1]} : vector<16xi32> to vector<1xi32>
      %squeeze3A_514 = vector.extract %slice3A_513[0] : i32 from vector<1xi32>
      %jit3A_515 = arith.constant 128 : i32
      %div3A_516 = arith.divsi %squeeze3A_514, %jit3A_515 : i32
      %sign3A_517 = arith.constant 0 : i32
      %sign3A_518 = arith.cmpi sgt, %squeeze3A_514, %sign3A_517 : i32
      %sign3A_519 = arith.extui %sign3A_518 : i1 to i32
      %sign3A_520 = arith.constant 0 : i32
      %sign3A_521 = arith.cmpi slt, %squeeze3A_514, %sign3A_520 : i32
      %sign3A_522 = arith.extui %sign3A_521 : i1 to i32
      %sign3A_523 = arith.subi %sign3A_519, %sign3A_522 : i32
      %sign3A_524 = arith.constant 0 : i32
      %sign3A_525 = arith.cmpi sgt, %jit3A_515, %sign3A_524 : i32
      %sign3A_526 = arith.extui %sign3A_525 : i1 to i32
      %sign3A_527 = arith.constant 0 : i32
      %sign3A_528 = arith.cmpi slt, %jit3A_515, %sign3A_527 : i32
      %sign3A_529 = arith.extui %sign3A_528 : i1 to i32
      %sign3A_530 = arith.subi %sign3A_526, %sign3A_529 : i32
      %ne3A_531 = arith.cmpi ne, %sign3A_523, %sign3A_530 : i32
      %rem3A_532 = arith.remsi %squeeze3A_514, %jit3A_515 : i32
      %ne3A_533 = arith.constant 0 : i32
      %ne3A_534 = arith.cmpi ne, %rem3A_532, %ne3A_533 : i32
      %and3A_535 = arith.andi %ne3A_531, %ne3A_534 : i1
      %sub3A_536 = arith.constant 1 : i32
      %sub3A_537 = arith.subi %div3A_516, %sub3A_536 : i32
      %select_n3A_538 = arith.select %and3A_535, %sub3A_537, %div3A_516 : i32
      %mul3A_539 = arith.constant 128 : i32
      %mul3A_540 = arith.muli %select_n3A_538, %mul3A_539 : i32
      %multiple_of3A_541 = tpu.assume_multiple %mul3A_540, 128 : i32
      %dma_start3A_542 = arith.constant 0 : i32
      %dma_start3A_543 = arith.constant 1664 : i32
      %dma_start3A_544 = tpu.memref_slice %arg9[%dma_start3A_542, %dma_start3A_543] : memref<32x2048xf32, #tpu.memory_space<vmem>> -> memref<32x128xf32, #tpu.memory_space<vmem>>
      %dma_start3A_545 = arith.constant 0 : i32
      %dma_start3A_546 = tpu.memref_slice %arg4[%dma_start3A_545, %multiple_of3A_541] : memref<32x1000000xf32, #tpu.memory_space<hbm>> -> memref<32x128xf32, #tpu.memory_space<hbm>>
      %dma_start3A_547 = arith.constant 0 : i32
      %dma_start3A_548 = arith.constant 1664 : i32
      %dma_start3A_549 = tpu.memref_slice %arg9[%dma_start3A_547, %dma_start3A_548] : memref<32x2048xf32, #tpu.memory_space<vmem>> -> memref<32x128xf32, #tpu.memory_space<vmem>>
      %dma_start3A_550 = arith.constant 0 : i32
      %dma_start3A_551 = tpu.memref_slice %arg4[%dma_start3A_550, %multiple_of3A_541] : memref<32x1000000xf32, #tpu.memory_space<hbm>> -> memref<32x128xf32, #tpu.memory_space<hbm>>
      tpu.enqueue_dma source(%dma_start3A_551 : memref<32x128xf32, #tpu.memory_space<hbm>>) target(%dma_start3A_549 : memref<32x128xf32, #tpu.memory_space<vmem>>) target_semaphore(%arg12 : memref<!tpu.dma_semaphore, #tpu.memory_space<semaphore_mem>>)
      %slice3A_552 = vector.extract_strided_slice %get3A_17 {offsets = [14], sizes = [1], strides = [1]} : vector<16xi32> to vector<1xi32>
      %squeeze3A_553 = vector.extract %slice3A_552[0] : i32 from vector<1xi32>
      %jit3A_554 = arith.constant 128 : i32
      %div3A_555 = arith.divsi %squeeze3A_553, %jit3A_554 : i32
      %sign3A_556 = arith.constant 0 : i32
      %sign3A_557 = arith.cmpi sgt, %squeeze3A_553, %sign3A_556 : i32
      %sign3A_558 = arith.extui %sign3A_557 : i1 to i32
      %sign3A_559 = arith.constant 0 : i32
      %sign3A_560 = arith.cmpi slt, %squeeze3A_553, %sign3A_559 : i32
      %sign3A_561 = arith.extui %sign3A_560 : i1 to i32
      %sign3A_562 = arith.subi %sign3A_558, %sign3A_561 : i32
      %sign3A_563 = arith.constant 0 : i32
      %sign3A_564 = arith.cmpi sgt, %jit3A_554, %sign3A_563 : i32
      %sign3A_565 = arith.extui %sign3A_564 : i1 to i32
      %sign3A_566 = arith.constant 0 : i32
      %sign3A_567 = arith.cmpi slt, %jit3A_554, %sign3A_566 : i32
      %sign3A_568 = arith.extui %sign3A_567 : i1 to i32
      %sign3A_569 = arith.subi %sign3A_565, %sign3A_568 : i32
      %ne3A_570 = arith.cmpi ne, %sign3A_562, %sign3A_569 : i32
      %rem3A_571 = arith.remsi %squeeze3A_553, %jit3A_554 : i32
      %ne3A_572 = arith.constant 0 : i32
      %ne3A_573 = arith.cmpi ne, %rem3A_571, %ne3A_572 : i32
      %and3A_574 = arith.andi %ne3A_570, %ne3A_573 : i1
      %sub3A_575 = arith.constant 1 : i32
      %sub3A_576 = arith.subi %div3A_555, %sub3A_575 : i32
      %select_n3A_577 = arith.select %and3A_574, %sub3A_576, %div3A_555 : i32
      %mul3A_578 = arith.constant 128 : i32
      %mul3A_579 = arith.muli %select_n3A_577, %mul3A_578 : i32
      %multiple_of3A_580 = tpu.assume_multiple %mul3A_579, 128 : i32
      %dma_start3A_581 = arith.constant 0 : i32
      %dma_start3A_582 = arith.constant 1792 : i32
      %dma_start3A_583 = tpu.memref_slice %arg9[%dma_start3A_581, %dma_start3A_582] : memref<32x2048xf32, #tpu.memory_space<vmem>> -> memref<32x128xf32, #tpu.memory_space<vmem>>
      %dma_start3A_584 = arith.constant 0 : i32
      %dma_start3A_585 = tpu.memref_slice %arg4[%dma_start3A_584, %multiple_of3A_580] : memref<32x1000000xf32, #tpu.memory_space<hbm>> -> memref<32x128xf32, #tpu.memory_space<hbm>>
      %dma_start3A_586 = arith.constant 0 : i32
      %dma_start3A_587 = arith.constant 1792 : i32
      %dma_start3A_588 = tpu.memref_slice %arg9[%dma_start3A_586, %dma_start3A_587] : memref<32x2048xf32, #tpu.memory_space<vmem>> -> memref<32x128xf32, #tpu.memory_space<vmem>>
      %dma_start3A_589 = arith.constant 0 : i32
      %dma_start3A_590 = tpu.memref_slice %arg4[%dma_start3A_589, %multiple_of3A_580] : memref<32x1000000xf32, #tpu.memory_space<hbm>> -> memref<32x128xf32, #tpu.memory_space<hbm>>
      tpu.enqueue_dma source(%dma_start3A_590 : memref<32x128xf32, #tpu.memory_space<hbm>>) target(%dma_start3A_588 : memref<32x128xf32, #tpu.memory_space<vmem>>) target_semaphore(%arg12 : memref<!tpu.dma_semaphore, #tpu.memory_space<semaphore_mem>>)
      %slice3A_591 = vector.extract_strided_slice %get3A_17 {offsets = [15], sizes = [1], strides = [1]} : vector<16xi32> to vector<1xi32>
      %squeeze3A_592 = vector.extract %slice3A_591[0] : i32 from vector<1xi32>
      %jit3A_593 = arith.constant 128 : i32
      %div3A_594 = arith.divsi %squeeze3A_592, %jit3A_593 : i32
      %sign3A_595 = arith.constant 0 : i32
      %sign3A_596 = arith.cmpi sgt, %squeeze3A_592, %sign3A_595 : i32
      %sign3A_597 = arith.extui %sign3A_596 : i1 to i32
      %sign3A_598 = arith.constant 0 : i32
      %sign3A_599 = arith.cmpi slt, %squeeze3A_592, %sign3A_598 : i32
      %sign3A_600 = arith.extui %sign3A_599 : i1 to i32
      %sign3A_601 = arith.subi %sign3A_597, %sign3A_600 : i32
      %sign3A_602 = arith.constant 0 : i32
      %sign3A_603 = arith.cmpi sgt, %jit3A_593, %sign3A_602 : i32
      %sign3A_604 = arith.extui %sign3A_603 : i1 to i32
      %sign3A_605 = arith.constant 0 : i32
      %sign3A_606 = arith.cmpi slt, %jit3A_593, %sign3A_605 : i32
      %sign3A_607 = arith.extui %sign3A_606 : i1 to i32
      %sign3A_608 = arith.subi %sign3A_604, %sign3A_607 : i32
      %ne3A_609 = arith.cmpi ne, %sign3A_601, %sign3A_608 : i32
      %rem3A_610 = arith.remsi %squeeze3A_592, %jit3A_593 : i32
      %ne3A_611 = arith.constant 0 : i32
      %ne3A_612 = arith.cmpi ne, %rem3A_610, %ne3A_611 : i32
      %and3A_613 = arith.andi %ne3A_609, %ne3A_612 : i1
      %sub3A_614 = arith.constant 1 : i32
      %sub3A_615 = arith.subi %div3A_594, %sub3A_614 : i32
      %select_n3A_616 = arith.select %and3A_613, %sub3A_615, %div3A_594 : i32
      %mul3A_617 = arith.constant 128 : i32
      %mul3A_618 = arith.muli %select_n3A_616, %mul3A_617 : i32
      %multiple_of3A_619 = tpu.assume_multiple %mul3A_618, 128 : i32
      %dma_start3A_620 = arith.constant 0 : i32
      %dma_start3A_621 = arith.constant 1920 : i32
      %dma_start3A_622 = tpu.memref_slice %arg9[%dma_start3A_620, %dma_start3A_621] : memref<32x2048xf32, #tpu.memory_space<vmem>> -> memref<32x128xf32, #tpu.memory_space<vmem>>
      %dma_start3A_623 = arith.constant 0 : i32
      %dma_start3A_624 = tpu.memref_slice %arg4[%dma_start3A_623, %multiple_of3A_619] : memref<32x1000000xf32, #tpu.memory_space<hbm>> -> memref<32x128xf32, #tpu.memory_space<hbm>>
      %dma_start3A_625 = arith.constant 0 : i32
      %dma_start3A_626 = arith.constant 1920 : i32
      %dma_start3A_627 = tpu.memref_slice %arg9[%dma_start3A_625, %dma_start3A_626] : memref<32x2048xf32, #tpu.memory_space<vmem>> -> memref<32x128xf32, #tpu.memory_space<vmem>>
      %dma_start3A_628 = arith.constant 0 : i32
      %dma_start3A_629 = tpu.memref_slice %arg4[%dma_start3A_628, %multiple_of3A_619] : memref<32x1000000xf32, #tpu.memory_space<hbm>> -> memref<32x128xf32, #tpu.memory_space<hbm>>
      tpu.enqueue_dma source(%dma_start3A_629 : memref<32x128xf32, #tpu.memory_space<hbm>>) target(%dma_start3A_627 : memref<32x128xf32, #tpu.memory_space<vmem>>) target_semaphore(%arg12 : memref<!tpu.dma_semaphore, #tpu.memory_space<semaphore_mem>>)
      %dma_wait3A = arith.constant 0 : i32
      %dma_wait3A_630 = arith.constant 0 : i32
      %dma_wait3A_631 = tpu.memref_slice %arg4[%dma_wait3A, %dma_wait3A_630] : memref<32x1000000xf32, #tpu.memory_space<hbm>> -> memref<32x2048xf32, #tpu.memory_space<hbm>>
      %dma_wait3A_632 = arith.constant 0 : i32
      %dma_wait3A_633 = arith.constant 0 : i32
      %dma_wait3A_634 = tpu.memref_slice %arg4[%dma_wait3A_632, %dma_wait3A_633] : memref<32x1000000xf32, #tpu.memory_space<hbm>> -> memref<32x2048xf32, #tpu.memory_space<hbm>>
      tpu.wait_dma2 semaphore(%arg12 : memref<!tpu.dma_semaphore, #tpu.memory_space<semaphore_mem>>) src(%dma_wait3A_634 : memref<32x2048xf32, #tpu.memory_space<hbm>>) dst(%arg9 : memref<32x2048xf32, #tpu.memory_space<vmem>>)
      %mul3A_635 = arith.constant 128 : i32
      %mul3A_636 = vector.broadcast %mul3A_635 : i32 to vector<16xi32>
      %mul3A_637 = arith.muli %iota3A, %mul3A_636 : vector<16xi32>
      %jit3A_638 = arith.constant 128 : i32
      %eq3A = arith.constant 0 : i32
      %eq3A_639 = arith.cmpi eq, %jit3A_638, %eq3A : i32
      %jit3A_640 = arith.constant 1 : i32
      %select_n3A_641 = arith.select %eq3A_639, %jit3A_640, %jit3A_638 : i32
      %rem3A_642 = vector.broadcast %select_n3A_641 : i32 to vector<16xi32>
      %rem3A_643 = arith.remsi %get3A_17, %rem3A_642 : vector<16xi32>
      %ne3A_644 = arith.constant 0 : i32
      %ne3A_645 = vector.broadcast %ne3A_644 : i32 to vector<16xi32>
      %ne3A_646 = arith.cmpi ne, %rem3A_643, %ne3A_645 : vector<16xi32>
      %lt3A = arith.constant 0 : i32
      %lt3A_647 = vector.broadcast %lt3A : i32 to vector<16xi32>
      %lt3A_648 = arith.cmpi slt, %rem3A_643, %lt3A_647 : vector<16xi32>
      %lt3A_649 = arith.constant 0 : i32
      %lt3A_650 = arith.cmpi slt, %select_n3A_641, %lt3A_649 : i32
      %ne3A_651 = vector.broadcast %lt3A_650 : i1 to vector<16xi1>
      %ne3A_652 = vector.broadcast %ne3A_651 : vector<16xi1> to vector<16xi1>
      %ne3A_653 = arith.xori %lt3A_648, %ne3A_652 : vector<16xi1>
      %and3A_654 = arith.andi %ne3A_653, %ne3A_646 : vector<16xi1>
      %add3A_655 = vector.broadcast %select_n3A_641 : i32 to vector<16xi32>
      %add3A_656 = arith.addi %rem3A_643, %add3A_655 : vector<16xi32>
      %select_n3A_657 = arith.select %and3A_654, %add3A_656, %rem3A_643 : vector<16xi1>, vector<16xi32>
      %add3A_658 = arith.addi %mul3A_637, %select_n3A_657 : vector<16xi32>
      %broadcast_in_dim3A = arith.constant 0 : i32
      %broadcast_in_dim3A_659 = vector.broadcast %broadcast_in_dim3A : i32 to vector<16xi32>
      %add3A_660 = arith.constant 0 : i32
      %add3A_661 = vector.broadcast %add3A_660 : i32 to vector<16xi32>
      %add3A_662 = arith.addi %broadcast_in_dim3A_659, %add3A_661 : vector<16xi32>
      %gather3A = tpu.vector_load_idx %arg9[%add3A_662, %add3A_658] : memref<32x2048xf32, #tpu.memory_space<vmem>>[vector<16xi32>, vector<16xi32>], vector<16xf32>,
      %mul3A_663 = arith.constant 32 : i32
      %mul3A_664 = arith.muli %scan3A_14, %mul3A_663 : i32
      %add3A_665 = arith.constant 0 : i32
      %add3A_666 = arith.addi %mul3A_664, %add3A_665 : i32
      %mul3A_667 = arith.constant 16 : i32
      %mul3A_668 = arith.muli %add3A_666, %mul3A_667 : i32
      %swap3A = arith.index_cast %mul3A_668 : i32 to index
      %swap3A_669 = tpu.vector_load %arg10[%swap3A] {strides = array<i32>} : memref<16384xf32, #tpu.memory_space<vmem>>, vector<16xf32>,
      tpu.vector_store %arg10[%swap3A], %gather3A {strides = array<i32>} : memref<16384xf32, #tpu.memory_space<vmem>>, vector<16xf32>,
      %broadcast_in_dim3A_670 = arith.constant 0 : i32
      %broadcast_in_dim3A_671 = vector.broadcast %broadcast_in_dim3A_670 : i32 to vector<16xi32>
      %add3A_672 = arith.constant 1 : i32
      %add3A_673 = vector.broadcast %add3A_672 : i32 to vector<16xi32>
      %add3A_674 = arith.addi %broadcast_in_dim3A_671, %add3A_673 : vector<16xi32>
      %gather3A_675 = tpu.vector_load_idx %arg9[%add3A_674, %add3A_658] : memref<32x2048xf32, #tpu.memory_space<vmem>>[vector<16xi32>, vector<16xi32>], vector<16xf32>,
      %mul3A_676 = arith.constant 32 : i32
      %mul3A_677 = arith.muli %scan3A_14, %mul3A_676 : i32
      %add3A_678 = arith.constant 1 : i32
      %add3A_679 = arith.addi %mul3A_677, %add3A_678 : i32
      %mul3A_680 = arith.constant 16 : i32
      %mul3A_681 = arith.muli %add3A_679, %mul3A_680 : i32
      %swap3A_682 = arith.index_cast %mul3A_681 : i32 to index
      %swap3A_683 = tpu.vector_load %arg10[%swap3A_682] {strides = array<i32>} : memref<16384xf32, #tpu.memory_space<vmem>>, vector<16xf32>,
      tpu.vector_store %arg10[%swap3A_682], %gather3A_675 {strides = array<i32>} : memref<16384xf32, #tpu.memory_space<vmem>>, vector<16xf32>,
      %broadcast_in_dim3A_684 = arith.constant 0 : i32
      %broadcast_in_dim3A_685 = vector.broadcast %broadcast_in_dim3A_684 : i32 to vector<16xi32>
      %add3A_686 = arith.constant 2 : i32
      %add3A_687 = vector.broadcast %add3A_686 : i32 to vector<16xi32>
      %add3A_688 = arith.addi %broadcast_in_dim3A_685, %add3A_687 : vector<16xi32>
      %gather3A_689 = tpu.vector_load_idx %arg9[%add3A_688, %add3A_658] : memref<32x2048xf32, #tpu.memory_space<vmem>>[vector<16xi32>, vector<16xi32>], vector<16xf32>,
      %mul3A_690 = arith.constant 32 : i32
      %mul3A_691 = arith.muli %scan3A_14, %mul3A_690 : i32
      %add3A_692 = arith.constant 2 : i32
      %add3A_693 = arith.addi %mul3A_691, %add3A_692 : i32
      %mul3A_694 = arith.constant 16 : i32
      %mul3A_695 = arith.muli %add3A_693, %mul3A_694 : i32
      %swap3A_696 = arith.index_cast %mul3A_695 : i32 to index
      %swap3A_697 = tpu.vector_load %arg10[%swap3A_696] {strides = array<i32>} : memref<16384xf32, #tpu.memory_space<vmem>>, vector<16xf32>,
      tpu.vector_store %arg10[%swap3A_696], %gather3A_689 {strides = array<i32>} : memref<16384xf32, #tpu.memory_space<vmem>>, vector<16xf32>,
      %broadcast_in_dim3A_698 = arith.constant 0 : i32
      %broadcast_in_dim3A_699 = vector.broadcast %broadcast_in_dim3A_698 : i32 to vector<16xi32>
      %add3A_700 = arith.constant 3 : i32
      %add3A_701 = vector.broadcast %add3A_700 : i32 to vector<16xi32>
      %add3A_702 = arith.addi %broadcast_in_dim3A_699, %add3A_701 : vector<16xi32>
      %gather3A_703 = tpu.vector_load_idx %arg9[%add3A_702, %add3A_658] : memref<32x2048xf32, #tpu.memory_space<vmem>>[vector<16xi32>, vector<16xi32>], vector<16xf32>,
      %mul3A_704 = arith.constant 32 : i32
      %mul3A_705 = arith.muli %scan3A_14, %mul3A_704 : i32
      %add3A_706 = arith.constant 3 : i32
      %add3A_707 = arith.addi %mul3A_705, %add3A_706 : i32
      %mul3A_708 = arith.constant 16 : i32
      %mul3A_709 = arith.muli %add3A_707, %mul3A_708 : i32
      %swap3A_710 = arith.index_cast %mul3A_709 : i32 to index
      %swap3A_711 = tpu.vector_load %arg10[%swap3A_710] {strides = array<i32>} : memref<16384xf32, #tpu.memory_space<vmem>>, vector<16xf32>,
      tpu.vector_store %arg10[%swap3A_710], %gather3A_703 {strides = array<i32>} : memref<16384xf32, #tpu.memory_space<vmem>>, vector<16xf32>,
      %broadcast_in_dim3A_712 = arith.constant 0 : i32
      %broadcast_in_dim3A_713 = vector.broadcast %broadcast_in_dim3A_712 : i32 to vector<16xi32>
      %add3A_714 = arith.constant 4 : i32
      %add3A_715 = vector.broadcast %add3A_714 : i32 to vector<16xi32>
      %add3A_716 = arith.addi %broadcast_in_dim3A_713, %add3A_715 : vector<16xi32>
      %gather3A_717 = tpu.vector_load_idx %arg9[%add3A_716, %add3A_658] : memref<32x2048xf32, #tpu.memory_space<vmem>>[vector<16xi32>, vector<16xi32>], vector<16xf32>,
      %mul3A_718 = arith.constant 32 : i32
      %mul3A_719 = arith.muli %scan3A_14, %mul3A_718 : i32
      %add3A_720 = arith.constant 4 : i32
      %add3A_721 = arith.addi %mul3A_719, %add3A_720 : i32
      %mul3A_722 = arith.constant 16 : i32
      %mul3A_723 = arith.muli %add3A_721, %mul3A_722 : i32
      %swap3A_724 = arith.index_cast %mul3A_723 : i32 to index
      %swap3A_725 = tpu.vector_load %arg10[%swap3A_724] {strides = array<i32>} : memref<16384xf32, #tpu.memory_space<vmem>>, vector<16xf32>,
      tpu.vector_store %arg10[%swap3A_724], %gather3A_717 {strides = array<i32>} : memref<16384xf32, #tpu.memory_space<vmem>>, vector<16xf32>,
      %broadcast_in_dim3A_726 = arith.constant 0 : i32
      %broadcast_in_dim3A_727 = vector.broadcast %broadcast_in_dim3A_726 : i32 to vector<16xi32>
      %add3A_728 = arith.constant 5 : i32
      %add3A_729 = vector.broadcast %add3A_728 : i32 to vector<16xi32>
      %add3A_730 = arith.addi %broadcast_in_dim3A_727, %add3A_729 : vector<16xi32>
      %gather3A_731 = tpu.vector_load_idx %arg9[%add3A_730, %add3A_658] : memref<32x2048xf32, #tpu.memory_space<vmem>>[vector<16xi32>, vector<16xi32>], vector<16xf32>,
      %mul3A_732 = arith.constant 32 : i32
      %mul3A_733 = arith.muli %scan3A_14, %mul3A_732 : i32
      %add3A_734 = arith.constant 5 : i32
      %add3A_735 = arith.addi %mul3A_733, %add3A_734 : i32
      %mul3A_736 = arith.constant 16 : i32
      %mul3A_737 = arith.muli %add3A_735, %mul3A_736 : i32
      %swap3A_738 = arith.index_cast %mul3A_737 : i32 to index
      %swap3A_739 = tpu.vector_load %arg10[%swap3A_738] {strides = array<i32>} : memref<16384xf32, #tpu.memory_space<vmem>>, vector<16xf32>,
      tpu.vector_store %arg10[%swap3A_738], %gather3A_731 {strides = array<i32>} : memref<16384xf32, #tpu.memory_space<vmem>>, vector<16xf32>,
      %broadcast_in_dim3A_740 = arith.constant 0 : i32
      %broadcast_in_dim3A_741 = vector.broadcast %broadcast_in_dim3A_740 : i32 to vector<16xi32>
      %add3A_742 = arith.constant 6 : i32
      %add3A_743 = vector.broadcast %add3A_742 : i32 to vector<16xi32>
      %add3A_744 = arith.addi %broadcast_in_dim3A_741, %add3A_743 : vector<16xi32>
      %gather3A_745 = tpu.vector_load_idx %arg9[%add3A_744, %add3A_658] : memref<32x2048xf32, #tpu.memory_space<vmem>>[vector<16xi32>, vector<16xi32>], vector<16xf32>,
      %mul3A_746 = arith.constant 32 : i32
      %mul3A_747 = arith.muli %scan3A_14, %mul3A_746 : i32
      %add3A_748 = arith.constant 6 : i32
      %add3A_749 = arith.addi %mul3A_747, %add3A_748 : i32
      %mul3A_750 = arith.constant 16 : i32
      %mul3A_751 = arith.muli %add3A_749, %mul3A_750 : i32
      %swap3A_752 = arith.index_cast %mul3A_751 : i32 to index
      %swap3A_753 = tpu.vector_load %arg10[%swap3A_752] {strides = array<i32>} : memref<16384xf32, #tpu.memory_space<vmem>>, vector<16xf32>,
      tpu.vector_store %arg10[%swap3A_752], %gather3A_745 {strides = array<i32>} : memref<16384xf32, #tpu.memory_space<vmem>>, vector<16xf32>,
      %broadcast_in_dim3A_754 = arith.constant 0 : i32
      %broadcast_in_dim3A_755 = vector.broadcast %broadcast_in_dim3A_754 : i32 to vector<16xi32>
      %add3A_756 = arith.constant 7 : i32
      %add3A_757 = vector.broadcast %add3A_756 : i32 to vector<16xi32>
      %add3A_758 = arith.addi %broadcast_in_dim3A_755, %add3A_757 : vector<16xi32>
      %gather3A_759 = tpu.vector_load_idx %arg9[%add3A_758, %add3A_658] : memref<32x2048xf32, #tpu.memory_space<vmem>>[vector<16xi32>, vector<16xi32>], vector<16xf32>,
      %mul3A_760 = arith.constant 32 : i32
      %mul3A_761 = arith.muli %scan3A_14, %mul3A_760 : i32
      %add3A_762 = arith.constant 7 : i32
      %add3A_763 = arith.addi %mul3A_761, %add3A_762 : i32
      %mul3A_764 = arith.constant 16 : i32
      %mul3A_765 = arith.muli %add3A_763, %mul3A_764 : i32
      %swap3A_766 = arith.index_cast %mul3A_765 : i32 to index
      %swap3A_767 = tpu.vector_load %arg10[%swap3A_766] {strides = array<i32>} : memref<16384xf32, #tpu.memory_space<vmem>>, vector<16xf32>,
      tpu.vector_store %arg10[%swap3A_766], %gather3A_759 {strides = array<i32>} : memref<16384xf32, #tpu.memory_space<vmem>>, vector<16xf32>,
      %broadcast_in_dim3A_768 = arith.constant 0 : i32
      %broadcast_in_dim3A_769 = vector.broadcast %broadcast_in_dim3A_768 : i32 to vector<16xi32>
      %add3A_770 = arith.constant 8 : i32
      %add3A_771 = vector.broadcast %add3A_770 : i32 to vector<16xi32>
      %add3A_772 = arith.addi %broadcast_in_dim3A_769, %add3A_771 : vector<16xi32>
      %gather3A_773 = tpu.vector_load_idx %arg9[%add3A_772, %add3A_658] : memref<32x2048xf32, #tpu.memory_space<vmem>>[vector<16xi32>, vector<16xi32>], vector<16xf32>,
      %mul3A_774 = arith.constant 32 : i32
      %mul3A_775 = arith.muli %scan3A_14, %mul3A_774 : i32
      %add3A_776 = arith.constant 8 : i32
      %add3A_777 = arith.addi %mul3A_775, %add3A_776 : i32
      %mul3A_778 = arith.constant 16 : i32
      %mul3A_779 = arith.muli %add3A_777, %mul3A_778 : i32
      %swap3A_780 = arith.index_cast %mul3A_779 : i32 to index
      %swap3A_781 = tpu.vector_load %arg10[%swap3A_780] {strides = array<i32>} : memref<16384xf32, #tpu.memory_space<vmem>>, vector<16xf32>,
      tpu.vector_store %arg10[%swap3A_780], %gather3A_773 {strides = array<i32>} : memref<16384xf32, #tpu.memory_space<vmem>>, vector<16xf32>,
      %broadcast_in_dim3A_782 = arith.constant 0 : i32
      %broadcast_in_dim3A_783 = vector.broadcast %broadcast_in_dim3A_782 : i32 to vector<16xi32>
      %add3A_784 = arith.constant 9 : i32
      %add3A_785 = vector.broadcast %add3A_784 : i32 to vector<16xi32>
      %add3A_786 = arith.addi %broadcast_in_dim3A_783, %add3A_785 : vector<16xi32>
      %gather3A_787 = tpu.vector_load_idx %arg9[%add3A_786, %add3A_658] : memref<32x2048xf32, #tpu.memory_space<vmem>>[vector<16xi32>, vector<16xi32>], vector<16xf32>,
      %mul3A_788 = arith.constant 32 : i32
      %mul3A_789 = arith.muli %scan3A_14, %mul3A_788 : i32
      %add3A_790 = arith.constant 9 : i32
      %add3A_791 = arith.addi %mul3A_789, %add3A_790 : i32
      %mul3A_792 = arith.constant 16 : i32
      %mul3A_793 = arith.muli %add3A_791, %mul3A_792 : i32
      %swap3A_794 = arith.index_cast %mul3A_793 : i32 to index
      %swap3A_795 = tpu.vector_load %arg10[%swap3A_794] {strides = array<i32>} : memref<16384xf32, #tpu.memory_space<vmem>>, vector<16xf32>,
      tpu.vector_store %arg10[%swap3A_794], %gather3A_787 {strides = array<i32>} : memref<16384xf32, #tpu.memory_space<vmem>>, vector<16xf32>,
      %broadcast_in_dim3A_796 = arith.constant 0 : i32
      %broadcast_in_dim3A_797 = vector.broadcast %broadcast_in_dim3A_796 : i32 to vector<16xi32>
      %add3A_798 = arith.constant 10 : i32
      %add3A_799 = vector.broadcast %add3A_798 : i32 to vector<16xi32>
      %add3A_800 = arith.addi %broadcast_in_dim3A_797, %add3A_799 : vector<16xi32>
      %gather3A_801 = tpu.vector_load_idx %arg9[%add3A_800, %add3A_658] : memref<32x2048xf32, #tpu.memory_space<vmem>>[vector<16xi32>, vector<16xi32>], vector<16xf32>,
      %mul3A_802 = arith.constant 32 : i32
      %mul3A_803 = arith.muli %scan3A_14, %mul3A_802 : i32
      %add3A_804 = arith.constant 10 : i32
      %add3A_805 = arith.addi %mul3A_803, %add3A_804 : i32
      %mul3A_806 = arith.constant 16 : i32
      %mul3A_807 = arith.muli %add3A_805, %mul3A_806 : i32
      %swap3A_808 = arith.index_cast %mul3A_807 : i32 to index
      %swap3A_809 = tpu.vector_load %arg10[%swap3A_808] {strides = array<i32>} : memref<16384xf32, #tpu.memory_space<vmem>>, vector<16xf32>,
      tpu.vector_store %arg10[%swap3A_808], %gather3A_801 {strides = array<i32>} : memref<16384xf32, #tpu.memory_space<vmem>>, vector<16xf32>,
      %broadcast_in_dim3A_810 = arith.constant 0 : i32
      %broadcast_in_dim3A_811 = vector.broadcast %broadcast_in_dim3A_810 : i32 to vector<16xi32>
      %add3A_812 = arith.constant 11 : i32
      %add3A_813 = vector.broadcast %add3A_812 : i32 to vector<16xi32>
      %add3A_814 = arith.addi %broadcast_in_dim3A_811, %add3A_813 : vector<16xi32>
      %gather3A_815 = tpu.vector_load_idx %arg9[%add3A_814, %add3A_658] : memref<32x2048xf32, #tpu.memory_space<vmem>>[vector<16xi32>, vector<16xi32>], vector<16xf32>,
      %mul3A_816 = arith.constant 32 : i32
      %mul3A_817 = arith.muli %scan3A_14, %mul3A_816 : i32
      %add3A_818 = arith.constant 11 : i32
      %add3A_819 = arith.addi %mul3A_817, %add3A_818 : i32
      %mul3A_820 = arith.constant 16 : i32
      %mul3A_821 = arith.muli %add3A_819, %mul3A_820 : i32
      %swap3A_822 = arith.index_cast %mul3A_821 : i32 to index
      %swap3A_823 = tpu.vector_load %arg10[%swap3A_822] {strides = array<i32>} : memref<16384xf32, #tpu.memory_space<vmem>>, vector<16xf32>,
      tpu.vector_store %arg10[%swap3A_822], %gather3A_815 {strides = array<i32>} : memref<16384xf32, #tpu.memory_space<vmem>>, vector<16xf32>,
      %broadcast_in_dim3A_824 = arith.constant 0 : i32
      %broadcast_in_dim3A_825 = vector.broadcast %broadcast_in_dim3A_824 : i32 to vector<16xi32>
      %add3A_826 = arith.constant 12 : i32
      %add3A_827 = vector.broadcast %add3A_826 : i32 to vector<16xi32>
      %add3A_828 = arith.addi %broadcast_in_dim3A_825, %add3A_827 : vector<16xi32>
      %gather3A_829 = tpu.vector_load_idx %arg9[%add3A_828, %add3A_658] : memref<32x2048xf32, #tpu.memory_space<vmem>>[vector<16xi32>, vector<16xi32>], vector<16xf32>,
      %mul3A_830 = arith.constant 32 : i32
      %mul3A_831 = arith.muli %scan3A_14, %mul3A_830 : i32
      %add3A_832 = arith.constant 12 : i32
      %add3A_833 = arith.addi %mul3A_831, %add3A_832 : i32
      %mul3A_834 = arith.constant 16 : i32
      %mul3A_835 = arith.muli %add3A_833, %mul3A_834 : i32
      %swap3A_836 = arith.index_cast %mul3A_835 : i32 to index
      %swap3A_837 = tpu.vector_load %arg10[%swap3A_836] {strides = array<i32>} : memref<16384xf32, #tpu.memory_space<vmem>>, vector<16xf32>,
      tpu.vector_store %arg10[%swap3A_836], %gather3A_829 {strides = array<i32>} : memref<16384xf32, #tpu.memory_space<vmem>>, vector<16xf32>,
      %broadcast_in_dim3A_838 = arith.constant 0 : i32
      %broadcast_in_dim3A_839 = vector.broadcast %broadcast_in_dim3A_838 : i32 to vector<16xi32>
      %add3A_840 = arith.constant 13 : i32
      %add3A_841 = vector.broadcast %add3A_840 : i32 to vector<16xi32>
      %add3A_842 = arith.addi %broadcast_in_dim3A_839, %add3A_841 : vector<16xi32>
      %gather3A_843 = tpu.vector_load_idx %arg9[%add3A_842, %add3A_658] : memref<32x2048xf32, #tpu.memory_space<vmem>>[vector<16xi32>, vector<16xi32>], vector<16xf32>,
      %mul3A_844 = arith.constant 32 : i32
      %mul3A_845 = arith.muli %scan3A_14, %mul3A_844 : i32
      %add3A_846 = arith.constant 13 : i32
      %add3A_847 = arith.addi %mul3A_845, %add3A_846 : i32
      %mul3A_848 = arith.constant 16 : i32
      %mul3A_849 = arith.muli %add3A_847, %mul3A_848 : i32
      %swap3A_850 = arith.index_cast %mul3A_849 : i32 to index
      %swap3A_851 = tpu.vector_load %arg10[%swap3A_850] {strides = array<i32>} : memref<16384xf32, #tpu.memory_space<vmem>>, vector<16xf32>,
      tpu.vector_store %arg10[%swap3A_850], %gather3A_843 {strides = array<i32>} : memref<16384xf32, #tpu.memory_space<vmem>>, vector<16xf32>,
      %broadcast_in_dim3A_852 = arith.constant 0 : i32
      %broadcast_in_dim3A_853 = vector.broadcast %broadcast_in_dim3A_852 : i32 to vector<16xi32>
      %add3A_854 = arith.constant 14 : i32
      %add3A_855 = vector.broadcast %add3A_854 : i32 to vector<16xi32>
      %add3A_856 = arith.addi %broadcast_in_dim3A_853, %add3A_855 : vector<16xi32>
      %gather3A_857 = tpu.vector_load_idx %arg9[%add3A_856, %add3A_658] : memref<32x2048xf32, #tpu.memory_space<vmem>>[vector<16xi32>, vector<16xi32>], vector<16xf32>,
      %mul3A_858 = arith.constant 32 : i32
      %mul3A_859 = arith.muli %scan3A_14, %mul3A_858 : i32
      %add3A_860 = arith.constant 14 : i32
      %add3A_861 = arith.addi %mul3A_859, %add3A_860 : i32
      %mul3A_862 = arith.constant 16 : i32
      %mul3A_863 = arith.muli %add3A_861, %mul3A_862 : i32
      %swap3A_864 = arith.index_cast %mul3A_863 : i32 to index
      %swap3A_865 = tpu.vector_load %arg10[%swap3A_864] {strides = array<i32>} : memref<16384xf32, #tpu.memory_space<vmem>>, vector<16xf32>,
      tpu.vector_store %arg10[%swap3A_864], %gather3A_857 {strides = array<i32>} : memref<16384xf32, #tpu.memory_space<vmem>>, vector<16xf32>,
      %broadcast_in_dim3A_866 = arith.constant 0 : i32
      %broadcast_in_dim3A_867 = vector.broadcast %broadcast_in_dim3A_866 : i32 to vector<16xi32>
      %add3A_868 = arith.constant 15 : i32
      %add3A_869 = vector.broadcast %add3A_868 : i32 to vector<16xi32>
      %add3A_870 = arith.addi %broadcast_in_dim3A_867, %add3A_869 : vector<16xi32>
      %gather3A_871 = tpu.vector_load_idx %arg9[%add3A_870, %add3A_658] : memref<32x2048xf32, #tpu.memory_space<vmem>>[vector<16xi32>, vector<16xi32>], vector<16xf32>,
      %mul3A_872 = arith.constant 32 : i32
      %mul3A_873 = arith.muli %scan3A_14, %mul3A_872 : i32
      %add3A_874 = arith.constant 15 : i32
      %add3A_875 = arith.addi %mul3A_873, %add3A_874 : i32
      %mul3A_876 = arith.constant 16 : i32
      %mul3A_877 = arith.muli %add3A_875, %mul3A_876 : i32
      %swap3A_878 = arith.index_cast %mul3A_877 : i32 to index
      %swap3A_879 = tpu.vector_load %arg10[%swap3A_878] {strides = array<i32>} : memref<16384xf32, #tpu.memory_space<vmem>>, vector<16xf32>,
      tpu.vector_store %arg10[%swap3A_878], %gather3A_871 {strides = array<i32>} : memref<16384xf32, #tpu.memory_space<vmem>>, vector<16xf32>,
      %broadcast_in_dim3A_880 = arith.constant 0 : i32
      %broadcast_in_dim3A_881 = vector.broadcast %broadcast_in_dim3A_880 : i32 to vector<16xi32>
      %add3A_882 = arith.constant 16 : i32
      %add3A_883 = vector.broadcast %add3A_882 : i32 to vector<16xi32>
      %add3A_884 = arith.addi %broadcast_in_dim3A_881, %add3A_883 : vector<16xi32>
      %gather3A_885 = tpu.vector_load_idx %arg9[%add3A_884, %add3A_658] : memref<32x2048xf32, #tpu.memory_space<vmem>>[vector<16xi32>, vector<16xi32>], vector<16xf32>,
      %mul3A_886 = arith.constant 32 : i32
      %mul3A_887 = arith.muli %scan3A_14, %mul3A_886 : i32
      %add3A_888 = arith.constant 16 : i32
      %add3A_889 = arith.addi %mul3A_887, %add3A_888 : i32
      %mul3A_890 = arith.constant 16 : i32
      %mul3A_891 = arith.muli %add3A_889, %mul3A_890 : i32
      %swap3A_892 = arith.index_cast %mul3A_891 : i32 to index
      %swap3A_893 = tpu.vector_load %arg10[%swap3A_892] {strides = array<i32>} : memref<16384xf32, #tpu.memory_space<vmem>>, vector<16xf32>,
      tpu.vector_store %arg10[%swap3A_892], %gather3A_885 {strides = array<i32>} : memref<16384xf32, #tpu.memory_space<vmem>>, vector<16xf32>,
      %broadcast_in_dim3A_894 = arith.constant 0 : i32
      %broadcast_in_dim3A_895 = vector.broadcast %broadcast_in_dim3A_894 : i32 to vector<16xi32>
      %add3A_896 = arith.constant 17 : i32
      %add3A_897 = vector.broadcast %add3A_896 : i32 to vector<16xi32>
      %add3A_898 = arith.addi %broadcast_in_dim3A_895, %add3A_897 : vector<16xi32>
      %gather3A_899 = tpu.vector_load_idx %arg9[%add3A_898, %add3A_658] : memref<32x2048xf32, #tpu.memory_space<vmem>>[vector<16xi32>, vector<16xi32>], vector<16xf32>,
      %mul3A_900 = arith.constant 32 : i32
      %mul3A_901 = arith.muli %scan3A_14, %mul3A_900 : i32
      %add3A_902 = arith.constant 17 : i32
      %add3A_903 = arith.addi %mul3A_901, %add3A_902 : i32
      %mul3A_904 = arith.constant 16 : i32
      %mul3A_905 = arith.muli %add3A_903, %mul3A_904 : i32
      %swap3A_906 = arith.index_cast %mul3A_905 : i32 to index
      %swap3A_907 = tpu.vector_load %arg10[%swap3A_906] {strides = array<i32>} : memref<16384xf32, #tpu.memory_space<vmem>>, vector<16xf32>,
      tpu.vector_store %arg10[%swap3A_906], %gather3A_899 {strides = array<i32>} : memref<16384xf32, #tpu.memory_space<vmem>>, vector<16xf32>,
      %broadcast_in_dim3A_908 = arith.constant 0 : i32
      %broadcast_in_dim3A_909 = vector.broadcast %broadcast_in_dim3A_908 : i32 to vector<16xi32>
      %add3A_910 = arith.constant 18 : i32
      %add3A_911 = vector.broadcast %add3A_910 : i32 to vector<16xi32>
      %add3A_912 = arith.addi %broadcast_in_dim3A_909, %add3A_911 : vector<16xi32>
      %gather3A_913 = tpu.vector_load_idx %arg9[%add3A_912, %add3A_658] : memref<32x2048xf32, #tpu.memory_space<vmem>>[vector<16xi32>, vector<16xi32>], vector<16xf32>,
      %mul3A_914 = arith.constant 32 : i32
      %mul3A_915 = arith.muli %scan3A_14, %mul3A_914 : i32
      %add3A_916 = arith.constant 18 : i32
      %add3A_917 = arith.addi %mul3A_915, %add3A_916 : i32
      %mul3A_918 = arith.constant 16 : i32
      %mul3A_919 = arith.muli %add3A_917, %mul3A_918 : i32
      %swap3A_920 = arith.index_cast %mul3A_919 : i32 to index
      %swap3A_921 = tpu.vector_load %arg10[%swap3A_920] {strides = array<i32>} : memref<16384xf32, #tpu.memory_space<vmem>>, vector<16xf32>,
      tpu.vector_store %arg10[%swap3A_920], %gather3A_913 {strides = array<i32>} : memref<16384xf32, #tpu.memory_space<vmem>>, vector<16xf32>,
      %broadcast_in_dim3A_922 = arith.constant 0 : i32
      %broadcast_in_dim3A_923 = vector.broadcast %broadcast_in_dim3A_922 : i32 to vector<16xi32>
      %add3A_924 = arith.constant 19 : i32
      %add3A_925 = vector.broadcast %add3A_924 : i32 to vector<16xi32>
      %add3A_926 = arith.addi %broadcast_in_dim3A_923, %add3A_925 : vector<16xi32>
      %gather3A_927 = tpu.vector_load_idx %arg9[%add3A_926, %add3A_658] : memref<32x2048xf32, #tpu.memory_space<vmem>>[vector<16xi32>, vector<16xi32>], vector<16xf32>,
      %mul3A_928 = arith.constant 32 : i32
      %mul3A_929 = arith.muli %scan3A_14, %mul3A_928 : i32
      %add3A_930 = arith.constant 19 : i32
      %add3A_931 = arith.addi %mul3A_929, %add3A_930 : i32
      %mul3A_932 = arith.constant 16 : i32
      %mul3A_933 = arith.muli %add3A_931, %mul3A_932 : i32
      %swap3A_934 = arith.index_cast %mul3A_933 : i32 to index
      %swap3A_935 = tpu.vector_load %arg10[%swap3A_934] {strides = array<i32>} : memref<16384xf32, #tpu.memory_space<vmem>>, vector<16xf32>,
      tpu.vector_store %arg10[%swap3A_934], %gather3A_927 {strides = array<i32>} : memref<16384xf32, #tpu.memory_space<vmem>>, vector<16xf32>,
      %broadcast_in_dim3A_936 = arith.constant 0 : i32
      %broadcast_in_dim3A_937 = vector.broadcast %broadcast_in_dim3A_936 : i32 to vector<16xi32>
      %add3A_938 = arith.constant 20 : i32
      %add3A_939 = vector.broadcast %add3A_938 : i32 to vector<16xi32>
      %add3A_940 = arith.addi %broadcast_in_dim3A_937, %add3A_939 : vector<16xi32>
      %gather3A_941 = tpu.vector_load_idx %arg9[%add3A_940, %add3A_658] : memref<32x2048xf32, #tpu.memory_space<vmem>>[vector<16xi32>, vector<16xi32>], vector<16xf32>,
      %mul3A_942 = arith.constant 32 : i32
      %mul3A_943 = arith.muli %scan3A_14, %mul3A_942 : i32
      %add3A_944 = arith.constant 20 : i32
      %add3A_945 = arith.addi %mul3A_943, %add3A_944 : i32
      %mul3A_946 = arith.constant 16 : i32
      %mul3A_947 = arith.muli %add3A_945, %mul3A_946 : i32
      %swap3A_948 = arith.index_cast %mul3A_947 : i32 to index
      %swap3A_949 = tpu.vector_load %arg10[%swap3A_948] {strides = array<i32>} : memref<16384xf32, #tpu.memory_space<vmem>>, vector<16xf32>,
      tpu.vector_store %arg10[%swap3A_948], %gather3A_941 {strides = array<i32>} : memref<16384xf32, #tpu.memory_space<vmem>>, vector<16xf32>,
      %broadcast_in_dim3A_950 = arith.constant 0 : i32
      %broadcast_in_dim3A_951 = vector.broadcast %broadcast_in_dim3A_950 : i32 to vector<16xi32>
      %add3A_952 = arith.constant 21 : i32
      %add3A_953 = vector.broadcast %add3A_952 : i32 to vector<16xi32>
      %add3A_954 = arith.addi %broadcast_in_dim3A_951, %add3A_953 : vector<16xi32>
      %gather3A_955 = tpu.vector_load_idx %arg9[%add3A_954, %add3A_658] : memref<32x2048xf32, #tpu.memory_space<vmem>>[vector<16xi32>, vector<16xi32>], vector<16xf32>,
      %mul3A_956 = arith.constant 32 : i32
      %mul3A_957 = arith.muli %scan3A_14, %mul3A_956 : i32
      %add3A_958 = arith.constant 21 : i32
      %add3A_959 = arith.addi %mul3A_957, %add3A_958 : i32
      %mul3A_960 = arith.constant 16 : i32
      %mul3A_961 = arith.muli %add3A_959, %mul3A_960 : i32
      %swap3A_962 = arith.index_cast %mul3A_961 : i32 to index
      %swap3A_963 = tpu.vector_load %arg10[%swap3A_962] {strides = array<i32>} : memref<16384xf32, #tpu.memory_space<vmem>>, vector<16xf32>,
      tpu.vector_store %arg10[%swap3A_962], %gather3A_955 {strides = array<i32>} : memref<16384xf32, #tpu.memory_space<vmem>>, vector<16xf32>,
      %broadcast_in_dim3A_964 = arith.constant 0 : i32
      %broadcast_in_dim3A_965 = vector.broadcast %broadcast_in_dim3A_964 : i32 to vector<16xi32>
      %add3A_966 = arith.constant 22 : i32
      %add3A_967 = vector.broadcast %add3A_966 : i32 to vector<16xi32>
      %add3A_968 = arith.addi %broadcast_in_dim3A_965, %add3A_967 : vector<16xi32>
      %gather3A_969 = tpu.vector_load_idx %arg9[%add3A_968, %add3A_658] : memref<32x2048xf32, #tpu.memory_space<vmem>>[vector<16xi32>, vector<16xi32>], vector<16xf32>,
      %mul3A_970 = arith.constant 32 : i32
      %mul3A_971 = arith.muli %scan3A_14, %mul3A_970 : i32
      %add3A_972 = arith.constant 22 : i32
      %add3A_973 = arith.addi %mul3A_971, %add3A_972 : i32
      %mul3A_974 = arith.constant 16 : i32
      %mul3A_975 = arith.muli %add3A_973, %mul3A_974 : i32
      %swap3A_976 = arith.index_cast %mul3A_975 : i32 to index
      %swap3A_977 = tpu.vector_load %arg10[%swap3A_976] {strides = array<i32>} : memref<16384xf32, #tpu.memory_space<vmem>>, vector<16xf32>,
      tpu.vector_store %arg10[%swap3A_976], %gather3A_969 {strides = array<i32>} : memref<16384xf32, #tpu.memory_space<vmem>>, vector<16xf32>,
      %broadcast_in_dim3A_978 = arith.constant 0 : i32
      %broadcast_in_dim3A_979 = vector.broadcast %broadcast_in_dim3A_978 : i32 to vector<16xi32>
      %add3A_980 = arith.constant 23 : i32
      %add3A_981 = vector.broadcast %add3A_980 : i32 to vector<16xi32>
      %add3A_982 = arith.addi %broadcast_in_dim3A_979, %add3A_981 : vector<16xi32>
      %gather3A_983 = tpu.vector_load_idx %arg9[%add3A_982, %add3A_658] : memref<32x2048xf32, #tpu.memory_space<vmem>>[vector<16xi32>, vector<16xi32>], vector<16xf32>,
      %mul3A_984 = arith.constant 32 : i32
      %mul3A_985 = arith.muli %scan3A_14, %mul3A_984 : i32
      %add3A_986 = arith.constant 23 : i32
      %add3A_987 = arith.addi %mul3A_985, %add3A_986 : i32
      %mul3A_988 = arith.constant 16 : i32
      %mul3A_989 = arith.muli %add3A_987, %mul3A_988 : i32
      %swap3A_990 = arith.index_cast %mul3A_989 : i32 to index
      %swap3A_991 = tpu.vector_load %arg10[%swap3A_990] {strides = array<i32>} : memref<16384xf32, #tpu.memory_space<vmem>>, vector<16xf32>,
      tpu.vector_store %arg10[%swap3A_990], %gather3A_983 {strides = array<i32>} : memref<16384xf32, #tpu.memory_space<vmem>>, vector<16xf32>,
      %broadcast_in_dim3A_992 = arith.constant 0 : i32
      %broadcast_in_dim3A_993 = vector.broadcast %broadcast_in_dim3A_992 : i32 to vector<16xi32>
      %add3A_994 = arith.constant 24 : i32
      %add3A_995 = vector.broadcast %add3A_994 : i32 to vector<16xi32>
      %add3A_996 = arith.addi %broadcast_in_dim3A_993, %add3A_995 : vector<16xi32>
      %gather3A_997 = tpu.vector_load_idx %arg9[%add3A_996, %add3A_658] : memref<32x2048xf32, #tpu.memory_space<vmem>>[vector<16xi32>, vector<16xi32>], vector<16xf32>,
      %mul3A_998 = arith.constant 32 : i32
      %mul3A_999 = arith.muli %scan3A_14, %mul3A_998 : i32
      %add3A_1000 = arith.constant 24 : i32
      %add3A_1001 = arith.addi %mul3A_999, %add3A_1000 : i32
      %mul3A_1002 = arith.constant 16 : i32
      %mul3A_1003 = arith.muli %add3A_1001, %mul3A_1002 : i32
      %swap3A_1004 = arith.index_cast %mul3A_1003 : i32 to index
      %swap3A_1005 = tpu.vector_load %arg10[%swap3A_1004] {strides = array<i32>} : memref<16384xf32, #tpu.memory_space<vmem>>, vector<16xf32>,
      tpu.vector_store %arg10[%swap3A_1004], %gather3A_997 {strides = array<i32>} : memref<16384xf32, #tpu.memory_space<vmem>>, vector<16xf32>,
      %broadcast_in_dim3A_1006 = arith.constant 0 : i32
      %broadcast_in_dim3A_1007 = vector.broadcast %broadcast_in_dim3A_1006 : i32 to vector<16xi32>
      %add3A_1008 = arith.constant 25 : i32
      %add3A_1009 = vector.broadcast %add3A_1008 : i32 to vector<16xi32>
      %add3A_1010 = arith.addi %broadcast_in_dim3A_1007, %add3A_1009 : vector<16xi32>
      %gather3A_1011 = tpu.vector_load_idx %arg9[%add3A_1010, %add3A_658] : memref<32x2048xf32, #tpu.memory_space<vmem>>[vector<16xi32>, vector<16xi32>], vector<16xf32>,
      %mul3A_1012 = arith.constant 32 : i32
      %mul3A_1013 = arith.muli %scan3A_14, %mul3A_1012 : i32
      %add3A_1014 = arith.constant 25 : i32
      %add3A_1015 = arith.addi %mul3A_1013, %add3A_1014 : i32
      %mul3A_1016 = arith.constant 16 : i32
      %mul3A_1017 = arith.muli %add3A_1015, %mul3A_1016 : i32
      %swap3A_1018 = arith.index_cast %mul3A_1017 : i32 to index
      %swap3A_1019 = tpu.vector_load %arg10[%swap3A_1018] {strides = array<i32>} : memref<16384xf32, #tpu.memory_space<vmem>>, vector<16xf32>,
      tpu.vector_store %arg10[%swap3A_1018], %gather3A_1011 {strides = array<i32>} : memref<16384xf32, #tpu.memory_space<vmem>>, vector<16xf32>,
      %broadcast_in_dim3A_1020 = arith.constant 0 : i32
      %broadcast_in_dim3A_1021 = vector.broadcast %broadcast_in_dim3A_1020 : i32 to vector<16xi32>
      %add3A_1022 = arith.constant 26 : i32
      %add3A_1023 = vector.broadcast %add3A_1022 : i32 to vector<16xi32>
      %add3A_1024 = arith.addi %broadcast_in_dim3A_1021, %add3A_1023 : vector<16xi32>
      %gather3A_1025 = tpu.vector_load_idx %arg9[%add3A_1024, %add3A_658] : memref<32x2048xf32, #tpu.memory_space<vmem>>[vector<16xi32>, vector<16xi32>], vector<16xf32>,
      %mul3A_1026 = arith.constant 32 : i32
      %mul3A_1027 = arith.muli %scan3A_14, %mul3A_1026 : i32
      %add3A_1028 = arith.constant 26 : i32
      %add3A_1029 = arith.addi %mul3A_1027, %add3A_1028 : i32
      %mul3A_1030 = arith.constant 16 : i32
      %mul3A_1031 = arith.muli %add3A_1029, %mul3A_1030 : i32
      %swap3A_1032 = arith.index_cast %mul3A_1031 : i32 to index
      %swap3A_1033 = tpu.vector_load %arg10[%swap3A_1032] {strides = array<i32>} : memref<16384xf32, #tpu.memory_space<vmem>>, vector<16xf32>,
      tpu.vector_store %arg10[%swap3A_1032], %gather3A_1025 {strides = array<i32>} : memref<16384xf32, #tpu.memory_space<vmem>>, vector<16xf32>,
      %broadcast_in_dim3A_1034 = arith.constant 0 : i32
      %broadcast_in_dim3A_1035 = vector.broadcast %broadcast_in_dim3A_1034 : i32 to vector<16xi32>
      %add3A_1036 = arith.constant 27 : i32
      %add3A_1037 = vector.broadcast %add3A_1036 : i32 to vector<16xi32>
      %add3A_1038 = arith.addi %broadcast_in_dim3A_1035, %add3A_1037 : vector<16xi32>
      %gather3A_1039 = tpu.vector_load_idx %arg9[%add3A_1038, %add3A_658] : memref<32x2048xf32, #tpu.memory_space<vmem>>[vector<16xi32>, vector<16xi32>], vector<16xf32>,
      %mul3A_1040 = arith.constant 32 : i32
      %mul3A_1041 = arith.muli %scan3A_14, %mul3A_1040 : i32
      %add3A_1042 = arith.constant 27 : i32
      %add3A_1043 = arith.addi %mul3A_1041, %add3A_1042 : i32
      %mul3A_1044 = arith.constant 16 : i32
      %mul3A_1045 = arith.muli %add3A_1043, %mul3A_1044 : i32
      %swap3A_1046 = arith.index_cast %mul3A_1045 : i32 to index
      %swap3A_1047 = tpu.vector_load %arg10[%swap3A_1046] {strides = array<i32>} : memref<16384xf32, #tpu.memory_space<vmem>>, vector<16xf32>,
      tpu.vector_store %arg10[%swap3A_1046], %gather3A_1039 {strides = array<i32>} : memref<16384xf32, #tpu.memory_space<vmem>>, vector<16xf32>,
      %broadcast_in_dim3A_1048 = arith.constant 0 : i32
      %broadcast_in_dim3A_1049 = vector.broadcast %broadcast_in_dim3A_1048 : i32 to vector<16xi32>
      %add3A_1050 = arith.constant 28 : i32
      %add3A_1051 = vector.broadcast %add3A_1050 : i32 to vector<16xi32>
      %add3A_1052 = arith.addi %broadcast_in_dim3A_1049, %add3A_1051 : vector<16xi32>
      %gather3A_1053 = tpu.vector_load_idx %arg9[%add3A_1052, %add3A_658] : memref<32x2048xf32, #tpu.memory_space<vmem>>[vector<16xi32>, vector<16xi32>], vector<16xf32>,
      %mul3A_1054 = arith.constant 32 : i32
      %mul3A_1055 = arith.muli %scan3A_14, %mul3A_1054 : i32
      %add3A_1056 = arith.constant 28 : i32
      %add3A_1057 = arith.addi %mul3A_1055, %add3A_1056 : i32
      %mul3A_1058 = arith.constant 16 : i32
      %mul3A_1059 = arith.muli %add3A_1057, %mul3A_1058 : i32
      %swap3A_1060 = arith.index_cast %mul3A_1059 : i32 to index
      %swap3A_1061 = tpu.vector_load %arg10[%swap3A_1060] {strides = array<i32>} : memref<16384xf32, #tpu.memory_space<vmem>>, vector<16xf32>,
      tpu.vector_store %arg10[%swap3A_1060], %gather3A_1053 {strides = array<i32>} : memref<16384xf32, #tpu.memory_space<vmem>>, vector<16xf32>,
      %broadcast_in_dim3A_1062 = arith.constant 0 : i32
      %broadcast_in_dim3A_1063 = vector.broadcast %broadcast_in_dim3A_1062 : i32 to vector<16xi32>
      %add3A_1064 = arith.constant 29 : i32
      %add3A_1065 = vector.broadcast %add3A_1064 : i32 to vector<16xi32>
      %add3A_1066 = arith.addi %broadcast_in_dim3A_1063, %add3A_1065 : vector<16xi32>
      %gather3A_1067 = tpu.vector_load_idx %arg9[%add3A_1066, %add3A_658] : memref<32x2048xf32, #tpu.memory_space<vmem>>[vector<16xi32>, vector<16xi32>], vector<16xf32>,
      %mul3A_1068 = arith.constant 32 : i32
      %mul3A_1069 = arith.muli %scan3A_14, %mul3A_1068 : i32
      %add3A_1070 = arith.constant 29 : i32
      %add3A_1071 = arith.addi %mul3A_1069, %add3A_1070 : i32
      %mul3A_1072 = arith.constant 16 : i32
      %mul3A_1073 = arith.muli %add3A_1071, %mul3A_1072 : i32
      %swap3A_1074 = arith.index_cast %mul3A_1073 : i32 to index
      %swap3A_1075 = tpu.vector_load %arg10[%swap3A_1074] {strides = array<i32>} : memref<16384xf32, #tpu.memory_space<vmem>>, vector<16xf32>,
      tpu.vector_store %arg10[%swap3A_1074], %gather3A_1067 {strides = array<i32>} : memref<16384xf32, #tpu.memory_space<vmem>>, vector<16xf32>,
      %broadcast_in_dim3A_1076 = arith.constant 0 : i32
      %broadcast_in_dim3A_1077 = vector.broadcast %broadcast_in_dim3A_1076 : i32 to vector<16xi32>
      %add3A_1078 = arith.constant 30 : i32
      %add3A_1079 = vector.broadcast %add3A_1078 : i32 to vector<16xi32>
      %add3A_1080 = arith.addi %broadcast_in_dim3A_1077, %add3A_1079 : vector<16xi32>
      %gather3A_1081 = tpu.vector_load_idx %arg9[%add3A_1080, %add3A_658] : memref<32x2048xf32, #tpu.memory_space<vmem>>[vector<16xi32>, vector<16xi32>], vector<16xf32>,
      %mul3A_1082 = arith.constant 32 : i32
      %mul3A_1083 = arith.muli %scan3A_14, %mul3A_1082 : i32
      %add3A_1084 = arith.constant 30 : i32
      %add3A_1085 = arith.addi %mul3A_1083, %add3A_1084 : i32
      %mul3A_1086 = arith.constant 16 : i32
      %mul3A_1087 = arith.muli %add3A_1085, %mul3A_1086 : i32
      %swap3A_1088 = arith.index_cast %mul3A_1087 : i32 to index
      %swap3A_1089 = tpu.vector_load %arg10[%swap3A_1088] {strides = array<i32>} : memref<16384xf32, #tpu.memory_space<vmem>>, vector<16xf32>,
      tpu.vector_store %arg10[%swap3A_1088], %gather3A_1081 {strides = array<i32>} : memref<16384xf32, #tpu.memory_space<vmem>>, vector<16xf32>,
      %broadcast_in_dim3A_1090 = arith.constant 0 : i32
      %broadcast_in_dim3A_1091 = vector.broadcast %broadcast_in_dim3A_1090 : i32 to vector<16xi32>
      %add3A_1092 = arith.constant 31 : i32
      %add3A_1093 = vector.broadcast %add3A_1092 : i32 to vector<16xi32>
      %add3A_1094 = arith.addi %broadcast_in_dim3A_1091, %add3A_1093 : vector<16xi32>
      %gather3A_1095 = tpu.vector_load_idx %arg9[%add3A_1094, %add3A_658] : memref<32x2048xf32, #tpu.memory_space<vmem>>[vector<16xi32>, vector<16xi32>], vector<16xf32>,
      %mul3A_1096 = arith.constant 32 : i32
      %mul3A_1097 = arith.muli %scan3A_14, %mul3A_1096 : i32
      %add3A_1098 = arith.constant 31 : i32
      %add3A_1099 = arith.addi %mul3A_1097, %add3A_1098 : i32
      %mul3A_1100 = arith.constant 16 : i32
      %mul3A_1101 = arith.muli %add3A_1099, %mul3A_1100 : i32
      %swap3A_1102 = arith.index_cast %mul3A_1101 : i32 to index
      %swap3A_1103 = tpu.vector_load %arg10[%swap3A_1102] {strides = array<i32>} : memref<16384xf32, #tpu.memory_space<vmem>>, vector<16xf32>,
      tpu.vector_store %arg10[%swap3A_1102], %gather3A_1095 {strides = array<i32>} : memref<16384xf32, #tpu.memory_space<vmem>>, vector<16xf32>,
    }
    %scan3A_7 = arith.constant 32 : i32
    %scan3A_8 = arith.constant 0 : i32
    %scan3A_9 = arith.constant 0 : i32
    %scan3A_10 = arith.constant 32 : i32
    %scan3A_11 = arith.addi %scan3A_9, %scan3A_10 : i32
    %scan3A_12 = arith.constant 1 : i32
    scf.for %scan3A_14 = %scan3A_9 to %scan3A_11 step %scan3A_12  : i32 {
      %mul3A_15 = arith.constant 16 : i32
      %mul3A_16 = arith.muli %scan3A_14, %mul3A_15 : i32
      %get3A = arith.index_cast %mul3A_16 : i32 to index
      %get3A_17 = tpu.vector_load %arg8[%get3A] {strides = array<i32>} : memref<512xi32, #tpu.memory_space<vmem>>, vector<16xi32>,
      %slice3A = vector.extract_strided_slice %get3A_17 {offsets = [0], sizes = [1], strides = [1]} : vector<16xi32> to vector<1xi32>
      %squeeze3A = vector.extract %slice3A[0] : i32 from vector<1xi32>
      %jit3A = arith.constant 128 : i32
      %div3A = arith.divsi %squeeze3A, %jit3A : i32
      %sign3A = arith.constant 0 : i32
      %sign3A_18 = arith.cmpi sgt, %squeeze3A, %sign3A : i32
      %sign3A_19 = arith.extui %sign3A_18 : i1 to i32
      %sign3A_20 = arith.constant 0 : i32
      %sign3A_21 = arith.cmpi slt, %squeeze3A, %sign3A_20 : i32
      %sign3A_22 = arith.extui %sign3A_21 : i1 to i32
      %sign3A_23 = arith.subi %sign3A_19, %sign3A_22 : i32
      %sign3A_24 = arith.constant 0 : i32
      %sign3A_25 = arith.cmpi sgt, %jit3A, %sign3A_24 : i32
      %sign3A_26 = arith.extui %sign3A_25 : i1 to i32
      %sign3A_27 = arith.constant 0 : i32
      %sign3A_28 = arith.cmpi slt, %jit3A, %sign3A_27 : i32
      %sign3A_29 = arith.extui %sign3A_28 : i1 to i32
      %sign3A_30 = arith.subi %sign3A_26, %sign3A_29 : i32
      %ne3A = arith.cmpi ne, %sign3A_23, %sign3A_30 : i32
      %rem3A = arith.remsi %squeeze3A, %jit3A : i32
      %ne3A_31 = arith.constant 0 : i32
      %ne3A_32 = arith.cmpi ne, %rem3A, %ne3A_31 : i32
      %and3A = arith.andi %ne3A, %ne3A_32 : i1
      %sub3A = arith.constant 1 : i32
      %sub3A_33 = arith.subi %div3A, %sub3A : i32
      %select_n3A = arith.select %and3A, %sub3A_33, %div3A : i32
      %mul3A_34 = arith.constant 128 : i32
      %mul3A_35 = arith.muli %select_n3A, %mul3A_34 : i32
      %multiple_of3A = tpu.assume_multiple %mul3A_35, 128 : i32
      %dma_start3A = arith.constant 0 : i32
      %dma_start3A_36 = arith.constant 0 : i32
      %dma_start3A_37 = tpu.memref_slice %arg9[%dma_start3A, %dma_start3A_36] : memref<32x2048xf32, #tpu.memory_space<vmem>> -> memref<32x128xf32, #tpu.memory_space<vmem>>
      %dma_start3A_38 = arith.constant 0 : i32
      %dma_start3A_39 = tpu.memref_slice %arg5[%dma_start3A_38, %multiple_of3A] : memref<32x1000000xf32, #tpu.memory_space<hbm>> -> memref<32x128xf32, #tpu.memory_space<hbm>>
      %dma_start3A_40 = arith.constant 0 : i32
      %dma_start3A_41 = arith.constant 0 : i32
      %dma_start3A_42 = tpu.memref_slice %arg9[%dma_start3A_40, %dma_start3A_41] : memref<32x2048xf32, #tpu.memory_space<vmem>> -> memref<32x128xf32, #tpu.memory_space<vmem>>
      %dma_start3A_43 = arith.constant 0 : i32
      %dma_start3A_44 = tpu.memref_slice %arg5[%dma_start3A_43, %multiple_of3A] : memref<32x1000000xf32, #tpu.memory_space<hbm>> -> memref<32x128xf32, #tpu.memory_space<hbm>>
      tpu.enqueue_dma source(%dma_start3A_44 : memref<32x128xf32, #tpu.memory_space<hbm>>) target(%dma_start3A_42 : memref<32x128xf32, #tpu.memory_space<vmem>>) target_semaphore(%arg12 : memref<!tpu.dma_semaphore, #tpu.memory_space<semaphore_mem>>)
      %slice3A_45 = vector.extract_strided_slice %get3A_17 {offsets = [1], sizes = [1], strides = [1]} : vector<16xi32> to vector<1xi32>
      %squeeze3A_46 = vector.extract %slice3A_45[0] : i32 from vector<1xi32>
      %jit3A_47 = arith.constant 128 : i32
      %div3A_48 = arith.divsi %squeeze3A_46, %jit3A_47 : i32
      %sign3A_49 = arith.constant 0 : i32
      %sign3A_50 = arith.cmpi sgt, %squeeze3A_46, %sign3A_49 : i32
      %sign3A_51 = arith.extui %sign3A_50 : i1 to i32
      %sign3A_52 = arith.constant 0 : i32
      %sign3A_53 = arith.cmpi slt, %squeeze3A_46, %sign3A_52 : i32
      %sign3A_54 = arith.extui %sign3A_53 : i1 to i32
      %sign3A_55 = arith.subi %sign3A_51, %sign3A_54 : i32
      %sign3A_56 = arith.constant 0 : i32
      %sign3A_57 = arith.cmpi sgt, %jit3A_47, %sign3A_56 : i32
      %sign3A_58 = arith.extui %sign3A_57 : i1 to i32
      %sign3A_59 = arith.constant 0 : i32
      %sign3A_60 = arith.cmpi slt, %jit3A_47, %sign3A_59 : i32
      %sign3A_61 = arith.extui %sign3A_60 : i1 to i32
      %sign3A_62 = arith.subi %sign3A_58, %sign3A_61 : i32
      %ne3A_63 = arith.cmpi ne, %sign3A_55, %sign3A_62 : i32
      %rem3A_64 = arith.remsi %squeeze3A_46, %jit3A_47 : i32
      %ne3A_65 = arith.constant 0 : i32
      %ne3A_66 = arith.cmpi ne, %rem3A_64, %ne3A_65 : i32
      %and3A_67 = arith.andi %ne3A_63, %ne3A_66 : i1
      %sub3A_68 = arith.constant 1 : i32
      %sub3A_69 = arith.subi %div3A_48, %sub3A_68 : i32
      %select_n3A_70 = arith.select %and3A_67, %sub3A_69, %div3A_48 : i32
      %mul3A_71 = arith.constant 128 : i32
      %mul3A_72 = arith.muli %select_n3A_70, %mul3A_71 : i32
      %multiple_of3A_73 = tpu.assume_multiple %mul3A_72, 128 : i32
      %dma_start3A_74 = arith.constant 0 : i32
      %dma_start3A_75 = arith.constant 128 : i32
      %dma_start3A_76 = tpu.memref_slice %arg9[%dma_start3A_74, %dma_start3A_75] : memref<32x2048xf32, #tpu.memory_space<vmem>> -> memref<32x128xf32, #tpu.memory_space<vmem>>
      %dma_start3A_77 = arith.constant 0 : i32
      %dma_start3A_78 = tpu.memref_slice %arg5[%dma_start3A_77, %multiple_of3A_73] : memref<32x1000000xf32, #tpu.memory_space<hbm>> -> memref<32x128xf32, #tpu.memory_space<hbm>>
      %dma_start3A_79 = arith.constant 0 : i32
      %dma_start3A_80 = arith.constant 128 : i32
      %dma_start3A_81 = tpu.memref_slice %arg9[%dma_start3A_79, %dma_start3A_80] : memref<32x2048xf32, #tpu.memory_space<vmem>> -> memref<32x128xf32, #tpu.memory_space<vmem>>
      %dma_start3A_82 = arith.constant 0 : i32
      %dma_start3A_83 = tpu.memref_slice %arg5[%dma_start3A_82, %multiple_of3A_73] : memref<32x1000000xf32, #tpu.memory_space<hbm>> -> memref<32x128xf32, #tpu.memory_space<hbm>>
      tpu.enqueue_dma source(%dma_start3A_83 : memref<32x128xf32, #tpu.memory_space<hbm>>) target(%dma_start3A_81 : memref<32x128xf32, #tpu.memory_space<vmem>>) target_semaphore(%arg12 : memref<!tpu.dma_semaphore, #tpu.memory_space<semaphore_mem>>)
      %slice3A_84 = vector.extract_strided_slice %get3A_17 {offsets = [2], sizes = [1], strides = [1]} : vector<16xi32> to vector<1xi32>
      %squeeze3A_85 = vector.extract %slice3A_84[0] : i32 from vector<1xi32>
      %jit3A_86 = arith.constant 128 : i32
      %div3A_87 = arith.divsi %squeeze3A_85, %jit3A_86 : i32
      %sign3A_88 = arith.constant 0 : i32
      %sign3A_89 = arith.cmpi sgt, %squeeze3A_85, %sign3A_88 : i32
      %sign3A_90 = arith.extui %sign3A_89 : i1 to i32
      %sign3A_91 = arith.constant 0 : i32
      %sign3A_92 = arith.cmpi slt, %squeeze3A_85, %sign3A_91 : i32
      %sign3A_93 = arith.extui %sign3A_92 : i1 to i32
      %sign3A_94 = arith.subi %sign3A_90, %sign3A_93 : i32
      %sign3A_95 = arith.constant 0 : i32
      %sign3A_96 = arith.cmpi sgt, %jit3A_86, %sign3A_95 : i32
      %sign3A_97 = arith.extui %sign3A_96 : i1 to i32
      %sign3A_98 = arith.constant 0 : i32
      %sign3A_99 = arith.cmpi slt, %jit3A_86, %sign3A_98 : i32
      %sign3A_100 = arith.extui %sign3A_99 : i1 to i32
      %sign3A_101 = arith.subi %sign3A_97, %sign3A_100 : i32
      %ne3A_102 = arith.cmpi ne, %sign3A_94, %sign3A_101 : i32
      %rem3A_103 = arith.remsi %squeeze3A_85, %jit3A_86 : i32
      %ne3A_104 = arith.constant 0 : i32
      %ne3A_105 = arith.cmpi ne, %rem3A_103, %ne3A_104 : i32
      %and3A_106 = arith.andi %ne3A_102, %ne3A_105 : i1
      %sub3A_107 = arith.constant 1 : i32
      %sub3A_108 = arith.subi %div3A_87, %sub3A_107 : i32
      %select_n3A_109 = arith.select %and3A_106, %sub3A_108, %div3A_87 : i32
      %mul3A_110 = arith.constant 128 : i32
      %mul3A_111 = arith.muli %select_n3A_109, %mul3A_110 : i32
      %multiple_of3A_112 = tpu.assume_multiple %mul3A_111, 128 : i32
      %dma_start3A_113 = arith.constant 0 : i32
      %dma_start3A_114 = arith.constant 256 : i32
      %dma_start3A_115 = tpu.memref_slice %arg9[%dma_start3A_113, %dma_start3A_114] : memref<32x2048xf32, #tpu.memory_space<vmem>> -> memref<32x128xf32, #tpu.memory_space<vmem>>
      %dma_start3A_116 = arith.constant 0 : i32
      %dma_start3A_117 = tpu.memref_slice %arg5[%dma_start3A_116, %multiple_of3A_112] : memref<32x1000000xf32, #tpu.memory_space<hbm>> -> memref<32x128xf32, #tpu.memory_space<hbm>>
      %dma_start3A_118 = arith.constant 0 : i32
      %dma_start3A_119 = arith.constant 256 : i32
      %dma_start3A_120 = tpu.memref_slice %arg9[%dma_start3A_118, %dma_start3A_119] : memref<32x2048xf32, #tpu.memory_space<vmem>> -> memref<32x128xf32, #tpu.memory_space<vmem>>
      %dma_start3A_121 = arith.constant 0 : i32
      %dma_start3A_122 = tpu.memref_slice %arg5[%dma_start3A_121, %multiple_of3A_112] : memref<32x1000000xf32, #tpu.memory_space<hbm>> -> memref<32x128xf32, #tpu.memory_space<hbm>>
      tpu.enqueue_dma source(%dma_start3A_122 : memref<32x128xf32, #tpu.memory_space<hbm>>) target(%dma_start3A_120 : memref<32x128xf32, #tpu.memory_space<vmem>>) target_semaphore(%arg12 : memref<!tpu.dma_semaphore, #tpu.memory_space<semaphore_mem>>)
      %slice3A_123 = vector.extract_strided_slice %get3A_17 {offsets = [3], sizes = [1], strides = [1]} : vector<16xi32> to vector<1xi32>
      %squeeze3A_124 = vector.extract %slice3A_123[0] : i32 from vector<1xi32>
      %jit3A_125 = arith.constant 128 : i32
      %div3A_126 = arith.divsi %squeeze3A_124, %jit3A_125 : i32
      %sign3A_127 = arith.constant 0 : i32
      %sign3A_128 = arith.cmpi sgt, %squeeze3A_124, %sign3A_127 : i32
      %sign3A_129 = arith.extui %sign3A_128 : i1 to i32
      %sign3A_130 = arith.constant 0 : i32
      %sign3A_131 = arith.cmpi slt, %squeeze3A_124, %sign3A_130 : i32
      %sign3A_132 = arith.extui %sign3A_131 : i1 to i32
      %sign3A_133 = arith.subi %sign3A_129, %sign3A_132 : i32
      %sign3A_134 = arith.constant 0 : i32
      %sign3A_135 = arith.cmpi sgt, %jit3A_125, %sign3A_134 : i32
      %sign3A_136 = arith.extui %sign3A_135 : i1 to i32
      %sign3A_137 = arith.constant 0 : i32
      %sign3A_138 = arith.cmpi slt, %jit3A_125, %sign3A_137 : i32
      %sign3A_139 = arith.extui %sign3A_138 : i1 to i32
      %sign3A_140 = arith.subi %sign3A_136, %sign3A_139 : i32
      %ne3A_141 = arith.cmpi ne, %sign3A_133, %sign3A_140 : i32
      %rem3A_142 = arith.remsi %squeeze3A_124, %jit3A_125 : i32
      %ne3A_143 = arith.constant 0 : i32
      %ne3A_144 = arith.cmpi ne, %rem3A_142, %ne3A_143 : i32
      %and3A_145 = arith.andi %ne3A_141, %ne3A_144 : i1
      %sub3A_146 = arith.constant 1 : i32
      %sub3A_147 = arith.subi %div3A_126, %sub3A_146 : i32
      %select_n3A_148 = arith.select %and3A_145, %sub3A_147, %div3A_126 : i32
      %mul3A_149 = arith.constant 128 : i32
      %mul3A_150 = arith.muli %select_n3A_148, %mul3A_149 : i32
      %multiple_of3A_151 = tpu.assume_multiple %mul3A_150, 128 : i32
      %dma_start3A_152 = arith.constant 0 : i32
      %dma_start3A_153 = arith.constant 384 : i32
      %dma_start3A_154 = tpu.memref_slice %arg9[%dma_start3A_152, %dma_start3A_153] : memref<32x2048xf32, #tpu.memory_space<vmem>> -> memref<32x128xf32, #tpu.memory_space<vmem>>
      %dma_start3A_155 = arith.constant 0 : i32
      %dma_start3A_156 = tpu.memref_slice %arg5[%dma_start3A_155, %multiple_of3A_151] : memref<32x1000000xf32, #tpu.memory_space<hbm>> -> memref<32x128xf32, #tpu.memory_space<hbm>>
      %dma_start3A_157 = arith.constant 0 : i32
      %dma_start3A_158 = arith.constant 384 : i32
      %dma_start3A_159 = tpu.memref_slice %arg9[%dma_start3A_157, %dma_start3A_158] : memref<32x2048xf32, #tpu.memory_space<vmem>> -> memref<32x128xf32, #tpu.memory_space<vmem>>
      %dma_start3A_160 = arith.constant 0 : i32
      %dma_start3A_161 = tpu.memref_slice %arg5[%dma_start3A_160, %multiple_of3A_151] : memref<32x1000000xf32, #tpu.memory_space<hbm>> -> memref<32x128xf32, #tpu.memory_space<hbm>>
      tpu.enqueue_dma source(%dma_start3A_161 : memref<32x128xf32, #tpu.memory_space<hbm>>) target(%dma_start3A_159 : memref<32x128xf32, #tpu.memory_space<vmem>>) target_semaphore(%arg12 : memref<!tpu.dma_semaphore, #tpu.memory_space<semaphore_mem>>)
      %slice3A_162 = vector.extract_strided_slice %get3A_17 {offsets = [4], sizes = [1], strides = [1]} : vector<16xi32> to vector<1xi32>
      %squeeze3A_163 = vector.extract %slice3A_162[0] : i32 from vector<1xi32>
      %jit3A_164 = arith.constant 128 : i32
      %div3A_165 = arith.divsi %squeeze3A_163, %jit3A_164 : i32
      %sign3A_166 = arith.constant 0 : i32
      %sign3A_167 = arith.cmpi sgt, %squeeze3A_163, %sign3A_166 : i32
      %sign3A_168 = arith.extui %sign3A_167 : i1 to i32
      %sign3A_169 = arith.constant 0 : i32
      %sign3A_170 = arith.cmpi slt, %squeeze3A_163, %sign3A_169 : i32
      %sign3A_171 = arith.extui %sign3A_170 : i1 to i32
      %sign3A_172 = arith.subi %sign3A_168, %sign3A_171 : i32
      %sign3A_173 = arith.constant 0 : i32
      %sign3A_174 = arith.cmpi sgt, %jit3A_164, %sign3A_173 : i32
      %sign3A_175 = arith.extui %sign3A_174 : i1 to i32
      %sign3A_176 = arith.constant 0 : i32
      %sign3A_177 = arith.cmpi slt, %jit3A_164, %sign3A_176 : i32
      %sign3A_178 = arith.extui %sign3A_177 : i1 to i32
      %sign3A_179 = arith.subi %sign3A_175, %sign3A_178 : i32
      %ne3A_180 = arith.cmpi ne, %sign3A_172, %sign3A_179 : i32
      %rem3A_181 = arith.remsi %squeeze3A_163, %jit3A_164 : i32
      %ne3A_182 = arith.constant 0 : i32
      %ne3A_183 = arith.cmpi ne, %rem3A_181, %ne3A_182 : i32
      %and3A_184 = arith.andi %ne3A_180, %ne3A_183 : i1
      %sub3A_185 = arith.constant 1 : i32
      %sub3A_186 = arith.subi %div3A_165, %sub3A_185 : i32
      %select_n3A_187 = arith.select %and3A_184, %sub3A_186, %div3A_165 : i32
      %mul3A_188 = arith.constant 128 : i32
      %mul3A_189 = arith.muli %select_n3A_187, %mul3A_188 : i32
      %multiple_of3A_190 = tpu.assume_multiple %mul3A_189, 128 : i32
      %dma_start3A_191 = arith.constant 0 : i32
      %dma_start3A_192 = arith.constant 512 : i32
      %dma_start3A_193 = tpu.memref_slice %arg9[%dma_start3A_191, %dma_start3A_192] : memref<32x2048xf32, #tpu.memory_space<vmem>> -> memref<32x128xf32, #tpu.memory_space<vmem>>
      %dma_start3A_194 = arith.constant 0 : i32
      %dma_start3A_195 = tpu.memref_slice %arg5[%dma_start3A_194, %multiple_of3A_190] : memref<32x1000000xf32, #tpu.memory_space<hbm>> -> memref<32x128xf32, #tpu.memory_space<hbm>>
      %dma_start3A_196 = arith.constant 0 : i32
      %dma_start3A_197 = arith.constant 512 : i32
      %dma_start3A_198 = tpu.memref_slice %arg9[%dma_start3A_196, %dma_start3A_197] : memref<32x2048xf32, #tpu.memory_space<vmem>> -> memref<32x128xf32, #tpu.memory_space<vmem>>
      %dma_start3A_199 = arith.constant 0 : i32
      %dma_start3A_200 = tpu.memref_slice %arg5[%dma_start3A_199, %multiple_of3A_190] : memref<32x1000000xf32, #tpu.memory_space<hbm>> -> memref<32x128xf32, #tpu.memory_space<hbm>>
      tpu.enqueue_dma source(%dma_start3A_200 : memref<32x128xf32, #tpu.memory_space<hbm>>) target(%dma_start3A_198 : memref<32x128xf32, #tpu.memory_space<vmem>>) target_semaphore(%arg12 : memref<!tpu.dma_semaphore, #tpu.memory_space<semaphore_mem>>)
      %slice3A_201 = vector.extract_strided_slice %get3A_17 {offsets = [5], sizes = [1], strides = [1]} : vector<16xi32> to vector<1xi32>
      %squeeze3A_202 = vector.extract %slice3A_201[0] : i32 from vector<1xi32>
      %jit3A_203 = arith.constant 128 : i32
      %div3A_204 = arith.divsi %squeeze3A_202, %jit3A_203 : i32
      %sign3A_205 = arith.constant 0 : i32
      %sign3A_206 = arith.cmpi sgt, %squeeze3A_202, %sign3A_205 : i32
      %sign3A_207 = arith.extui %sign3A_206 : i1 to i32
      %sign3A_208 = arith.constant 0 : i32
      %sign3A_209 = arith.cmpi slt, %squeeze3A_202, %sign3A_208 : i32
      %sign3A_210 = arith.extui %sign3A_209 : i1 to i32
      %sign3A_211 = arith.subi %sign3A_207, %sign3A_210 : i32
      %sign3A_212 = arith.constant 0 : i32
      %sign3A_213 = arith.cmpi sgt, %jit3A_203, %sign3A_212 : i32
      %sign3A_214 = arith.extui %sign3A_213 : i1 to i32
      %sign3A_215 = arith.constant 0 : i32
      %sign3A_216 = arith.cmpi slt, %jit3A_203, %sign3A_215 : i32
      %sign3A_217 = arith.extui %sign3A_216 : i1 to i32
      %sign3A_218 = arith.subi %sign3A_214, %sign3A_217 : i32
      %ne3A_219 = arith.cmpi ne, %sign3A_211, %sign3A_218 : i32
      %rem3A_220 = arith.remsi %squeeze3A_202, %jit3A_203 : i32
      %ne3A_221 = arith.constant 0 : i32
      %ne3A_222 = arith.cmpi ne, %rem3A_220, %ne3A_221 : i32
      %and3A_223 = arith.andi %ne3A_219, %ne3A_222 : i1
      %sub3A_224 = arith.constant 1 : i32
      %sub3A_225 = arith.subi %div3A_204, %sub3A_224 : i32
      %select_n3A_226 = arith.select %and3A_223, %sub3A_225, %div3A_204 : i32
      %mul3A_227 = arith.constant 128 : i32
      %mul3A_228 = arith.muli %select_n3A_226, %mul3A_227 : i32
      %multiple_of3A_229 = tpu.assume_multiple %mul3A_228, 128 : i32
      %dma_start3A_230 = arith.constant 0 : i32
      %dma_start3A_231 = arith.constant 640 : i32
      %dma_start3A_232 = tpu.memref_slice %arg9[%dma_start3A_230, %dma_start3A_231] : memref<32x2048xf32, #tpu.memory_space<vmem>> -> memref<32x128xf32, #tpu.memory_space<vmem>>
      %dma_start3A_233 = arith.constant 0 : i32
      %dma_start3A_234 = tpu.memref_slice %arg5[%dma_start3A_233, %multiple_of3A_229] : memref<32x1000000xf32, #tpu.memory_space<hbm>> -> memref<32x128xf32, #tpu.memory_space<hbm>>
      %dma_start3A_235 = arith.constant 0 : i32
      %dma_start3A_236 = arith.constant 640 : i32
      %dma_start3A_237 = tpu.memref_slice %arg9[%dma_start3A_235, %dma_start3A_236] : memref<32x2048xf32, #tpu.memory_space<vmem>> -> memref<32x128xf32, #tpu.memory_space<vmem>>
      %dma_start3A_238 = arith.constant 0 : i32
      %dma_start3A_239 = tpu.memref_slice %arg5[%dma_start3A_238, %multiple_of3A_229] : memref<32x1000000xf32, #tpu.memory_space<hbm>> -> memref<32x128xf32, #tpu.memory_space<hbm>>
      tpu.enqueue_dma source(%dma_start3A_239 : memref<32x128xf32, #tpu.memory_space<hbm>>) target(%dma_start3A_237 : memref<32x128xf32, #tpu.memory_space<vmem>>) target_semaphore(%arg12 : memref<!tpu.dma_semaphore, #tpu.memory_space<semaphore_mem>>)
      %slice3A_240 = vector.extract_strided_slice %get3A_17 {offsets = [6], sizes = [1], strides = [1]} : vector<16xi32> to vector<1xi32>
      %squeeze3A_241 = vector.extract %slice3A_240[0] : i32 from vector<1xi32>
      %jit3A_242 = arith.constant 128 : i32
      %div3A_243 = arith.divsi %squeeze3A_241, %jit3A_242 : i32
      %sign3A_244 = arith.constant 0 : i32
      %sign3A_245 = arith.cmpi sgt, %squeeze3A_241, %sign3A_244 : i32
      %sign3A_246 = arith.extui %sign3A_245 : i1 to i32
      %sign3A_247 = arith.constant 0 : i32
      %sign3A_248 = arith.cmpi slt, %squeeze3A_241, %sign3A_247 : i32
      %sign3A_249 = arith.extui %sign3A_248 : i1 to i32
      %sign3A_250 = arith.subi %sign3A_246, %sign3A_249 : i32
      %sign3A_251 = arith.constant 0 : i32
      %sign3A_252 = arith.cmpi sgt, %jit3A_242, %sign3A_251 : i32
      %sign3A_253 = arith.extui %sign3A_252 : i1 to i32
      %sign3A_254 = arith.constant 0 : i32
      %sign3A_255 = arith.cmpi slt, %jit3A_242, %sign3A_254 : i32
      %sign3A_256 = arith.extui %sign3A_255 : i1 to i32
      %sign3A_257 = arith.subi %sign3A_253, %sign3A_256 : i32
      %ne3A_258 = arith.cmpi ne, %sign3A_250, %sign3A_257 : i32
      %rem3A_259 = arith.remsi %squeeze3A_241, %jit3A_242 : i32
      %ne3A_260 = arith.constant 0 : i32
      %ne3A_261 = arith.cmpi ne, %rem3A_259, %ne3A_260 : i32
      %and3A_262 = arith.andi %ne3A_258, %ne3A_261 : i1
      %sub3A_263 = arith.constant 1 : i32
      %sub3A_264 = arith.subi %div3A_243, %sub3A_263 : i32
      %select_n3A_265 = arith.select %and3A_262, %sub3A_264, %div3A_243 : i32
      %mul3A_266 = arith.constant 128 : i32
      %mul3A_267 = arith.muli %select_n3A_265, %mul3A_266 : i32
      %multiple_of3A_268 = tpu.assume_multiple %mul3A_267, 128 : i32
      %dma_start3A_269 = arith.constant 0 : i32
      %dma_start3A_270 = arith.constant 768 : i32
      %dma_start3A_271 = tpu.memref_slice %arg9[%dma_start3A_269, %dma_start3A_270] : memref<32x2048xf32, #tpu.memory_space<vmem>> -> memref<32x128xf32, #tpu.memory_space<vmem>>
      %dma_start3A_272 = arith.constant 0 : i32
      %dma_start3A_273 = tpu.memref_slice %arg5[%dma_start3A_272, %multiple_of3A_268] : memref<32x1000000xf32, #tpu.memory_space<hbm>> -> memref<32x128xf32, #tpu.memory_space<hbm>>
      %dma_start3A_274 = arith.constant 0 : i32
      %dma_start3A_275 = arith.constant 768 : i32
      %dma_start3A_276 = tpu.memref_slice %arg9[%dma_start3A_274, %dma_start3A_275] : memref<32x2048xf32, #tpu.memory_space<vmem>> -> memref<32x128xf32, #tpu.memory_space<vmem>>
      %dma_start3A_277 = arith.constant 0 : i32
      %dma_start3A_278 = tpu.memref_slice %arg5[%dma_start3A_277, %multiple_of3A_268] : memref<32x1000000xf32, #tpu.memory_space<hbm>> -> memref<32x128xf32, #tpu.memory_space<hbm>>
      tpu.enqueue_dma source(%dma_start3A_278 : memref<32x128xf32, #tpu.memory_space<hbm>>) target(%dma_start3A_276 : memref<32x128xf32, #tpu.memory_space<vmem>>) target_semaphore(%arg12 : memref<!tpu.dma_semaphore, #tpu.memory_space<semaphore_mem>>)
      %slice3A_279 = vector.extract_strided_slice %get3A_17 {offsets = [7], sizes = [1], strides = [1]} : vector<16xi32> to vector<1xi32>
      %squeeze3A_280 = vector.extract %slice3A_279[0] : i32 from vector<1xi32>
      %jit3A_281 = arith.constant 128 : i32
      %div3A_282 = arith.divsi %squeeze3A_280, %jit3A_281 : i32
      %sign3A_283 = arith.constant 0 : i32
      %sign3A_284 = arith.cmpi sgt, %squeeze3A_280, %sign3A_283 : i32
      %sign3A_285 = arith.extui %sign3A_284 : i1 to i32
      %sign3A_286 = arith.constant 0 : i32
      %sign3A_287 = arith.cmpi slt, %squeeze3A_280, %sign3A_286 : i32
      %sign3A_288 = arith.extui %sign3A_287 : i1 to i32
      %sign3A_289 = arith.subi %sign3A_285, %sign3A_288 : i32
      %sign3A_290 = arith.constant 0 : i32
      %sign3A_291 = arith.cmpi sgt, %jit3A_281, %sign3A_290 : i32
      %sign3A_292 = arith.extui %sign3A_291 : i1 to i32
      %sign3A_293 = arith.constant 0 : i32
      %sign3A_294 = arith.cmpi slt, %jit3A_281, %sign3A_293 : i32
      %sign3A_295 = arith.extui %sign3A_294 : i1 to i32
      %sign3A_296 = arith.subi %sign3A_292, %sign3A_295 : i32
      %ne3A_297 = arith.cmpi ne, %sign3A_289, %sign3A_296 : i32
      %rem3A_298 = arith.remsi %squeeze3A_280, %jit3A_281 : i32
      %ne3A_299 = arith.constant 0 : i32
      %ne3A_300 = arith.cmpi ne, %rem3A_298, %ne3A_299 : i32
      %and3A_301 = arith.andi %ne3A_297, %ne3A_300 : i1
      %sub3A_302 = arith.constant 1 : i32
      %sub3A_303 = arith.subi %div3A_282, %sub3A_302 : i32
      %select_n3A_304 = arith.select %and3A_301, %sub3A_303, %div3A_282 : i32
      %mul3A_305 = arith.constant 128 : i32
      %mul3A_306 = arith.muli %select_n3A_304, %mul3A_305 : i32
      %multiple_of3A_307 = tpu.assume_multiple %mul3A_306, 128 : i32
      %dma_start3A_308 = arith.constant 0 : i32
      %dma_start3A_309 = arith.constant 896 : i32
      %dma_start3A_310 = tpu.memref_slice %arg9[%dma_start3A_308, %dma_start3A_309] : memref<32x2048xf32, #tpu.memory_space<vmem>> -> memref<32x128xf32, #tpu.memory_space<vmem>>
      %dma_start3A_311 = arith.constant 0 : i32
      %dma_start3A_312 = tpu.memref_slice %arg5[%dma_start3A_311, %multiple_of3A_307] : memref<32x1000000xf32, #tpu.memory_space<hbm>> -> memref<32x128xf32, #tpu.memory_space<hbm>>
      %dma_start3A_313 = arith.constant 0 : i32
      %dma_start3A_314 = arith.constant 896 : i32
      %dma_start3A_315 = tpu.memref_slice %arg9[%dma_start3A_313, %dma_start3A_314] : memref<32x2048xf32, #tpu.memory_space<vmem>> -> memref<32x128xf32, #tpu.memory_space<vmem>>
      %dma_start3A_316 = arith.constant 0 : i32
      %dma_start3A_317 = tpu.memref_slice %arg5[%dma_start3A_316, %multiple_of3A_307] : memref<32x1000000xf32, #tpu.memory_space<hbm>> -> memref<32x128xf32, #tpu.memory_space<hbm>>
      tpu.enqueue_dma source(%dma_start3A_317 : memref<32x128xf32, #tpu.memory_space<hbm>>) target(%dma_start3A_315 : memref<32x128xf32, #tpu.memory_space<vmem>>) target_semaphore(%arg12 : memref<!tpu.dma_semaphore, #tpu.memory_space<semaphore_mem>>)
      %slice3A_318 = vector.extract_strided_slice %get3A_17 {offsets = [8], sizes = [1], strides = [1]} : vector<16xi32> to vector<1xi32>
      %squeeze3A_319 = vector.extract %slice3A_318[0] : i32 from vector<1xi32>
      %jit3A_320 = arith.constant 128 : i32
      %div3A_321 = arith.divsi %squeeze3A_319, %jit3A_320 : i32
      %sign3A_322 = arith.constant 0 : i32
      %sign3A_323 = arith.cmpi sgt, %squeeze3A_319, %sign3A_322 : i32
      %sign3A_324 = arith.extui %sign3A_323 : i1 to i32
      %sign3A_325 = arith.constant 0 : i32
      %sign3A_326 = arith.cmpi slt, %squeeze3A_319, %sign3A_325 : i32
      %sign3A_327 = arith.extui %sign3A_326 : i1 to i32
      %sign3A_328 = arith.subi %sign3A_324, %sign3A_327 : i32
      %sign3A_329 = arith.constant 0 : i32
      %sign3A_330 = arith.cmpi sgt, %jit3A_320, %sign3A_329 : i32
      %sign3A_331 = arith.extui %sign3A_330 : i1 to i32
      %sign3A_332 = arith.constant 0 : i32
      %sign3A_333 = arith.cmpi slt, %jit3A_320, %sign3A_332 : i32
      %sign3A_334 = arith.extui %sign3A_333 : i1 to i32
      %sign3A_335 = arith.subi %sign3A_331, %sign3A_334 : i32
      %ne3A_336 = arith.cmpi ne, %sign3A_328, %sign3A_335 : i32
      %rem3A_337 = arith.remsi %squeeze3A_319, %jit3A_320 : i32
      %ne3A_338 = arith.constant 0 : i32
      %ne3A_339 = arith.cmpi ne, %rem3A_337, %ne3A_338 : i32
      %and3A_340 = arith.andi %ne3A_336, %ne3A_339 : i1
      %sub3A_341 = arith.constant 1 : i32
      %sub3A_342 = arith.subi %div3A_321, %sub3A_341 : i32
      %select_n3A_343 = arith.select %and3A_340, %sub3A_342, %div3A_321 : i32
      %mul3A_344 = arith.constant 128 : i32
      %mul3A_345 = arith.muli %select_n3A_343, %mul3A_344 : i32
      %multiple_of3A_346 = tpu.assume_multiple %mul3A_345, 128 : i32
      %dma_start3A_347 = arith.constant 0 : i32
      %dma_start3A_348 = arith.constant 1024 : i32
      %dma_start3A_349 = tpu.memref_slice %arg9[%dma_start3A_347, %dma_start3A_348] : memref<32x2048xf32, #tpu.memory_space<vmem>> -> memref<32x128xf32, #tpu.memory_space<vmem>>
      %dma_start3A_350 = arith.constant 0 : i32
      %dma_start3A_351 = tpu.memref_slice %arg5[%dma_start3A_350, %multiple_of3A_346] : memref<32x1000000xf32, #tpu.memory_space<hbm>> -> memref<32x128xf32, #tpu.memory_space<hbm>>
      %dma_start3A_352 = arith.constant 0 : i32
      %dma_start3A_353 = arith.constant 1024 : i32
      %dma_start3A_354 = tpu.memref_slice %arg9[%dma_start3A_352, %dma_start3A_353] : memref<32x2048xf32, #tpu.memory_space<vmem>> -> memref<32x128xf32, #tpu.memory_space<vmem>>
      %dma_start3A_355 = arith.constant 0 : i32
      %dma_start3A_356 = tpu.memref_slice %arg5[%dma_start3A_355, %multiple_of3A_346] : memref<32x1000000xf32, #tpu.memory_space<hbm>> -> memref<32x128xf32, #tpu.memory_space<hbm>>
      tpu.enqueue_dma source(%dma_start3A_356 : memref<32x128xf32, #tpu.memory_space<hbm>>) target(%dma_start3A_354 : memref<32x128xf32, #tpu.memory_space<vmem>>) target_semaphore(%arg12 : memref<!tpu.dma_semaphore, #tpu.memory_space<semaphore_mem>>)
      %slice3A_357 = vector.extract_strided_slice %get3A_17 {offsets = [9], sizes = [1], strides = [1]} : vector<16xi32> to vector<1xi32>
      %squeeze3A_358 = vector.extract %slice3A_357[0] : i32 from vector<1xi32>
      %jit3A_359 = arith.constant 128 : i32
      %div3A_360 = arith.divsi %squeeze3A_358, %jit3A_359 : i32
      %sign3A_361 = arith.constant 0 : i32
      %sign3A_362 = arith.cmpi sgt, %squeeze3A_358, %sign3A_361 : i32
      %sign3A_363 = arith.extui %sign3A_362 : i1 to i32
      %sign3A_364 = arith.constant 0 : i32
      %sign3A_365 = arith.cmpi slt, %squeeze3A_358, %sign3A_364 : i32
      %sign3A_366 = arith.extui %sign3A_365 : i1 to i32
      %sign3A_367 = arith.subi %sign3A_363, %sign3A_366 : i32
      %sign3A_368 = arith.constant 0 : i32
      %sign3A_369 = arith.cmpi sgt, %jit3A_359, %sign3A_368 : i32
      %sign3A_370 = arith.extui %sign3A_369 : i1 to i32
      %sign3A_371 = arith.constant 0 : i32
      %sign3A_372 = arith.cmpi slt, %jit3A_359, %sign3A_371 : i32
      %sign3A_373 = arith.extui %sign3A_372 : i1 to i32
      %sign3A_374 = arith.subi %sign3A_370, %sign3A_373 : i32
      %ne3A_375 = arith.cmpi ne, %sign3A_367, %sign3A_374 : i32
      %rem3A_376 = arith.remsi %squeeze3A_358, %jit3A_359 : i32
      %ne3A_377 = arith.constant 0 : i32
      %ne3A_378 = arith.cmpi ne, %rem3A_376, %ne3A_377 : i32
      %and3A_379 = arith.andi %ne3A_375, %ne3A_378 : i1
      %sub3A_380 = arith.constant 1 : i32
      %sub3A_381 = arith.subi %div3A_360, %sub3A_380 : i32
      %select_n3A_382 = arith.select %and3A_379, %sub3A_381, %div3A_360 : i32
      %mul3A_383 = arith.constant 128 : i32
      %mul3A_384 = arith.muli %select_n3A_382, %mul3A_383 : i32
      %multiple_of3A_385 = tpu.assume_multiple %mul3A_384, 128 : i32
      %dma_start3A_386 = arith.constant 0 : i32
      %dma_start3A_387 = arith.constant 1152 : i32
      %dma_start3A_388 = tpu.memref_slice %arg9[%dma_start3A_386, %dma_start3A_387] : memref<32x2048xf32, #tpu.memory_space<vmem>> -> memref<32x128xf32, #tpu.memory_space<vmem>>
      %dma_start3A_389 = arith.constant 0 : i32
      %dma_start3A_390 = tpu.memref_slice %arg5[%dma_start3A_389, %multiple_of3A_385] : memref<32x1000000xf32, #tpu.memory_space<hbm>> -> memref<32x128xf32, #tpu.memory_space<hbm>>
      %dma_start3A_391 = arith.constant 0 : i32
      %dma_start3A_392 = arith.constant 1152 : i32
      %dma_start3A_393 = tpu.memref_slice %arg9[%dma_start3A_391, %dma_start3A_392] : memref<32x2048xf32, #tpu.memory_space<vmem>> -> memref<32x128xf32, #tpu.memory_space<vmem>>
      %dma_start3A_394 = arith.constant 0 : i32
      %dma_start3A_395 = tpu.memref_slice %arg5[%dma_start3A_394, %multiple_of3A_385] : memref<32x1000000xf32, #tpu.memory_space<hbm>> -> memref<32x128xf32, #tpu.memory_space<hbm>>
      tpu.enqueue_dma source(%dma_start3A_395 : memref<32x128xf32, #tpu.memory_space<hbm>>) target(%dma_start3A_393 : memref<32x128xf32, #tpu.memory_space<vmem>>) target_semaphore(%arg12 : memref<!tpu.dma_semaphore, #tpu.memory_space<semaphore_mem>>)
      %slice3A_396 = vector.extract_strided_slice %get3A_17 {offsets = [10], sizes = [1], strides = [1]} : vector<16xi32> to vector<1xi32>
      %squeeze3A_397 = vector.extract %slice3A_396[0] : i32 from vector<1xi32>
      %jit3A_398 = arith.constant 128 : i32
      %div3A_399 = arith.divsi %squeeze3A_397, %jit3A_398 : i32
      %sign3A_400 = arith.constant 0 : i32
      %sign3A_401 = arith.cmpi sgt, %squeeze3A_397, %sign3A_400 : i32
      %sign3A_402 = arith.extui %sign3A_401 : i1 to i32
      %sign3A_403 = arith.constant 0 : i32
      %sign3A_404 = arith.cmpi slt, %squeeze3A_397, %sign3A_403 : i32
      %sign3A_405 = arith.extui %sign3A_404 : i1 to i32
      %sign3A_406 = arith.subi %sign3A_402, %sign3A_405 : i32
      %sign3A_407 = arith.constant 0 : i32
      %sign3A_408 = arith.cmpi sgt, %jit3A_398, %sign3A_407 : i32
      %sign3A_409 = arith.extui %sign3A_408 : i1 to i32
      %sign3A_410 = arith.constant 0 : i32
      %sign3A_411 = arith.cmpi slt, %jit3A_398, %sign3A_410 : i32
      %sign3A_412 = arith.extui %sign3A_411 : i1 to i32
      %sign3A_413 = arith.subi %sign3A_409, %sign3A_412 : i32
      %ne3A_414 = arith.cmpi ne, %sign3A_406, %sign3A_413 : i32
      %rem3A_415 = arith.remsi %squeeze3A_397, %jit3A_398 : i32
      %ne3A_416 = arith.constant 0 : i32
      %ne3A_417 = arith.cmpi ne, %rem3A_415, %ne3A_416 : i32
      %and3A_418 = arith.andi %ne3A_414, %ne3A_417 : i1
      %sub3A_419 = arith.constant 1 : i32
      %sub3A_420 = arith.subi %div3A_399, %sub3A_419 : i32
      %select_n3A_421 = arith.select %and3A_418, %sub3A_420, %div3A_399 : i32
      %mul3A_422 = arith.constant 128 : i32
      %mul3A_423 = arith.muli %select_n3A_421, %mul3A_422 : i32
      %multiple_of3A_424 = tpu.assume_multiple %mul3A_423, 128 : i32
      %dma_start3A_425 = arith.constant 0 : i32
      %dma_start3A_426 = arith.constant 1280 : i32
      %dma_start3A_427 = tpu.memref_slice %arg9[%dma_start3A_425, %dma_start3A_426] : memref<32x2048xf32, #tpu.memory_space<vmem>> -> memref<32x128xf32, #tpu.memory_space<vmem>>
      %dma_start3A_428 = arith.constant 0 : i32
      %dma_start3A_429 = tpu.memref_slice %arg5[%dma_start3A_428, %multiple_of3A_424] : memref<32x1000000xf32, #tpu.memory_space<hbm>> -> memref<32x128xf32, #tpu.memory_space<hbm>>
      %dma_start3A_430 = arith.constant 0 : i32
      %dma_start3A_431 = arith.constant 1280 : i32
      %dma_start3A_432 = tpu.memref_slice %arg9[%dma_start3A_430, %dma_start3A_431] : memref<32x2048xf32, #tpu.memory_space<vmem>> -> memref<32x128xf32, #tpu.memory_space<vmem>>
      %dma_start3A_433 = arith.constant 0 : i32
      %dma_start3A_434 = tpu.memref_slice %arg5[%dma_start3A_433, %multiple_of3A_424] : memref<32x1000000xf32, #tpu.memory_space<hbm>> -> memref<32x128xf32, #tpu.memory_space<hbm>>
      tpu.enqueue_dma source(%dma_start3A_434 : memref<32x128xf32, #tpu.memory_space<hbm>>) target(%dma_start3A_432 : memref<32x128xf32, #tpu.memory_space<vmem>>) target_semaphore(%arg12 : memref<!tpu.dma_semaphore, #tpu.memory_space<semaphore_mem>>)
      %slice3A_435 = vector.extract_strided_slice %get3A_17 {offsets = [11], sizes = [1], strides = [1]} : vector<16xi32> to vector<1xi32>
      %squeeze3A_436 = vector.extract %slice3A_435[0] : i32 from vector<1xi32>
      %jit3A_437 = arith.constant 128 : i32
      %div3A_438 = arith.divsi %squeeze3A_436, %jit3A_437 : i32
      %sign3A_439 = arith.constant 0 : i32
      %sign3A_440 = arith.cmpi sgt, %squeeze3A_436, %sign3A_439 : i32
      %sign3A_441 = arith.extui %sign3A_440 : i1 to i32
      %sign3A_442 = arith.constant 0 : i32
      %sign3A_443 = arith.cmpi slt, %squeeze3A_436, %sign3A_442 : i32
      %sign3A_444 = arith.extui %sign3A_443 : i1 to i32
      %sign3A_445 = arith.subi %sign3A_441, %sign3A_444 : i32
      %sign3A_446 = arith.constant 0 : i32
      %sign3A_447 = arith.cmpi sgt, %jit3A_437, %sign3A_446 : i32
      %sign3A_448 = arith.extui %sign3A_447 : i1 to i32
      %sign3A_449 = arith.constant 0 : i32
      %sign3A_450 = arith.cmpi slt, %jit3A_437, %sign3A_449 : i32
      %sign3A_451 = arith.extui %sign3A_450 : i1 to i32
      %sign3A_452 = arith.subi %sign3A_448, %sign3A_451 : i32
      %ne3A_453 = arith.cmpi ne, %sign3A_445, %sign3A_452 : i32
      %rem3A_454 = arith.remsi %squeeze3A_436, %jit3A_437 : i32
      %ne3A_455 = arith.constant 0 : i32
      %ne3A_456 = arith.cmpi ne, %rem3A_454, %ne3A_455 : i32
      %and3A_457 = arith.andi %ne3A_453, %ne3A_456 : i1
      %sub3A_458 = arith.constant 1 : i32
      %sub3A_459 = arith.subi %div3A_438, %sub3A_458 : i32
      %select_n3A_460 = arith.select %and3A_457, %sub3A_459, %div3A_438 : i32
      %mul3A_461 = arith.constant 128 : i32
      %mul3A_462 = arith.muli %select_n3A_460, %mul3A_461 : i32
      %multiple_of3A_463 = tpu.assume_multiple %mul3A_462, 128 : i32
      %dma_start3A_464 = arith.constant 0 : i32
      %dma_start3A_465 = arith.constant 1408 : i32
      %dma_start3A_466 = tpu.memref_slice %arg9[%dma_start3A_464, %dma_start3A_465] : memref<32x2048xf32, #tpu.memory_space<vmem>> -> memref<32x128xf32, #tpu.memory_space<vmem>>
      %dma_start3A_467 = arith.constant 0 : i32
      %dma_start3A_468 = tpu.memref_slice %arg5[%dma_start3A_467, %multiple_of3A_463] : memref<32x1000000xf32, #tpu.memory_space<hbm>> -> memref<32x128xf32, #tpu.memory_space<hbm>>
      %dma_start3A_469 = arith.constant 0 : i32
      %dma_start3A_470 = arith.constant 1408 : i32
      %dma_start3A_471 = tpu.memref_slice %arg9[%dma_start3A_469, %dma_start3A_470] : memref<32x2048xf32, #tpu.memory_space<vmem>> -> memref<32x128xf32, #tpu.memory_space<vmem>>
      %dma_start3A_472 = arith.constant 0 : i32
      %dma_start3A_473 = tpu.memref_slice %arg5[%dma_start3A_472, %multiple_of3A_463] : memref<32x1000000xf32, #tpu.memory_space<hbm>> -> memref<32x128xf32, #tpu.memory_space<hbm>>
      tpu.enqueue_dma source(%dma_start3A_473 : memref<32x128xf32, #tpu.memory_space<hbm>>) target(%dma_start3A_471 : memref<32x128xf32, #tpu.memory_space<vmem>>) target_semaphore(%arg12 : memref<!tpu.dma_semaphore, #tpu.memory_space<semaphore_mem>>)
      %slice3A_474 = vector.extract_strided_slice %get3A_17 {offsets = [12], sizes = [1], strides = [1]} : vector<16xi32> to vector<1xi32>
      %squeeze3A_475 = vector.extract %slice3A_474[0] : i32 from vector<1xi32>
      %jit3A_476 = arith.constant 128 : i32
      %div3A_477 = arith.divsi %squeeze3A_475, %jit3A_476 : i32
      %sign3A_478 = arith.constant 0 : i32
      %sign3A_479 = arith.cmpi sgt, %squeeze3A_475, %sign3A_478 : i32
      %sign3A_480 = arith.extui %sign3A_479 : i1 to i32
      %sign3A_481 = arith.constant 0 : i32
      %sign3A_482 = arith.cmpi slt, %squeeze3A_475, %sign3A_481 : i32
      %sign3A_483 = arith.extui %sign3A_482 : i1 to i32
      %sign3A_484 = arith.subi %sign3A_480, %sign3A_483 : i32
      %sign3A_485 = arith.constant 0 : i32
      %sign3A_486 = arith.cmpi sgt, %jit3A_476, %sign3A_485 : i32
      %sign3A_487 = arith.extui %sign3A_486 : i1 to i32
      %sign3A_488 = arith.constant 0 : i32
      %sign3A_489 = arith.cmpi slt, %jit3A_476, %sign3A_488 : i32
      %sign3A_490 = arith.extui %sign3A_489 : i1 to i32
      %sign3A_491 = arith.subi %sign3A_487, %sign3A_490 : i32
      %ne3A_492 = arith.cmpi ne, %sign3A_484, %sign3A_491 : i32
      %rem3A_493 = arith.remsi %squeeze3A_475, %jit3A_476 : i32
      %ne3A_494 = arith.constant 0 : i32
      %ne3A_495 = arith.cmpi ne, %rem3A_493, %ne3A_494 : i32
      %and3A_496 = arith.andi %ne3A_492, %ne3A_495 : i1
      %sub3A_497 = arith.constant 1 : i32
      %sub3A_498 = arith.subi %div3A_477, %sub3A_497 : i32
      %select_n3A_499 = arith.select %and3A_496, %sub3A_498, %div3A_477 : i32
      %mul3A_500 = arith.constant 128 : i32
      %mul3A_501 = arith.muli %select_n3A_499, %mul3A_500 : i32
      %multiple_of3A_502 = tpu.assume_multiple %mul3A_501, 128 : i32
      %dma_start3A_503 = arith.constant 0 : i32
      %dma_start3A_504 = arith.constant 1536 : i32
      %dma_start3A_505 = tpu.memref_slice %arg9[%dma_start3A_503, %dma_start3A_504] : memref<32x2048xf32, #tpu.memory_space<vmem>> -> memref<32x128xf32, #tpu.memory_space<vmem>>
      %dma_start3A_506 = arith.constant 0 : i32
      %dma_start3A_507 = tpu.memref_slice %arg5[%dma_start3A_506, %multiple_of3A_502] : memref<32x1000000xf32, #tpu.memory_space<hbm>> -> memref<32x128xf32, #tpu.memory_space<hbm>>
      %dma_start3A_508 = arith.constant 0 : i32
      %dma_start3A_509 = arith.constant 1536 : i32
      %dma_start3A_510 = tpu.memref_slice %arg9[%dma_start3A_508, %dma_start3A_509] : memref<32x2048xf32, #tpu.memory_space<vmem>> -> memref<32x128xf32, #tpu.memory_space<vmem>>
      %dma_start3A_511 = arith.constant 0 : i32
      %dma_start3A_512 = tpu.memref_slice %arg5[%dma_start3A_511, %multiple_of3A_502] : memref<32x1000000xf32, #tpu.memory_space<hbm>> -> memref<32x128xf32, #tpu.memory_space<hbm>>
      tpu.enqueue_dma source(%dma_start3A_512 : memref<32x128xf32, #tpu.memory_space<hbm>>) target(%dma_start3A_510 : memref<32x128xf32, #tpu.memory_space<vmem>>) target_semaphore(%arg12 : memref<!tpu.dma_semaphore, #tpu.memory_space<semaphore_mem>>)
      %slice3A_513 = vector.extract_strided_slice %get3A_17 {offsets = [13], sizes = [1], strides = [1]} : vector<16xi32> to vector<1xi32>
      %squeeze3A_514 = vector.extract %slice3A_513[0] : i32 from vector<1xi32>
      %jit3A_515 = arith.constant 128 : i32
      %div3A_516 = arith.divsi %squeeze3A_514, %jit3A_515 : i32
      %sign3A_517 = arith.constant 0 : i32
      %sign3A_518 = arith.cmpi sgt, %squeeze3A_514, %sign3A_517 : i32
      %sign3A_519 = arith.extui %sign3A_518 : i1 to i32
      %sign3A_520 = arith.constant 0 : i32
      %sign3A_521 = arith.cmpi slt, %squeeze3A_514, %sign3A_520 : i32
      %sign3A_522 = arith.extui %sign3A_521 : i1 to i32
      %sign3A_523 = arith.subi %sign3A_519, %sign3A_522 : i32
      %sign3A_524 = arith.constant 0 : i32
      %sign3A_525 = arith.cmpi sgt, %jit3A_515, %sign3A_524 : i32
      %sign3A_526 = arith.extui %sign3A_525 : i1 to i32
      %sign3A_527 = arith.constant 0 : i32
      %sign3A_528 = arith.cmpi slt, %jit3A_515, %sign3A_527 : i32
      %sign3A_529 = arith.extui %sign3A_528 : i1 to i32
      %sign3A_530 = arith.subi %sign3A_526, %sign3A_529 : i32
      %ne3A_531 = arith.cmpi ne, %sign3A_523, %sign3A_530 : i32
      %rem3A_532 = arith.remsi %squeeze3A_514, %jit3A_515 : i32
      %ne3A_533 = arith.constant 0 : i32
      %ne3A_534 = arith.cmpi ne, %rem3A_532, %ne3A_533 : i32
      %and3A_535 = arith.andi %ne3A_531, %ne3A_534 : i1
      %sub3A_536 = arith.constant 1 : i32
      %sub3A_537 = arith.subi %div3A_516, %sub3A_536 : i32
      %select_n3A_538 = arith.select %and3A_535, %sub3A_537, %div3A_516 : i32
      %mul3A_539 = arith.constant 128 : i32
      %mul3A_540 = arith.muli %select_n3A_538, %mul3A_539 : i32
      %multiple_of3A_541 = tpu.assume_multiple %mul3A_540, 128 : i32
      %dma_start3A_542 = arith.constant 0 : i32
      %dma_start3A_543 = arith.constant 1664 : i32
      %dma_start3A_544 = tpu.memref_slice %arg9[%dma_start3A_542, %dma_start3A_543] : memref<32x2048xf32, #tpu.memory_space<vmem>> -> memref<32x128xf32, #tpu.memory_space<vmem>>
      %dma_start3A_545 = arith.constant 0 : i32
      %dma_start3A_546 = tpu.memref_slice %arg5[%dma_start3A_545, %multiple_of3A_541] : memref<32x1000000xf32, #tpu.memory_space<hbm>> -> memref<32x128xf32, #tpu.memory_space<hbm>>
      %dma_start3A_547 = arith.constant 0 : i32
      %dma_start3A_548 = arith.constant 1664 : i32
      %dma_start3A_549 = tpu.memref_slice %arg9[%dma_start3A_547, %dma_start3A_548] : memref<32x2048xf32, #tpu.memory_space<vmem>> -> memref<32x128xf32, #tpu.memory_space<vmem>>
      %dma_start3A_550 = arith.constant 0 : i32
      %dma_start3A_551 = tpu.memref_slice %arg5[%dma_start3A_550, %multiple_of3A_541] : memref<32x1000000xf32, #tpu.memory_space<hbm>> -> memref<32x128xf32, #tpu.memory_space<hbm>>
      tpu.enqueue_dma source(%dma_start3A_551 : memref<32x128xf32, #tpu.memory_space<hbm>>) target(%dma_start3A_549 : memref<32x128xf32, #tpu.memory_space<vmem>>) target_semaphore(%arg12 : memref<!tpu.dma_semaphore, #tpu.memory_space<semaphore_mem>>)
      %slice3A_552 = vector.extract_strided_slice %get3A_17 {offsets = [14], sizes = [1], strides = [1]} : vector<16xi32> to vector<1xi32>
      %squeeze3A_553 = vector.extract %slice3A_552[0] : i32 from vector<1xi32>
      %jit3A_554 = arith.constant 128 : i32
      %div3A_555 = arith.divsi %squeeze3A_553, %jit3A_554 : i32
      %sign3A_556 = arith.constant 0 : i32
      %sign3A_557 = arith.cmpi sgt, %squeeze3A_553, %sign3A_556 : i32
      %sign3A_558 = arith.extui %sign3A_557 : i1 to i32
      %sign3A_559 = arith.constant 0 : i32
      %sign3A_560 = arith.cmpi slt, %squeeze3A_553, %sign3A_559 : i32
      %sign3A_561 = arith.extui %sign3A_560 : i1 to i32
      %sign3A_562 = arith.subi %sign3A_558, %sign3A_561 : i32
      %sign3A_563 = arith.constant 0 : i32
      %sign3A_564 = arith.cmpi sgt, %jit3A_554, %sign3A_563 : i32
      %sign3A_565 = arith.extui %sign3A_564 : i1 to i32
      %sign3A_566 = arith.constant 0 : i32
      %sign3A_567 = arith.cmpi slt, %jit3A_554, %sign3A_566 : i32
      %sign3A_568 = arith.extui %sign3A_567 : i1 to i32
      %sign3A_569 = arith.subi %sign3A_565, %sign3A_568 : i32
      %ne3A_570 = arith.cmpi ne, %sign3A_562, %sign3A_569 : i32
      %rem3A_571 = arith.remsi %squeeze3A_553, %jit3A_554 : i32
      %ne3A_572 = arith.constant 0 : i32
      %ne3A_573 = arith.cmpi ne, %rem3A_571, %ne3A_572 : i32
      %and3A_574 = arith.andi %ne3A_570, %ne3A_573 : i1
      %sub3A_575 = arith.constant 1 : i32
      %sub3A_576 = arith.subi %div3A_555, %sub3A_575 : i32
      %select_n3A_577 = arith.select %and3A_574, %sub3A_576, %div3A_555 : i32
      %mul3A_578 = arith.constant 128 : i32
      %mul3A_579 = arith.muli %select_n3A_577, %mul3A_578 : i32
      %multiple_of3A_580 = tpu.assume_multiple %mul3A_579, 128 : i32
      %dma_start3A_581 = arith.constant 0 : i32
      %dma_start3A_582 = arith.constant 1792 : i32
      %dma_start3A_583 = tpu.memref_slice %arg9[%dma_start3A_581, %dma_start3A_582] : memref<32x2048xf32, #tpu.memory_space<vmem>> -> memref<32x128xf32, #tpu.memory_space<vmem>>
      %dma_start3A_584 = arith.constant 0 : i32
      %dma_start3A_585 = tpu.memref_slice %arg5[%dma_start3A_584, %multiple_of3A_580] : memref<32x1000000xf32, #tpu.memory_space<hbm>> -> memref<32x128xf32, #tpu.memory_space<hbm>>
      %dma_start3A_586 = arith.constant 0 : i32
      %dma_start3A_587 = arith.constant 1792 : i32
      %dma_start3A_588 = tpu.memref_slice %arg9[%dma_start3A_586, %dma_start3A_587] : memref<32x2048xf32, #tpu.memory_space<vmem>> -> memref<32x128xf32, #tpu.memory_space<vmem>>
      %dma_start3A_589 = arith.constant 0 : i32
      %dma_start3A_590 = tpu.memref_slice %arg5[%dma_start3A_589, %multiple_of3A_580] : memref<32x1000000xf32, #tpu.memory_space<hbm>> -> memref<32x128xf32, #tpu.memory_space<hbm>>
      tpu.enqueue_dma source(%dma_start3A_590 : memref<32x128xf32, #tpu.memory_space<hbm>>) target(%dma_start3A_588 : memref<32x128xf32, #tpu.memory_space<vmem>>) target_semaphore(%arg12 : memref<!tpu.dma_semaphore, #tpu.memory_space<semaphore_mem>>)
      %slice3A_591 = vector.extract_strided_slice %get3A_17 {offsets = [15], sizes = [1], strides = [1]} : vector<16xi32> to vector<1xi32>
      %squeeze3A_592 = vector.extract %slice3A_591[0] : i32 from vector<1xi32>
      %jit3A_593 = arith.constant 128 : i32
      %div3A_594 = arith.divsi %squeeze3A_592, %jit3A_593 : i32
      %sign3A_595 = arith.constant 0 : i32
      %sign3A_596 = arith.cmpi sgt, %squeeze3A_592, %sign3A_595 : i32
      %sign3A_597 = arith.extui %sign3A_596 : i1 to i32
      %sign3A_598 = arith.constant 0 : i32
      %sign3A_599 = arith.cmpi slt, %squeeze3A_592, %sign3A_598 : i32
      %sign3A_600 = arith.extui %sign3A_599 : i1 to i32
      %sign3A_601 = arith.subi %sign3A_597, %sign3A_600 : i32
      %sign3A_602 = arith.constant 0 : i32
      %sign3A_603 = arith.cmpi sgt, %jit3A_593, %sign3A_602 : i32
      %sign3A_604 = arith.extui %sign3A_603 : i1 to i32
      %sign3A_605 = arith.constant 0 : i32
      %sign3A_606 = arith.cmpi slt, %jit3A_593, %sign3A_605 : i32
      %sign3A_607 = arith.extui %sign3A_606 : i1 to i32
      %sign3A_608 = arith.subi %sign3A_604, %sign3A_607 : i32
      %ne3A_609 = arith.cmpi ne, %sign3A_601, %sign3A_608 : i32
      %rem3A_610 = arith.remsi %squeeze3A_592, %jit3A_593 : i32
      %ne3A_611 = arith.constant 0 : i32
      %ne3A_612 = arith.cmpi ne, %rem3A_610, %ne3A_611 : i32
      %and3A_613 = arith.andi %ne3A_609, %ne3A_612 : i1
      %sub3A_614 = arith.constant 1 : i32
      %sub3A_615 = arith.subi %div3A_594, %sub3A_614 : i32
      %select_n3A_616 = arith.select %and3A_613, %sub3A_615, %div3A_594 : i32
      %mul3A_617 = arith.constant 128 : i32
      %mul3A_618 = arith.muli %select_n3A_616, %mul3A_617 : i32
      %multiple_of3A_619 = tpu.assume_multiple %mul3A_618, 128 : i32
      %dma_start3A_620 = arith.constant 0 : i32
      %dma_start3A_621 = arith.constant 1920 : i32
      %dma_start3A_622 = tpu.memref_slice %arg9[%dma_start3A_620, %dma_start3A_621] : memref<32x2048xf32, #tpu.memory_space<vmem>> -> memref<32x128xf32, #tpu.memory_space<vmem>>
      %dma_start3A_623 = arith.constant 0 : i32
      %dma_start3A_624 = tpu.memref_slice %arg5[%dma_start3A_623, %multiple_of3A_619] : memref<32x1000000xf32, #tpu.memory_space<hbm>> -> memref<32x128xf32, #tpu.memory_space<hbm>>
      %dma_start3A_625 = arith.constant 0 : i32
      %dma_start3A_626 = arith.constant 1920 : i32
      %dma_start3A_627 = tpu.memref_slice %arg9[%dma_start3A_625, %dma_start3A_626] : memref<32x2048xf32, #tpu.memory_space<vmem>> -> memref<32x128xf32, #tpu.memory_space<vmem>>
      %dma_start3A_628 = arith.constant 0 : i32
      %dma_start3A_629 = tpu.memref_slice %arg5[%dma_start3A_628, %multiple_of3A_619] : memref<32x1000000xf32, #tpu.memory_space<hbm>> -> memref<32x128xf32, #tpu.memory_space<hbm>>
      tpu.enqueue_dma source(%dma_start3A_629 : memref<32x128xf32, #tpu.memory_space<hbm>>) target(%dma_start3A_627 : memref<32x128xf32, #tpu.memory_space<vmem>>) target_semaphore(%arg12 : memref<!tpu.dma_semaphore, #tpu.memory_space<semaphore_mem>>)
      %dma_wait3A = arith.constant 0 : i32
      %dma_wait3A_630 = arith.constant 0 : i32
      %dma_wait3A_631 = tpu.memref_slice %arg5[%dma_wait3A, %dma_wait3A_630] : memref<32x1000000xf32, #tpu.memory_space<hbm>> -> memref<32x2048xf32, #tpu.memory_space<hbm>>
      %dma_wait3A_632 = arith.constant 0 : i32
      %dma_wait3A_633 = arith.constant 0 : i32
      %dma_wait3A_634 = tpu.memref_slice %arg5[%dma_wait3A_632, %dma_wait3A_633] : memref<32x1000000xf32, #tpu.memory_space<hbm>> -> memref<32x2048xf32, #tpu.memory_space<hbm>>
      tpu.wait_dma2 semaphore(%arg12 : memref<!tpu.dma_semaphore, #tpu.memory_space<semaphore_mem>>) src(%dma_wait3A_634 : memref<32x2048xf32, #tpu.memory_space<hbm>>) dst(%arg9 : memref<32x2048xf32, #tpu.memory_space<vmem>>)
      %mul3A_635 = arith.constant 128 : i32
      %mul3A_636 = vector.broadcast %mul3A_635 : i32 to vector<16xi32>
      %mul3A_637 = arith.muli %iota3A, %mul3A_636 : vector<16xi32>
      %jit3A_638 = arith.constant 128 : i32
      %eq3A = arith.constant 0 : i32
      %eq3A_639 = arith.cmpi eq, %jit3A_638, %eq3A : i32
      %jit3A_640 = arith.constant 1 : i32
      %select_n3A_641 = arith.select %eq3A_639, %jit3A_640, %jit3A_638 : i32
      %rem3A_642 = vector.broadcast %select_n3A_641 : i32 to vector<16xi32>
      %rem3A_643 = arith.remsi %get3A_17, %rem3A_642 : vector<16xi32>
      %ne3A_644 = arith.constant 0 : i32
      %ne3A_645 = vector.broadcast %ne3A_644 : i32 to vector<16xi32>
      %ne3A_646 = arith.cmpi ne, %rem3A_643, %ne3A_645 : vector<16xi32>
      %lt3A = arith.constant 0 : i32
      %lt3A_647 = vector.broadcast %lt3A : i32 to vector<16xi32>
      %lt3A_648 = arith.cmpi slt, %rem3A_643, %lt3A_647 : vector<16xi32>
      %lt3A_649 = arith.constant 0 : i32
      %lt3A_650 = arith.cmpi slt, %select_n3A_641, %lt3A_649 : i32
      %ne3A_651 = vector.broadcast %lt3A_650 : i1 to vector<16xi1>
      %ne3A_652 = vector.broadcast %ne3A_651 : vector<16xi1> to vector<16xi1>
      %ne3A_653 = arith.xori %lt3A_648, %ne3A_652 : vector<16xi1>
      %and3A_654 = arith.andi %ne3A_653, %ne3A_646 : vector<16xi1>
      %add3A_655 = vector.broadcast %select_n3A_641 : i32 to vector<16xi32>
      %add3A_656 = arith.addi %rem3A_643, %add3A_655 : vector<16xi32>
      %select_n3A_657 = arith.select %and3A_654, %add3A_656, %rem3A_643 : vector<16xi1>, vector<16xi32>
      %add3A_658 = arith.addi %mul3A_637, %select_n3A_657 : vector<16xi32>
      %broadcast_in_dim3A = arith.constant 0.000000e+00 : f32
      %broadcast_in_dim3A_659 = vector.broadcast %broadcast_in_dim3A : f32 to vector<16xf32>
      %broadcast_in_dim3A_660 = arith.constant 0 : i32
      %broadcast_in_dim3A_661 = vector.broadcast %broadcast_in_dim3A_660 : i32 to vector<16xi32>
      %add3A_662 = arith.constant 0 : i32
      %add3A_663 = vector.broadcast %add3A_662 : i32 to vector<16xi32>
      %add3A_664 = arith.addi %broadcast_in_dim3A_661, %add3A_663 : vector<16xi32>
      %gather3A = tpu.vector_load_idx %arg9[%add3A_664, %add3A_658] : memref<32x2048xf32, #tpu.memory_space<vmem>>[vector<16xi32>, vector<16xi32>], vector<16xf32>,
      %mul3A_665 = arith.constant 32 : i32
      %mul3A_666 = arith.muli %scan3A_14, %mul3A_665 : i32
      %add3A_667 = arith.constant 0 : i32
      %add3A_668 = arith.addi %mul3A_666, %add3A_667 : i32
      %mul3A_669 = arith.constant 16 : i32
      %mul3A_670 = arith.muli %add3A_668, %mul3A_669 : i32
      %get3A_671 = arith.index_cast %mul3A_670 : i32 to index
      %get3A_672 = tpu.vector_load %arg10[%get3A_671] {strides = array<i32>} : memref<16384xf32, #tpu.memory_space<vmem>>, vector<16xf32>,
      %mul3A_673 = arith.mulf %get3A_672, %gather3A : vector<16xf32>
      %add3A_674 = arith.addf %broadcast_in_dim3A_659, %mul3A_673 : vector<16xf32>
      %broadcast_in_dim3A_675 = arith.constant 0 : i32
      %broadcast_in_dim3A_676 = vector.broadcast %broadcast_in_dim3A_675 : i32 to vector<16xi32>
      %add3A_677 = arith.constant 1 : i32
      %add3A_678 = vector.broadcast %add3A_677 : i32 to vector<16xi32>
      %add3A_679 = arith.addi %broadcast_in_dim3A_676, %add3A_678 : vector<16xi32>
      %gather3A_680 = tpu.vector_load_idx %arg9[%add3A_679, %add3A_658] : memref<32x2048xf32, #tpu.memory_space<vmem>>[vector<16xi32>, vector<16xi32>], vector<16xf32>,
      %mul3A_681 = arith.constant 32 : i32
      %mul3A_682 = arith.muli %scan3A_14, %mul3A_681 : i32
      %add3A_683 = arith.constant 1 : i32
      %add3A_684 = arith.addi %mul3A_682, %add3A_683 : i32
      %mul3A_685 = arith.constant 16 : i32
      %mul3A_686 = arith.muli %add3A_684, %mul3A_685 : i32
      %get3A_687 = arith.index_cast %mul3A_686 : i32 to index
      %get3A_688 = tpu.vector_load %arg10[%get3A_687] {strides = array<i32>} : memref<16384xf32, #tpu.memory_space<vmem>>, vector<16xf32>,
      %mul3A_689 = arith.mulf %get3A_688, %gather3A_680 : vector<16xf32>
      %add3A_690 = arith.addf %add3A_674, %mul3A_689 : vector<16xf32>
      %broadcast_in_dim3A_691 = arith.constant 0 : i32
      %broadcast_in_dim3A_692 = vector.broadcast %broadcast_in_dim3A_691 : i32 to vector<16xi32>
      %add3A_693 = arith.constant 2 : i32
      %add3A_694 = vector.broadcast %add3A_693 : i32 to vector<16xi32>
      %add3A_695 = arith.addi %broadcast_in_dim3A_692, %add3A_694 : vector<16xi32>
      %gather3A_696 = tpu.vector_load_idx %arg9[%add3A_695, %add3A_658] : memref<32x2048xf32, #tpu.memory_space<vmem>>[vector<16xi32>, vector<16xi32>], vector<16xf32>,
      %mul3A_697 = arith.constant 32 : i32
      %mul3A_698 = arith.muli %scan3A_14, %mul3A_697 : i32
      %add3A_699 = arith.constant 2 : i32
      %add3A_700 = arith.addi %mul3A_698, %add3A_699 : i32
      %mul3A_701 = arith.constant 16 : i32
      %mul3A_702 = arith.muli %add3A_700, %mul3A_701 : i32
      %get3A_703 = arith.index_cast %mul3A_702 : i32 to index
      %get3A_704 = tpu.vector_load %arg10[%get3A_703] {strides = array<i32>} : memref<16384xf32, #tpu.memory_space<vmem>>, vector<16xf32>,
      %mul3A_705 = arith.mulf %get3A_704, %gather3A_696 : vector<16xf32>
      %add3A_706 = arith.addf %add3A_690, %mul3A_705 : vector<16xf32>
      %broadcast_in_dim3A_707 = arith.constant 0 : i32
      %broadcast_in_dim3A_708 = vector.broadcast %broadcast_in_dim3A_707 : i32 to vector<16xi32>
      %add3A_709 = arith.constant 3 : i32
      %add3A_710 = vector.broadcast %add3A_709 : i32 to vector<16xi32>
      %add3A_711 = arith.addi %broadcast_in_dim3A_708, %add3A_710 : vector<16xi32>
      %gather3A_712 = tpu.vector_load_idx %arg9[%add3A_711, %add3A_658] : memref<32x2048xf32, #tpu.memory_space<vmem>>[vector<16xi32>, vector<16xi32>], vector<16xf32>,
      %mul3A_713 = arith.constant 32 : i32
      %mul3A_714 = arith.muli %scan3A_14, %mul3A_713 : i32
      %add3A_715 = arith.constant 3 : i32
      %add3A_716 = arith.addi %mul3A_714, %add3A_715 : i32
      %mul3A_717 = arith.constant 16 : i32
      %mul3A_718 = arith.muli %add3A_716, %mul3A_717 : i32
      %get3A_719 = arith.index_cast %mul3A_718 : i32 to index
      %get3A_720 = tpu.vector_load %arg10[%get3A_719] {strides = array<i32>} : memref<16384xf32, #tpu.memory_space<vmem>>, vector<16xf32>,
      %mul3A_721 = arith.mulf %get3A_720, %gather3A_712 : vector<16xf32>
      %add3A_722 = arith.addf %add3A_706, %mul3A_721 : vector<16xf32>
      %broadcast_in_dim3A_723 = arith.constant 0 : i32
      %broadcast_in_dim3A_724 = vector.broadcast %broadcast_in_dim3A_723 : i32 to vector<16xi32>
      %add3A_725 = arith.constant 4 : i32
      %add3A_726 = vector.broadcast %add3A_725 : i32 to vector<16xi32>
      %add3A_727 = arith.addi %broadcast_in_dim3A_724, %add3A_726 : vector<16xi32>
      %gather3A_728 = tpu.vector_load_idx %arg9[%add3A_727, %add3A_658] : memref<32x2048xf32, #tpu.memory_space<vmem>>[vector<16xi32>, vector<16xi32>], vector<16xf32>,
      %mul3A_729 = arith.constant 32 : i32
      %mul3A_730 = arith.muli %scan3A_14, %mul3A_729 : i32
      %add3A_731 = arith.constant 4 : i32
      %add3A_732 = arith.addi %mul3A_730, %add3A_731 : i32
      %mul3A_733 = arith.constant 16 : i32
      %mul3A_734 = arith.muli %add3A_732, %mul3A_733 : i32
      %get3A_735 = arith.index_cast %mul3A_734 : i32 to index
      %get3A_736 = tpu.vector_load %arg10[%get3A_735] {strides = array<i32>} : memref<16384xf32, #tpu.memory_space<vmem>>, vector<16xf32>,
      %mul3A_737 = arith.mulf %get3A_736, %gather3A_728 : vector<16xf32>
      %add3A_738 = arith.addf %add3A_722, %mul3A_737 : vector<16xf32>
      %broadcast_in_dim3A_739 = arith.constant 0 : i32
      %broadcast_in_dim3A_740 = vector.broadcast %broadcast_in_dim3A_739 : i32 to vector<16xi32>
      %add3A_741 = arith.constant 5 : i32
      %add3A_742 = vector.broadcast %add3A_741 : i32 to vector<16xi32>
      %add3A_743 = arith.addi %broadcast_in_dim3A_740, %add3A_742 : vector<16xi32>
      %gather3A_744 = tpu.vector_load_idx %arg9[%add3A_743, %add3A_658] : memref<32x2048xf32, #tpu.memory_space<vmem>>[vector<16xi32>, vector<16xi32>], vector<16xf32>,
      %mul3A_745 = arith.constant 32 : i32
      %mul3A_746 = arith.muli %scan3A_14, %mul3A_745 : i32
      %add3A_747 = arith.constant 5 : i32
      %add3A_748 = arith.addi %mul3A_746, %add3A_747 : i32
      %mul3A_749 = arith.constant 16 : i32
      %mul3A_750 = arith.muli %add3A_748, %mul3A_749 : i32
      %get3A_751 = arith.index_cast %mul3A_750 : i32 to index
      %get3A_752 = tpu.vector_load %arg10[%get3A_751] {strides = array<i32>} : memref<16384xf32, #tpu.memory_space<vmem>>, vector<16xf32>,
      %mul3A_753 = arith.mulf %get3A_752, %gather3A_744 : vector<16xf32>
      %add3A_754 = arith.addf %add3A_738, %mul3A_753 : vector<16xf32>
      %broadcast_in_dim3A_755 = arith.constant 0 : i32
      %broadcast_in_dim3A_756 = vector.broadcast %broadcast_in_dim3A_755 : i32 to vector<16xi32>
      %add3A_757 = arith.constant 6 : i32
      %add3A_758 = vector.broadcast %add3A_757 : i32 to vector<16xi32>
      %add3A_759 = arith.addi %broadcast_in_dim3A_756, %add3A_758 : vector<16xi32>
      %gather3A_760 = tpu.vector_load_idx %arg9[%add3A_759, %add3A_658] : memref<32x2048xf32, #tpu.memory_space<vmem>>[vector<16xi32>, vector<16xi32>], vector<16xf32>,
      %mul3A_761 = arith.constant 32 : i32
      %mul3A_762 = arith.muli %scan3A_14, %mul3A_761 : i32
      %add3A_763 = arith.constant 6 : i32
      %add3A_764 = arith.addi %mul3A_762, %add3A_763 : i32
      %mul3A_765 = arith.constant 16 : i32
      %mul3A_766 = arith.muli %add3A_764, %mul3A_765 : i32
      %get3A_767 = arith.index_cast %mul3A_766 : i32 to index
      %get3A_768 = tpu.vector_load %arg10[%get3A_767] {strides = array<i32>} : memref<16384xf32, #tpu.memory_space<vmem>>, vector<16xf32>,
      %mul3A_769 = arith.mulf %get3A_768, %gather3A_760 : vector<16xf32>
      %add3A_770 = arith.addf %add3A_754, %mul3A_769 : vector<16xf32>
      %broadcast_in_dim3A_771 = arith.constant 0 : i32
      %broadcast_in_dim3A_772 = vector.broadcast %broadcast_in_dim3A_771 : i32 to vector<16xi32>
      %add3A_773 = arith.constant 7 : i32
      %add3A_774 = vector.broadcast %add3A_773 : i32 to vector<16xi32>
      %add3A_775 = arith.addi %broadcast_in_dim3A_772, %add3A_774 : vector<16xi32>
      %gather3A_776 = tpu.vector_load_idx %arg9[%add3A_775, %add3A_658] : memref<32x2048xf32, #tpu.memory_space<vmem>>[vector<16xi32>, vector<16xi32>], vector<16xf32>,
      %mul3A_777 = arith.constant 32 : i32
      %mul3A_778 = arith.muli %scan3A_14, %mul3A_777 : i32
      %add3A_779 = arith.constant 7 : i32
      %add3A_780 = arith.addi %mul3A_778, %add3A_779 : i32
      %mul3A_781 = arith.constant 16 : i32
      %mul3A_782 = arith.muli %add3A_780, %mul3A_781 : i32
      %get3A_783 = arith.index_cast %mul3A_782 : i32 to index
      %get3A_784 = tpu.vector_load %arg10[%get3A_783] {strides = array<i32>} : memref<16384xf32, #tpu.memory_space<vmem>>, vector<16xf32>,
      %mul3A_785 = arith.mulf %get3A_784, %gather3A_776 : vector<16xf32>
      %add3A_786 = arith.addf %add3A_770, %mul3A_785 : vector<16xf32>
      %broadcast_in_dim3A_787 = arith.constant 0 : i32
      %broadcast_in_dim3A_788 = vector.broadcast %broadcast_in_dim3A_787 : i32 to vector<16xi32>
      %add3A_789 = arith.constant 8 : i32
      %add3A_790 = vector.broadcast %add3A_789 : i32 to vector<16xi32>
      %add3A_791 = arith.addi %broadcast_in_dim3A_788, %add3A_790 : vector<16xi32>
      %gather3A_792 = tpu.vector_load_idx %arg9[%add3A_791, %add3A_658] : memref<32x2048xf32, #tpu.memory_space<vmem>>[vector<16xi32>, vector<16xi32>], vector<16xf32>,
      %mul3A_793 = arith.constant 32 : i32
      %mul3A_794 = arith.muli %scan3A_14, %mul3A_793 : i32
      %add3A_795 = arith.constant 8 : i32
      %add3A_796 = arith.addi %mul3A_794, %add3A_795 : i32
      %mul3A_797 = arith.constant 16 : i32
      %mul3A_798 = arith.muli %add3A_796, %mul3A_797 : i32
      %get3A_799 = arith.index_cast %mul3A_798 : i32 to index
      %get3A_800 = tpu.vector_load %arg10[%get3A_799] {strides = array<i32>} : memref<16384xf32, #tpu.memory_space<vmem>>, vector<16xf32>,
      %mul3A_801 = arith.mulf %get3A_800, %gather3A_792 : vector<16xf32>
      %add3A_802 = arith.addf %add3A_786, %mul3A_801 : vector<16xf32>
      %broadcast_in_dim3A_803 = arith.constant 0 : i32
      %broadcast_in_dim3A_804 = vector.broadcast %broadcast_in_dim3A_803 : i32 to vector<16xi32>
      %add3A_805 = arith.constant 9 : i32
      %add3A_806 = vector.broadcast %add3A_805 : i32 to vector<16xi32>
      %add3A_807 = arith.addi %broadcast_in_dim3A_804, %add3A_806 : vector<16xi32>
      %gather3A_808 = tpu.vector_load_idx %arg9[%add3A_807, %add3A_658] : memref<32x2048xf32, #tpu.memory_space<vmem>>[vector<16xi32>, vector<16xi32>], vector<16xf32>,
      %mul3A_809 = arith.constant 32 : i32
      %mul3A_810 = arith.muli %scan3A_14, %mul3A_809 : i32
      %add3A_811 = arith.constant 9 : i32
      %add3A_812 = arith.addi %mul3A_810, %add3A_811 : i32
      %mul3A_813 = arith.constant 16 : i32
      %mul3A_814 = arith.muli %add3A_812, %mul3A_813 : i32
      %get3A_815 = arith.index_cast %mul3A_814 : i32 to index
      %get3A_816 = tpu.vector_load %arg10[%get3A_815] {strides = array<i32>} : memref<16384xf32, #tpu.memory_space<vmem>>, vector<16xf32>,
      %mul3A_817 = arith.mulf %get3A_816, %gather3A_808 : vector<16xf32>
      %add3A_818 = arith.addf %add3A_802, %mul3A_817 : vector<16xf32>
      %broadcast_in_dim3A_819 = arith.constant 0 : i32
      %broadcast_in_dim3A_820 = vector.broadcast %broadcast_in_dim3A_819 : i32 to vector<16xi32>
      %add3A_821 = arith.constant 10 : i32
      %add3A_822 = vector.broadcast %add3A_821 : i32 to vector<16xi32>
      %add3A_823 = arith.addi %broadcast_in_dim3A_820, %add3A_822 : vector<16xi32>
      %gather3A_824 = tpu.vector_load_idx %arg9[%add3A_823, %add3A_658] : memref<32x2048xf32, #tpu.memory_space<vmem>>[vector<16xi32>, vector<16xi32>], vector<16xf32>,
      %mul3A_825 = arith.constant 32 : i32
      %mul3A_826 = arith.muli %scan3A_14, %mul3A_825 : i32
      %add3A_827 = arith.constant 10 : i32
      %add3A_828 = arith.addi %mul3A_826, %add3A_827 : i32
      %mul3A_829 = arith.constant 16 : i32
      %mul3A_830 = arith.muli %add3A_828, %mul3A_829 : i32
      %get3A_831 = arith.index_cast %mul3A_830 : i32 to index
      %get3A_832 = tpu.vector_load %arg10[%get3A_831] {strides = array<i32>} : memref<16384xf32, #tpu.memory_space<vmem>>, vector<16xf32>,
      %mul3A_833 = arith.mulf %get3A_832, %gather3A_824 : vector<16xf32>
      %add3A_834 = arith.addf %add3A_818, %mul3A_833 : vector<16xf32>
      %broadcast_in_dim3A_835 = arith.constant 0 : i32
      %broadcast_in_dim3A_836 = vector.broadcast %broadcast_in_dim3A_835 : i32 to vector<16xi32>
      %add3A_837 = arith.constant 11 : i32
      %add3A_838 = vector.broadcast %add3A_837 : i32 to vector<16xi32>
      %add3A_839 = arith.addi %broadcast_in_dim3A_836, %add3A_838 : vector<16xi32>
      %gather3A_840 = tpu.vector_load_idx %arg9[%add3A_839, %add3A_658] : memref<32x2048xf32, #tpu.memory_space<vmem>>[vector<16xi32>, vector<16xi32>], vector<16xf32>,
      %mul3A_841 = arith.constant 32 : i32
      %mul3A_842 = arith.muli %scan3A_14, %mul3A_841 : i32
      %add3A_843 = arith.constant 11 : i32
      %add3A_844 = arith.addi %mul3A_842, %add3A_843 : i32
      %mul3A_845 = arith.constant 16 : i32
      %mul3A_846 = arith.muli %add3A_844, %mul3A_845 : i32
      %get3A_847 = arith.index_cast %mul3A_846 : i32 to index
      %get3A_848 = tpu.vector_load %arg10[%get3A_847] {strides = array<i32>} : memref<16384xf32, #tpu.memory_space<vmem>>, vector<16xf32>,
      %mul3A_849 = arith.mulf %get3A_848, %gather3A_840 : vector<16xf32>
      %add3A_850 = arith.addf %add3A_834, %mul3A_849 : vector<16xf32>
      %broadcast_in_dim3A_851 = arith.constant 0 : i32
      %broadcast_in_dim3A_852 = vector.broadcast %broadcast_in_dim3A_851 : i32 to vector<16xi32>
      %add3A_853 = arith.constant 12 : i32
      %add3A_854 = vector.broadcast %add3A_853 : i32 to vector<16xi32>
      %add3A_855 = arith.addi %broadcast_in_dim3A_852, %add3A_854 : vector<16xi32>
      %gather3A_856 = tpu.vector_load_idx %arg9[%add3A_855, %add3A_658] : memref<32x2048xf32, #tpu.memory_space<vmem>>[vector<16xi32>, vector<16xi32>], vector<16xf32>,
      %mul3A_857 = arith.constant 32 : i32
      %mul3A_858 = arith.muli %scan3A_14, %mul3A_857 : i32
      %add3A_859 = arith.constant 12 : i32
      %add3A_860 = arith.addi %mul3A_858, %add3A_859 : i32
      %mul3A_861 = arith.constant 16 : i32
      %mul3A_862 = arith.muli %add3A_860, %mul3A_861 : i32
      %get3A_863 = arith.index_cast %mul3A_862 : i32 to index
      %get3A_864 = tpu.vector_load %arg10[%get3A_863] {strides = array<i32>} : memref<16384xf32, #tpu.memory_space<vmem>>, vector<16xf32>,
      %mul3A_865 = arith.mulf %get3A_864, %gather3A_856 : vector<16xf32>
      %add3A_866 = arith.addf %add3A_850, %mul3A_865 : vector<16xf32>
      %broadcast_in_dim3A_867 = arith.constant 0 : i32
      %broadcast_in_dim3A_868 = vector.broadcast %broadcast_in_dim3A_867 : i32 to vector<16xi32>
      %add3A_869 = arith.constant 13 : i32
      %add3A_870 = vector.broadcast %add3A_869 : i32 to vector<16xi32>
      %add3A_871 = arith.addi %broadcast_in_dim3A_868, %add3A_870 : vector<16xi32>
      %gather3A_872 = tpu.vector_load_idx %arg9[%add3A_871, %add3A_658] : memref<32x2048xf32, #tpu.memory_space<vmem>>[vector<16xi32>, vector<16xi32>], vector<16xf32>,
      %mul3A_873 = arith.constant 32 : i32
      %mul3A_874 = arith.muli %scan3A_14, %mul3A_873 : i32
      %add3A_875 = arith.constant 13 : i32
      %add3A_876 = arith.addi %mul3A_874, %add3A_875 : i32
      %mul3A_877 = arith.constant 16 : i32
      %mul3A_878 = arith.muli %add3A_876, %mul3A_877 : i32
      %get3A_879 = arith.index_cast %mul3A_878 : i32 to index
      %get3A_880 = tpu.vector_load %arg10[%get3A_879] {strides = array<i32>} : memref<16384xf32, #tpu.memory_space<vmem>>, vector<16xf32>,
      %mul3A_881 = arith.mulf %get3A_880, %gather3A_872 : vector<16xf32>
      %add3A_882 = arith.addf %add3A_866, %mul3A_881 : vector<16xf32>
      %broadcast_in_dim3A_883 = arith.constant 0 : i32
      %broadcast_in_dim3A_884 = vector.broadcast %broadcast_in_dim3A_883 : i32 to vector<16xi32>
      %add3A_885 = arith.constant 14 : i32
      %add3A_886 = vector.broadcast %add3A_885 : i32 to vector<16xi32>
      %add3A_887 = arith.addi %broadcast_in_dim3A_884, %add3A_886 : vector<16xi32>
      %gather3A_888 = tpu.vector_load_idx %arg9[%add3A_887, %add3A_658] : memref<32x2048xf32, #tpu.memory_space<vmem>>[vector<16xi32>, vector<16xi32>], vector<16xf32>,
      %mul3A_889 = arith.constant 32 : i32
      %mul3A_890 = arith.muli %scan3A_14, %mul3A_889 : i32
      %add3A_891 = arith.constant 14 : i32
      %add3A_892 = arith.addi %mul3A_890, %add3A_891 : i32
      %mul3A_893 = arith.constant 16 : i32
      %mul3A_894 = arith.muli %add3A_892, %mul3A_893 : i32
      %get3A_895 = arith.index_cast %mul3A_894 : i32 to index
      %get3A_896 = tpu.vector_load %arg10[%get3A_895] {strides = array<i32>} : memref<16384xf32, #tpu.memory_space<vmem>>, vector<16xf32>,
      %mul3A_897 = arith.mulf %get3A_896, %gather3A_888 : vector<16xf32>
      %add3A_898 = arith.addf %add3A_882, %mul3A_897 : vector<16xf32>
      %broadcast_in_dim3A_899 = arith.constant 0 : i32
      %broadcast_in_dim3A_900 = vector.broadcast %broadcast_in_dim3A_899 : i32 to vector<16xi32>
      %add3A_901 = arith.constant 15 : i32
      %add3A_902 = vector.broadcast %add3A_901 : i32 to vector<16xi32>
      %add3A_903 = arith.addi %broadcast_in_dim3A_900, %add3A_902 : vector<16xi32>
      %gather3A_904 = tpu.vector_load_idx %arg9[%add3A_903, %add3A_658] : memref<32x2048xf32, #tpu.memory_space<vmem>>[vector<16xi32>, vector<16xi32>], vector<16xf32>,
      %mul3A_905 = arith.constant 32 : i32
      %mul3A_906 = arith.muli %scan3A_14, %mul3A_905 : i32
      %add3A_907 = arith.constant 15 : i32
      %add3A_908 = arith.addi %mul3A_906, %add3A_907 : i32
      %mul3A_909 = arith.constant 16 : i32
      %mul3A_910 = arith.muli %add3A_908, %mul3A_909 : i32
      %get3A_911 = arith.index_cast %mul3A_910 : i32 to index
      %get3A_912 = tpu.vector_load %arg10[%get3A_911] {strides = array<i32>} : memref<16384xf32, #tpu.memory_space<vmem>>, vector<16xf32>,
      %mul3A_913 = arith.mulf %get3A_912, %gather3A_904 : vector<16xf32>
      %add3A_914 = arith.addf %add3A_898, %mul3A_913 : vector<16xf32>
      %broadcast_in_dim3A_915 = arith.constant 0 : i32
      %broadcast_in_dim3A_916 = vector.broadcast %broadcast_in_dim3A_915 : i32 to vector<16xi32>
      %add3A_917 = arith.constant 16 : i32
      %add3A_918 = vector.broadcast %add3A_917 : i32 to vector<16xi32>
      %add3A_919 = arith.addi %broadcast_in_dim3A_916, %add3A_918 : vector<16xi32>
      %gather3A_920 = tpu.vector_load_idx %arg9[%add3A_919, %add3A_658] : memref<32x2048xf32, #tpu.memory_space<vmem>>[vector<16xi32>, vector<16xi32>], vector<16xf32>,
      %mul3A_921 = arith.constant 32 : i32
      %mul3A_922 = arith.muli %scan3A_14, %mul3A_921 : i32
      %add3A_923 = arith.constant 16 : i32
      %add3A_924 = arith.addi %mul3A_922, %add3A_923 : i32
      %mul3A_925 = arith.constant 16 : i32
      %mul3A_926 = arith.muli %add3A_924, %mul3A_925 : i32
      %get3A_927 = arith.index_cast %mul3A_926 : i32 to index
      %get3A_928 = tpu.vector_load %arg10[%get3A_927] {strides = array<i32>} : memref<16384xf32, #tpu.memory_space<vmem>>, vector<16xf32>,
      %mul3A_929 = arith.mulf %get3A_928, %gather3A_920 : vector<16xf32>
      %add3A_930 = arith.addf %add3A_914, %mul3A_929 : vector<16xf32>
      %broadcast_in_dim3A_931 = arith.constant 0 : i32
      %broadcast_in_dim3A_932 = vector.broadcast %broadcast_in_dim3A_931 : i32 to vector<16xi32>
      %add3A_933 = arith.constant 17 : i32
      %add3A_934 = vector.broadcast %add3A_933 : i32 to vector<16xi32>
      %add3A_935 = arith.addi %broadcast_in_dim3A_932, %add3A_934 : vector<16xi32>
      %gather3A_936 = tpu.vector_load_idx %arg9[%add3A_935, %add3A_658] : memref<32x2048xf32, #tpu.memory_space<vmem>>[vector<16xi32>, vector<16xi32>], vector<16xf32>,
      %mul3A_937 = arith.constant 32 : i32
      %mul3A_938 = arith.muli %scan3A_14, %mul3A_937 : i32
      %add3A_939 = arith.constant 17 : i32
      %add3A_940 = arith.addi %mul3A_938, %add3A_939 : i32
      %mul3A_941 = arith.constant 16 : i32
      %mul3A_942 = arith.muli %add3A_940, %mul3A_941 : i32
      %get3A_943 = arith.index_cast %mul3A_942 : i32 to index
      %get3A_944 = tpu.vector_load %arg10[%get3A_943] {strides = array<i32>} : memref<16384xf32, #tpu.memory_space<vmem>>, vector<16xf32>,
      %mul3A_945 = arith.mulf %get3A_944, %gather3A_936 : vector<16xf32>
      %add3A_946 = arith.addf %add3A_930, %mul3A_945 : vector<16xf32>
      %broadcast_in_dim3A_947 = arith.constant 0 : i32
      %broadcast_in_dim3A_948 = vector.broadcast %broadcast_in_dim3A_947 : i32 to vector<16xi32>
      %add3A_949 = arith.constant 18 : i32
      %add3A_950 = vector.broadcast %add3A_949 : i32 to vector<16xi32>
      %add3A_951 = arith.addi %broadcast_in_dim3A_948, %add3A_950 : vector<16xi32>
      %gather3A_952 = tpu.vector_load_idx %arg9[%add3A_951, %add3A_658] : memref<32x2048xf32, #tpu.memory_space<vmem>>[vector<16xi32>, vector<16xi32>], vector<16xf32>,
      %mul3A_953 = arith.constant 32 : i32
      %mul3A_954 = arith.muli %scan3A_14, %mul3A_953 : i32
      %add3A_955 = arith.constant 18 : i32
      %add3A_956 = arith.addi %mul3A_954, %add3A_955 : i32
      %mul3A_957 = arith.constant 16 : i32
      %mul3A_958 = arith.muli %add3A_956, %mul3A_957 : i32
      %get3A_959 = arith.index_cast %mul3A_958 : i32 to index
      %get3A_960 = tpu.vector_load %arg10[%get3A_959] {strides = array<i32>} : memref<16384xf32, #tpu.memory_space<vmem>>, vector<16xf32>,
      %mul3A_961 = arith.mulf %get3A_960, %gather3A_952 : vector<16xf32>
      %add3A_962 = arith.addf %add3A_946, %mul3A_961 : vector<16xf32>
      %broadcast_in_dim3A_963 = arith.constant 0 : i32
      %broadcast_in_dim3A_964 = vector.broadcast %broadcast_in_dim3A_963 : i32 to vector<16xi32>
      %add3A_965 = arith.constant 19 : i32
      %add3A_966 = vector.broadcast %add3A_965 : i32 to vector<16xi32>
      %add3A_967 = arith.addi %broadcast_in_dim3A_964, %add3A_966 : vector<16xi32>
      %gather3A_968 = tpu.vector_load_idx %arg9[%add3A_967, %add3A_658] : memref<32x2048xf32, #tpu.memory_space<vmem>>[vector<16xi32>, vector<16xi32>], vector<16xf32>,
      %mul3A_969 = arith.constant 32 : i32
      %mul3A_970 = arith.muli %scan3A_14, %mul3A_969 : i32
      %add3A_971 = arith.constant 19 : i32
      %add3A_972 = arith.addi %mul3A_970, %add3A_971 : i32
      %mul3A_973 = arith.constant 16 : i32
      %mul3A_974 = arith.muli %add3A_972, %mul3A_973 : i32
      %get3A_975 = arith.index_cast %mul3A_974 : i32 to index
      %get3A_976 = tpu.vector_load %arg10[%get3A_975] {strides = array<i32>} : memref<16384xf32, #tpu.memory_space<vmem>>, vector<16xf32>,
      %mul3A_977 = arith.mulf %get3A_976, %gather3A_968 : vector<16xf32>
      %add3A_978 = arith.addf %add3A_962, %mul3A_977 : vector<16xf32>
      %broadcast_in_dim3A_979 = arith.constant 0 : i32
      %broadcast_in_dim3A_980 = vector.broadcast %broadcast_in_dim3A_979 : i32 to vector<16xi32>
      %add3A_981 = arith.constant 20 : i32
      %add3A_982 = vector.broadcast %add3A_981 : i32 to vector<16xi32>
      %add3A_983 = arith.addi %broadcast_in_dim3A_980, %add3A_982 : vector<16xi32>
      %gather3A_984 = tpu.vector_load_idx %arg9[%add3A_983, %add3A_658] : memref<32x2048xf32, #tpu.memory_space<vmem>>[vector<16xi32>, vector<16xi32>], vector<16xf32>,
      %mul3A_985 = arith.constant 32 : i32
      %mul3A_986 = arith.muli %scan3A_14, %mul3A_985 : i32
      %add3A_987 = arith.constant 20 : i32
      %add3A_988 = arith.addi %mul3A_986, %add3A_987 : i32
      %mul3A_989 = arith.constant 16 : i32
      %mul3A_990 = arith.muli %add3A_988, %mul3A_989 : i32
      %get3A_991 = arith.index_cast %mul3A_990 : i32 to index
      %get3A_992 = tpu.vector_load %arg10[%get3A_991] {strides = array<i32>} : memref<16384xf32, #tpu.memory_space<vmem>>, vector<16xf32>,
      %mul3A_993 = arith.mulf %get3A_992, %gather3A_984 : vector<16xf32>
      %add3A_994 = arith.addf %add3A_978, %mul3A_993 : vector<16xf32>
      %broadcast_in_dim3A_995 = arith.constant 0 : i32
      %broadcast_in_dim3A_996 = vector.broadcast %broadcast_in_dim3A_995 : i32 to vector<16xi32>
      %add3A_997 = arith.constant 21 : i32
      %add3A_998 = vector.broadcast %add3A_997 : i32 to vector<16xi32>
      %add3A_999 = arith.addi %broadcast_in_dim3A_996, %add3A_998 : vector<16xi32>
      %gather3A_1000 = tpu.vector_load_idx %arg9[%add3A_999, %add3A_658] : memref<32x2048xf32, #tpu.memory_space<vmem>>[vector<16xi32>, vector<16xi32>], vector<16xf32>,
      %mul3A_1001 = arith.constant 32 : i32
      %mul3A_1002 = arith.muli %scan3A_14, %mul3A_1001 : i32
      %add3A_1003 = arith.constant 21 : i32
      %add3A_1004 = arith.addi %mul3A_1002, %add3A_1003 : i32
      %mul3A_1005 = arith.constant 16 : i32
      %mul3A_1006 = arith.muli %add3A_1004, %mul3A_1005 : i32
      %get3A_1007 = arith.index_cast %mul3A_1006 : i32 to index
      %get3A_1008 = tpu.vector_load %arg10[%get3A_1007] {strides = array<i32>} : memref<16384xf32, #tpu.memory_space<vmem>>, vector<16xf32>,
      %mul3A_1009 = arith.mulf %get3A_1008, %gather3A_1000 : vector<16xf32>
      %add3A_1010 = arith.addf %add3A_994, %mul3A_1009 : vector<16xf32>
      %broadcast_in_dim3A_1011 = arith.constant 0 : i32
      %broadcast_in_dim3A_1012 = vector.broadcast %broadcast_in_dim3A_1011 : i32 to vector<16xi32>
      %add3A_1013 = arith.constant 22 : i32
      %add3A_1014 = vector.broadcast %add3A_1013 : i32 to vector<16xi32>
      %add3A_1015 = arith.addi %broadcast_in_dim3A_1012, %add3A_1014 : vector<16xi32>
      %gather3A_1016 = tpu.vector_load_idx %arg9[%add3A_1015, %add3A_658] : memref<32x2048xf32, #tpu.memory_space<vmem>>[vector<16xi32>, vector<16xi32>], vector<16xf32>,
      %mul3A_1017 = arith.constant 32 : i32
      %mul3A_1018 = arith.muli %scan3A_14, %mul3A_1017 : i32
      %add3A_1019 = arith.constant 22 : i32
      %add3A_1020 = arith.addi %mul3A_1018, %add3A_1019 : i32
      %mul3A_1021 = arith.constant 16 : i32
      %mul3A_1022 = arith.muli %add3A_1020, %mul3A_1021 : i32
      %get3A_1023 = arith.index_cast %mul3A_1022 : i32 to index
      %get3A_1024 = tpu.vector_load %arg10[%get3A_1023] {strides = array<i32>} : memref<16384xf32, #tpu.memory_space<vmem>>, vector<16xf32>,
      %mul3A_1025 = arith.mulf %get3A_1024, %gather3A_1016 : vector<16xf32>
      %add3A_1026 = arith.addf %add3A_1010, %mul3A_1025 : vector<16xf32>
      %broadcast_in_dim3A_1027 = arith.constant 0 : i32
      %broadcast_in_dim3A_1028 = vector.broadcast %broadcast_in_dim3A_1027 : i32 to vector<16xi32>
      %add3A_1029 = arith.constant 23 : i32
      %add3A_1030 = vector.broadcast %add3A_1029 : i32 to vector<16xi32>
      %add3A_1031 = arith.addi %broadcast_in_dim3A_1028, %add3A_1030 : vector<16xi32>
      %gather3A_1032 = tpu.vector_load_idx %arg9[%add3A_1031, %add3A_658] : memref<32x2048xf32, #tpu.memory_space<vmem>>[vector<16xi32>, vector<16xi32>], vector<16xf32>,
      %mul3A_1033 = arith.constant 32 : i32
      %mul3A_1034 = arith.muli %scan3A_14, %mul3A_1033 : i32
      %add3A_1035 = arith.constant 23 : i32
      %add3A_1036 = arith.addi %mul3A_1034, %add3A_1035 : i32
      %mul3A_1037 = arith.constant 16 : i32
      %mul3A_1038 = arith.muli %add3A_1036, %mul3A_1037 : i32
      %get3A_1039 = arith.index_cast %mul3A_1038 : i32 to index
      %get3A_1040 = tpu.vector_load %arg10[%get3A_1039] {strides = array<i32>} : memref<16384xf32, #tpu.memory_space<vmem>>, vector<16xf32>,
      %mul3A_1041 = arith.mulf %get3A_1040, %gather3A_1032 : vector<16xf32>
      %add3A_1042 = arith.addf %add3A_1026, %mul3A_1041 : vector<16xf32>
      %broadcast_in_dim3A_1043 = arith.constant 0 : i32
      %broadcast_in_dim3A_1044 = vector.broadcast %broadcast_in_dim3A_1043 : i32 to vector<16xi32>
      %add3A_1045 = arith.constant 24 : i32
      %add3A_1046 = vector.broadcast %add3A_1045 : i32 to vector<16xi32>
      %add3A_1047 = arith.addi %broadcast_in_dim3A_1044, %add3A_1046 : vector<16xi32>
      %gather3A_1048 = tpu.vector_load_idx %arg9[%add3A_1047, %add3A_658] : memref<32x2048xf32, #tpu.memory_space<vmem>>[vector<16xi32>, vector<16xi32>], vector<16xf32>,
      %mul3A_1049 = arith.constant 32 : i32
      %mul3A_1050 = arith.muli %scan3A_14, %mul3A_1049 : i32
      %add3A_1051 = arith.constant 24 : i32
      %add3A_1052 = arith.addi %mul3A_1050, %add3A_1051 : i32
      %mul3A_1053 = arith.constant 16 : i32
      %mul3A_1054 = arith.muli %add3A_1052, %mul3A_1053 : i32
      %get3A_1055 = arith.index_cast %mul3A_1054 : i32 to index
      %get3A_1056 = tpu.vector_load %arg10[%get3A_1055] {strides = array<i32>} : memref<16384xf32, #tpu.memory_space<vmem>>, vector<16xf32>,
      %mul3A_1057 = arith.mulf %get3A_1056, %gather3A_1048 : vector<16xf32>
      %add3A_1058 = arith.addf %add3A_1042, %mul3A_1057 : vector<16xf32>
      %broadcast_in_dim3A_1059 = arith.constant 0 : i32
      %broadcast_in_dim3A_1060 = vector.broadcast %broadcast_in_dim3A_1059 : i32 to vector<16xi32>
      %add3A_1061 = arith.constant 25 : i32
      %add3A_1062 = vector.broadcast %add3A_1061 : i32 to vector<16xi32>
      %add3A_1063 = arith.addi %broadcast_in_dim3A_1060, %add3A_1062 : vector<16xi32>
      %gather3A_1064 = tpu.vector_load_idx %arg9[%add3A_1063, %add3A_658] : memref<32x2048xf32, #tpu.memory_space<vmem>>[vector<16xi32>, vector<16xi32>], vector<16xf32>,
      %mul3A_1065 = arith.constant 32 : i32
      %mul3A_1066 = arith.muli %scan3A_14, %mul3A_1065 : i32
      %add3A_1067 = arith.constant 25 : i32
      %add3A_1068 = arith.addi %mul3A_1066, %add3A_1067 : i32
      %mul3A_1069 = arith.constant 16 : i32
      %mul3A_1070 = arith.muli %add3A_1068, %mul3A_1069 : i32
      %get3A_1071 = arith.index_cast %mul3A_1070 : i32 to index
      %get3A_1072 = tpu.vector_load %arg10[%get3A_1071] {strides = array<i32>} : memref<16384xf32, #tpu.memory_space<vmem>>, vector<16xf32>,
      %mul3A_1073 = arith.mulf %get3A_1072, %gather3A_1064 : vector<16xf32>
      %add3A_1074 = arith.addf %add3A_1058, %mul3A_1073 : vector<16xf32>
      %broadcast_in_dim3A_1075 = arith.constant 0 : i32
      %broadcast_in_dim3A_1076 = vector.broadcast %broadcast_in_dim3A_1075 : i32 to vector<16xi32>
      %add3A_1077 = arith.constant 26 : i32
      %add3A_1078 = vector.broadcast %add3A_1077 : i32 to vector<16xi32>
      %add3A_1079 = arith.addi %broadcast_in_dim3A_1076, %add3A_1078 : vector<16xi32>
      %gather3A_1080 = tpu.vector_load_idx %arg9[%add3A_1079, %add3A_658] : memref<32x2048xf32, #tpu.memory_space<vmem>>[vector<16xi32>, vector<16xi32>], vector<16xf32>,
      %mul3A_1081 = arith.constant 32 : i32
      %mul3A_1082 = arith.muli %scan3A_14, %mul3A_1081 : i32
      %add3A_1083 = arith.constant 26 : i32
      %add3A_1084 = arith.addi %mul3A_1082, %add3A_1083 : i32
      %mul3A_1085 = arith.constant 16 : i32
      %mul3A_1086 = arith.muli %add3A_1084, %mul3A_1085 : i32
      %get3A_1087 = arith.index_cast %mul3A_1086 : i32 to index
      %get3A_1088 = tpu.vector_load %arg10[%get3A_1087] {strides = array<i32>} : memref<16384xf32, #tpu.memory_space<vmem>>, vector<16xf32>,
      %mul3A_1089 = arith.mulf %get3A_1088, %gather3A_1080 : vector<16xf32>
      %add3A_1090 = arith.addf %add3A_1074, %mul3A_1089 : vector<16xf32>
      %broadcast_in_dim3A_1091 = arith.constant 0 : i32
      %broadcast_in_dim3A_1092 = vector.broadcast %broadcast_in_dim3A_1091 : i32 to vector<16xi32>
      %add3A_1093 = arith.constant 27 : i32
      %add3A_1094 = vector.broadcast %add3A_1093 : i32 to vector<16xi32>
      %add3A_1095 = arith.addi %broadcast_in_dim3A_1092, %add3A_1094 : vector<16xi32>
      %gather3A_1096 = tpu.vector_load_idx %arg9[%add3A_1095, %add3A_658] : memref<32x2048xf32, #tpu.memory_space<vmem>>[vector<16xi32>, vector<16xi32>], vector<16xf32>,
      %mul3A_1097 = arith.constant 32 : i32
      %mul3A_1098 = arith.muli %scan3A_14, %mul3A_1097 : i32
      %add3A_1099 = arith.constant 27 : i32
      %add3A_1100 = arith.addi %mul3A_1098, %add3A_1099 : i32
      %mul3A_1101 = arith.constant 16 : i32
      %mul3A_1102 = arith.muli %add3A_1100, %mul3A_1101 : i32
      %get3A_1103 = arith.index_cast %mul3A_1102 : i32 to index
      %get3A_1104 = tpu.vector_load %arg10[%get3A_1103] {strides = array<i32>} : memref<16384xf32, #tpu.memory_space<vmem>>, vector<16xf32>,
      %mul3A_1105 = arith.mulf %get3A_1104, %gather3A_1096 : vector<16xf32>
      %add3A_1106 = arith.addf %add3A_1090, %mul3A_1105 : vector<16xf32>
      %broadcast_in_dim3A_1107 = arith.constant 0 : i32
      %broadcast_in_dim3A_1108 = vector.broadcast %broadcast_in_dim3A_1107 : i32 to vector<16xi32>
      %add3A_1109 = arith.constant 28 : i32
      %add3A_1110 = vector.broadcast %add3A_1109 : i32 to vector<16xi32>
      %add3A_1111 = arith.addi %broadcast_in_dim3A_1108, %add3A_1110 : vector<16xi32>
      %gather3A_1112 = tpu.vector_load_idx %arg9[%add3A_1111, %add3A_658] : memref<32x2048xf32, #tpu.memory_space<vmem>>[vector<16xi32>, vector<16xi32>], vector<16xf32>,
      %mul3A_1113 = arith.constant 32 : i32
      %mul3A_1114 = arith.muli %scan3A_14, %mul3A_1113 : i32
      %add3A_1115 = arith.constant 28 : i32
      %add3A_1116 = arith.addi %mul3A_1114, %add3A_1115 : i32
      %mul3A_1117 = arith.constant 16 : i32
      %mul3A_1118 = arith.muli %add3A_1116, %mul3A_1117 : i32
      %get3A_1119 = arith.index_cast %mul3A_1118 : i32 to index
      %get3A_1120 = tpu.vector_load %arg10[%get3A_1119] {strides = array<i32>} : memref<16384xf32, #tpu.memory_space<vmem>>, vector<16xf32>,
      %mul3A_1121 = arith.mulf %get3A_1120, %gather3A_1112 : vector<16xf32>
      %add3A_1122 = arith.addf %add3A_1106, %mul3A_1121 : vector<16xf32>
      %broadcast_in_dim3A_1123 = arith.constant 0 : i32
      %broadcast_in_dim3A_1124 = vector.broadcast %broadcast_in_dim3A_1123 : i32 to vector<16xi32>
      %add3A_1125 = arith.constant 29 : i32
      %add3A_1126 = vector.broadcast %add3A_1125 : i32 to vector<16xi32>
      %add3A_1127 = arith.addi %broadcast_in_dim3A_1124, %add3A_1126 : vector<16xi32>
      %gather3A_1128 = tpu.vector_load_idx %arg9[%add3A_1127, %add3A_658] : memref<32x2048xf32, #tpu.memory_space<vmem>>[vector<16xi32>, vector<16xi32>], vector<16xf32>,
      %mul3A_1129 = arith.constant 32 : i32
      %mul3A_1130 = arith.muli %scan3A_14, %mul3A_1129 : i32
      %add3A_1131 = arith.constant 29 : i32
      %add3A_1132 = arith.addi %mul3A_1130, %add3A_1131 : i32
      %mul3A_1133 = arith.constant 16 : i32
      %mul3A_1134 = arith.muli %add3A_1132, %mul3A_1133 : i32
      %get3A_1135 = arith.index_cast %mul3A_1134 : i32 to index
      %get3A_1136 = tpu.vector_load %arg10[%get3A_1135] {strides = array<i32>} : memref<16384xf32, #tpu.memory_space<vmem>>, vector<16xf32>,
      %mul3A_1137 = arith.mulf %get3A_1136, %gather3A_1128 : vector<16xf32>
      %add3A_1138 = arith.addf %add3A_1122, %mul3A_1137 : vector<16xf32>
      %broadcast_in_dim3A_1139 = arith.constant 0 : i32
      %broadcast_in_dim3A_1140 = vector.broadcast %broadcast_in_dim3A_1139 : i32 to vector<16xi32>
      %add3A_1141 = arith.constant 30 : i32
      %add3A_1142 = vector.broadcast %add3A_1141 : i32 to vector<16xi32>
      %add3A_1143 = arith.addi %broadcast_in_dim3A_1140, %add3A_1142 : vector<16xi32>
      %gather3A_1144 = tpu.vector_load_idx %arg9[%add3A_1143, %add3A_658] : memref<32x2048xf32, #tpu.memory_space<vmem>>[vector<16xi32>, vector<16xi32>], vector<16xf32>,
      %mul3A_1145 = arith.constant 32 : i32
      %mul3A_1146 = arith.muli %scan3A_14, %mul3A_1145 : i32
      %add3A_1147 = arith.constant 30 : i32
      %add3A_1148 = arith.addi %mul3A_1146, %add3A_1147 : i32
      %mul3A_1149 = arith.constant 16 : i32
      %mul3A_1150 = arith.muli %add3A_1148, %mul3A_1149 : i32
      %get3A_1151 = arith.index_cast %mul3A_1150 : i32 to index
      %get3A_1152 = tpu.vector_load %arg10[%get3A_1151] {strides = array<i32>} : memref<16384xf32, #tpu.memory_space<vmem>>, vector<16xf32>,
      %mul3A_1153 = arith.mulf %get3A_1152, %gather3A_1144 : vector<16xf32>
      %add3A_1154 = arith.addf %add3A_1138, %mul3A_1153 : vector<16xf32>
      %broadcast_in_dim3A_1155 = arith.constant 0 : i32
      %broadcast_in_dim3A_1156 = vector.broadcast %broadcast_in_dim3A_1155 : i32 to vector<16xi32>
      %add3A_1157 = arith.constant 31 : i32
      %add3A_1158 = vector.broadcast %add3A_1157 : i32 to vector<16xi32>
      %add3A_1159 = arith.addi %broadcast_in_dim3A_1156, %add3A_1158 : vector<16xi32>
      %gather3A_1160 = tpu.vector_load_idx %arg9[%add3A_1159, %add3A_658] : memref<32x2048xf32, #tpu.memory_space<vmem>>[vector<16xi32>, vector<16xi32>], vector<16xf32>,
      %mul3A_1161 = arith.constant 32 : i32
      %mul3A_1162 = arith.muli %scan3A_14, %mul3A_1161 : i32
      %add3A_1163 = arith.constant 31 : i32
      %add3A_1164 = arith.addi %mul3A_1162, %add3A_1163 : i32
      %mul3A_1165 = arith.constant 16 : i32
      %mul3A_1166 = arith.muli %add3A_1164, %mul3A_1165 : i32
      %get3A_1167 = arith.index_cast %mul3A_1166 : i32 to index
      %get3A_1168 = tpu.vector_load %arg10[%get3A_1167] {strides = array<i32>} : memref<16384xf32, #tpu.memory_space<vmem>>, vector<16xf32>,
      %mul3A_1169 = arith.mulf %get3A_1168, %gather3A_1160 : vector<16xf32>
      %add3A_1170 = arith.addf %add3A_1154, %mul3A_1169 : vector<16xf32>
      %mul3A_1171 = arith.constant 16 : i32
      %mul3A_1172 = arith.muli %scan3A_14, %mul3A_1171 : i32
      %swap3A = arith.index_cast %mul3A_1172 : i32 to index
      %swap3A_1173 = tpu.vector_load %arg11[%swap3A] {strides = array<i32>} : memref<512xf32, #tpu.memory_space<vmem>>, vector<16xf32>,
      tpu.vector_store %arg11[%swap3A], %add3A_1170 {strides = array<i32>} : memref<512xf32, #tpu.memory_space<vmem>>, vector<16xf32>,
    }
    %scan3A_13 = arith.constant 32 : i32
    "tpu.region"() ({
      %run_scoped3A = tpu.sem_alloc : memref<!tpu.dma_semaphore, #tpu.memory_space<semaphore_mem>>
      %dma_start3A = tpu.memref_slice %arg6[%mul3A_2] : memref<16384xf32, #tpu.memory_space<hbm>> -> memref<512xf32, #tpu.memory_space<hbm>>
      %dma_start3A_14 = tpu.memref_slice %arg6[%mul3A_2] : memref<16384xf32, #tpu.memory_space<hbm>> -> memref<512xf32, #tpu.memory_space<hbm>>
      tpu.enqueue_dma source(%arg11 : memref<512xf32, #tpu.memory_space<vmem>>) target(%dma_start3A_14 : memref<512xf32, #tpu.memory_space<hbm>>) target_semaphore(%run_scoped3A : memref<!tpu.dma_semaphore, #tpu.memory_space<semaphore_mem>>)
      %dma_wait3A = tpu.memref_slice %arg6[%mul3A_2] : memref<16384xf32, #tpu.memory_space<hbm>> -> memref<512xf32, #tpu.memory_space<hbm>>
      %dma_wait3A_15 = tpu.memref_slice %arg6[%mul3A_2] : memref<16384xf32, #tpu.memory_space<hbm>> -> memref<512xf32, #tpu.memory_space<hbm>>
      tpu.wait_dma2 semaphore(%run_scoped3A : memref<!tpu.dma_semaphore, #tpu.memory_space<semaphore_mem>>) src(%arg11 : memref<512xf32, #tpu.memory_space<vmem>>) dst(%dma_wait3A_15 : memref<512xf32, #tpu.memory_space<hbm>>)
      tpu.yield
    }) : () -> ()
    return
  }
}

</mosaic_0001>

<sc_bundles>
// kernel: kernel.3.cloned.1.call-start
scs
__scs_entry_jumppad:
0x0: {  	(pc) =	sbr.rel $0x88, $3  }
0x1: {  	(tag) =	ssettag $0x0;
	lr =	simm.s32 $0x1  }
0x2: {  	[smem:$0x3F9D] =	sst lr;
	_ =	strace $0xD0000000  }
0x3: {  	_ = 	snop  }
0x4: {  	_ = 	snop  }
0x5: {  	_ = 	snop  }
0x6: {  	_ = 	snop  }
0x7: {  	_ = 	snop  }
__scs_overlays_trampoline_lowered:
0x8: {  	[smem:$0x3FAC] =	sst s0  }
0x9: {  	[smem:$0x3FAD] =	sst s1  }
0xa: {  	[smem:$0x3FAE] =	sst s2  }
0xb: {  	[smem:$0x3FAF] =	sst s3  }
0xc: {  	[smem:$0x3FB0] =	sst s4  }
0xd: {  	[smem:$0x3FB1] =	sst s5  }
0xe: {  	[smem:$0x3FB2] =	sst s6  }
0xf: {  	[smem:$0x3FB3] =	sst s7  }
0x10: {  	[smem:$0x3FB4] =	sst s8  }
0x11: {  	[smem:$0x3FB5] =	sst s9;
	s0 =	simm.s32 @!p0 $0x0  }
0x12: {  	s1 =	sld [smem:$0x3F9B];
	s0 =	simm.s32 @p0 $0x1  }
0x13: {  	[smem:$0x3FB6] =	sst s0;
	s0 =	simm.s32 @!p1 $0x0  }
0x14: {  	s2 =	sld [smem:$0x3F9A];
	s0 =	simm.s32 @p1 $0x1  }
0x15: {  	[smem:$0x3FB7] =	sst s0;
	s0 =	simm.s32 @!p2 $0x0  }
0x16: {  	s3 =	sld [smem:$0x3FDB];
	s0 =	simm.s32 @p2 $0x1  }
0x17: {  	s4 =	simm.s32 $0x1BF5;
	[smem:$0x3FB9] =	sst s0  }
0x18: {  	s0 =	sld [smem:$0x3F9C];
	_ =	swait.ge [sflag:s4], $0x0  }
0x19: {  	s7 =	sld [smem:$0x3F9D]  }
0x1a: {  	s8 =	sadd.s32 $0xFFFFE003, lr  }
0x1b: {  	s9 =	sadd.s32 $0xFFFFFEF7, lr;
	s5 =	simm.s32 $0xFFFFFFFF;
	p2 =	slt.u32 s8, $0xFFFFF086  }
0x1c: {  	p1 =	slt.u32 s9, $0xF7A;
	s5 =	simm.s32 @!p2 $0x0  }
0x1d: {  	s5 =	simm.s32 @p1 $0x1;
	p0 =	seq.s32 s7, s2  }
0x1e: {  	s7 =	smul.u32 @!p0 $0xF7A, s2;
	p2 =	seq.s32 @!p0 s5, $0x0  }
0x1f: {  	s9 =	smul.u32 $0xF7A, s1;
	s8 =	simm.s32 @!p0 $0x1BF5;
	p2 =	por !p2, p0  }
0x20: {  	[sflag:s8] =	ssyncset.s32 @!p0 $0xFFFFF086;
	s6 =	sadd.s32 @!p0 s3, s7;
	s7 =	simm.s32 @!p0 $0x108  }
0x21: {  	s3 =	sadd.s32 s3, s9;
	s6 =	sadd.s32 @!p0 $0x88, s6;
	s7 =	simm.s32 @p2 $0x1082  }
0x22: {  	[simem:s7], [sflag:s8] =	dma.local @!p0 [hbm:s6], $0xF7A  }
0x23: {  	s9 =	sor.u32 $0xD0000000, s2;
	s6 =	simm.s32 $0x108;
	_ =	swait.ge @!p0 [sflag:s8], $0x0  }
0x24: {  	s3 =	sadd.s32 $0x88, s3;
	s6 =	simm.s32 @!p1 $0x1082;
	[sflag:s4] =	ssyncset.s32 $0xFFFFF086  }
0x25: {  	[simem:s6], [sflag:s4] =	dma.local [hbm:s3], $0xF7A  }
0x26: {  	[smem:$0x3F9D] =	sst s1;
	(tag) =	ssettag s2;
	_ =	strace s9  }
0x27: {  	s1 =	sld [smem:$0x3FAD]  }
0x28: {  	s2 =	sld [smem:$0x3FAE]  }
0x29: {  	s4 =	sld [smem:$0x3FB0]  }
0x2a: {  	p0 =	seq.s32 s5, $0x0;
	s5 =	sld [smem:$0x3FB1]  }
0x2b: {  	s6 =	sld [smem:$0x3FB2]  }
0x2c: {  	s7 =	sld [smem:$0x3FB3]  }
0x2d: {  	s3 =	simm.s32 $0x108;
	s8 =	sld [smem:$0x3FB4]  }
0x2e: {  	s3 =	simm.s32 @!p0 $0x1082;
	s9 =	sld [smem:$0x3FB5]  }
0x2f: {  	lr =	sadd.s32 s0, s3;
	s0 =	sld [smem:$0x3FAC]  }
0x30: {  	s3 =	sld [smem:$0x3FAF]  }
0x31: {  	[smem:$0x3FB8] =	sst s10  }
0x32: {  	s10 =	sld [smem:$0x3FB6];
	_ =	sdelay $0x3  }
0x33: {  	p0 =	seq.s32 s10, $0x1;
	s10 =	sld [smem:$0x3FB8];
	_ =	sdelay $0x3  }
0x34: {  	[smem:$0x3FB8] =	sst s10  }
0x35: {  	s10 =	sld [smem:$0x3FB7];
	_ =	sdelay $0x3  }
0x36: {  	p1 =	seq.s32 s10, $0x1;
	s10 =	sld [smem:$0x3FB8];
	_ =	sdelay $0x3  }
0x37: {  	[smem:$0x3FB8] =	sst s10  }
0x38: {  	s10 =	sld [smem:$0x3FB9]  }
0x39: {  	_ = 	snop;
	(pc) =	sbr.ind lr, $3  }
0x3a: {  	_ = 	snop  }
0x3b: {  	_ = 	snop  }
0x3c: {  	p2 =	seq.s32 s10, $0x1;
	s10 =	sld [smem:$0x3FB8]  }
0x3d: {  	_ =	shalt  }
0x3e: {  	_ =	shalt  }
0x3f: {  	_ =	shalt  }
0x40: {  	_ =	shalt  }
0x41: {  	_ =	shalt  }
0x42: {  	_ =	shalt  }
0x43: {  	_ =	shalt  }
0x44: {  	_ =	shalt  }
0x45: {  	_ =	shalt  }
0x46: {  	_ =	shalt  }
0x47: {  	_ =	shalt  }
0x48: {  	_ =	shalt  }
0x49: {  	_ =	shalt  }
0x4a: {  	_ =	shalt  }
0x4b: {  	_ =	shalt  }
0x4c: {  	_ =	shalt  }
0x4d: {  	_ =	shalt  }
0x4e: {  	_ =	shalt  }
0x4f: {  	_ =	shalt  }
0x50: {  	_ =	shalt  }
0x51: {  	_ =	shalt  }
0x52: {  	_ =	shalt  }
0x53: {  	_ =	shalt  }
0x54: {  	_ =	shalt  }
0x55: {  	_ =	shalt  }
0x56: {  	_ =	shalt  }
0x57: {  	_ =	shalt  }
0x58: {  	_ =	shalt  }
0x59: {  	_ =	shalt  }
0x5a: {  	_ =	shalt  }
0x5b: {  	_ =	shalt  }
0x5c: {  	_ =	shalt  }
0x5d: {  	_ =	shalt  }
0x5e: {  	_ =	shalt  }
0x5f: {  	_ =	shalt  }
0x60: {  	_ =	shalt  }
0x61: {  	_ =	shalt  }
0x62: {  	_ =	shalt  }
0x63: {  	_ =	shalt  }
0x64: {  	_ =	shalt  }
0x65: {  	_ =	shalt  }
0x66: {  	_ =	shalt  }
0x67: {  	_ =	shalt  }
0x68: {  	_ =	shalt  }
0x69: {  	_ =	shalt  }
0x6a: {  	_ =	shalt  }
0x6b: {  	_ =	shalt  }
0x6c: {  	_ =	shalt  }
0x6d: {  	_ =	shalt  }
0x6e: {  	_ =	shalt  }
0x6f: {  	_ =	shalt  }
0x70: {  	_ =	shalt  }
0x71: {  	_ =	shalt  }
0x72: {  	_ =	shalt  }
0x73: {  	_ =	shalt  }
0x74: {  	_ =	shalt  }
0x75: {  	_ =	shalt  }
0x76: {  	_ =	shalt  }
0x77: {  	_ =	shalt  }
0x78: {  	_ =	shalt  }
0x79: {  	_ =	shalt  }
0x7a: {  	_ =	shalt  }
0x7b: {  	_ =	shalt  }
0x7c: {  	_ =	shalt  }
0x7d: {  	_ =	shalt  }
0x7e: {  	_ =	shalt  }
0x7f: {  	_ =	shalt  }
0x80: {  	_ =	shalt  }
0x81: {  	_ =	shalt  }
0x82: {  	_ =	shalt  }
0x83: {  	_ =	shalt  }
0x84: {  	_ =	shalt  }
0x85: {  	_ =	shalt  }
0x86: {  	_ =	shalt  }
0x87: {  	_ =	shalt  }
.Lfunc_end0:
.L_simem_size_0:
called_computation_lowered:
.L_overlay_start_0:
0x88: {  	s2 =	sld [smem:$0x3FD9]  }
0x89: {  	s3 =	sld [smem:$0x3FFE];
	_ =	sdelay $0x1  }
0x8a: {  	s1 =	srdreg.scid  }
0x8b: {  	s0 =	sand.u32 $0x1, s1  }
0x8c: {  	s18 =	sshll.u32 s0, $0xA;
	s2 =	sadd.s32 s3, s2  }
0x8d: {  	s2 =	sadd.s32 s2, s18  }
0x8e: {  	[smem:$0x3FC4] =	sst s2  }
0x8f: {  	_ = 	snop  }
0x90: {  	s2 =	sld [smem:$0x3FC9]  }
0x91: {  	s19 =	sld [smem:$0x3FC8]  }
0x92: {  	s4 =	sld [smem:$0x3FC7]  }
0x93: {  	s5 =	sld [smem:$0x3FC6]  }
0x94: {  	s6 =	sld [smem:$0x3FD0];
	(tm) =	ssettm $0x1  }
0x95: {  	s7 =	sld [smem:$0x3FFB];
	_ =	sdelay $0x3  }
0x96: {  	_ =	strace s7  }
0x97: {  	s7 =	sld [smem:$0x3FFC];
	_ =	sdelay $0x3  }
0x98: {  	_ =	strace s7  }
0x99: {  	s7 =	sld [smem:$0x3FFD];
	_ =	sdelay $0x3  }
0x9a: {  	_ =	strace s7  }
0x9b: {  	_ =	strace $0x8FFFFFFF  }
0x9c: {  	s20 =	sld [smem:$0x3FDB];
	_ =	sdelay $0x1  }
0x9d: {  	s8 =	simm.s32 $_scs_section_size  }
0x9e: {  	s9 =	simm.s32 $_size__tile_overlayer_lowered;
	s10 =	simm.s32 $_tile_overlayer_lowered  }
0x9f: {  	s23 =	simm.s32 $0x1BFF;
	s22 =	sshll.u32 s10, $0x1;
	s7 =	sadd.s32 s8, s20  }
0xa0: {  	s11 =	simm.s32 $0x0;
	s21 =	sshll.u32 s9, $0x1;
	s9 =	sadd.s32 s22, s7  }
0xa1: {  	[timem:s11], [sflag:s23] =	dma.local [hbm:s9], s21  }
0xa2: {  	_ =	swait.ge [sflag:s23], s21  }
0xa3: {  	s8 =	ssub.s32 $0x0, s21;
	[sflag:s23] =	ssyncset.done $0x0  }
0xa4: {  	[sflag:s23] =	ssyncadd.s32 s8;
	_ =	sdelay $0x1  }
0xa5: {  	s24 =	simm.s32 $0x1B8B  }
0xa6: {  	_ =	swait.ge [sflag:s24], $0x1  }
0xa7: {  	[sflag:s24] =	ssyncset.done $0x0  }
0xa8: {  	s25 =	simm.s32 $0x1B8E;
	[sflag:s24] =	ssyncadd.s32 $0xFFFFFFFF  }
0xa9: {  	s26 =	simm.s32 $execute0_lowered;
	[smem:$0x3FD2] =	sst s25  }
0xaa: {  	s8 =	sshll.u32 s26, $0x1;
	_ =	strace $0x80000046;
	[dreg:$0x1] =	wrdreg $0xFFFFFFFF  }
0xab: {  	s28 =	simm.s32 $_size_execute0_lowered;
	s7 =	sadd.s32 s7, s8;
	[dreg:$0x0] =	wrdreg $0x0  }
0xac: {  	s8 =	sshll.u32 s28, $0x1;
	[dreg:$0x2] =	wrdreg s7  }
0xad: {  	[dreg:$0x3] =	wrdreg s8  }
0xae: {  	[dreg:$0x4] =	wrdreg $0xC0  }
0xaf: {  	_ =	task [dreg:s11], $0x5FFFF  }
0xb0: {  	[dreg:$0x1] =	wrdreg $0xFFFFFFFF  }
0xb1: {  	[dreg:$0x0] =	wrdreg $0x60  }
0xb2: {  	[dreg:$0x2] =	wrdreg s2  }
0xb3: {  	[dreg:$0x3] =	wrdreg s19  }
0xb4: {  	[dreg:$0x4] =	wrdreg s4  }
0xb5: {  	[dreg:$0x5] =	wrdreg s5  }
0xb6: {  	[dreg:$0x6] =	wrdreg s6  }
0xb7: {  	[dreg:$0x7] =	wrdreg $0x9  }
0xb8: {  	_ =	task.clear_ibuf [dreg:s11], $0x8FFFF;
	_ =	strace $0x90000046  }
0xb9: {  	s29 =	simm.s32 $0x9;
	_ =	strace $0x80000048  }
0xba: {  	_ =	swait.ge [sflag:s29], $0x1  }
0xbb: {  	[sflag:s29] =	ssyncadd.s32 $0xFFFFFFFF  }
0xbc: {  	_ =	strace $0x90000048  }
0xbd: {  	_ =	sfence  }
0xbe: {  	s30 =	sld [smem:$0x0];
	_ =	sdelay $0x2  }
0xbf: {  	s31 =	sshll.u32 s1, $0xD;
	s1 =	sshrl.u32 s1, $0x2  }
0xc0: {  	s3 =	sand.u32 $0x4000, s31;
	s1 =	sadd.s32 s1, s30  }
0xc1: {  	s0 =	sor.u32 s3, s0;
	s1 =	sshll.u32 s1, $0x11  }
0xc2: {  	s0 =	sor.u32 s1, s0  }
0xc3: {  	s0 =	sadd.s32 $0x8F2B, s0  }
0xc4: {  	[sflag:s0] =	ssyncadd.remote.s32 $0x1  }
0xc5: {  	_ =	sfence.sel $0xFFFF  }
0xc6: {  	[dreg:$0x0] =	wrdreg $0xFFFFFFFF;
	(pc) =	sbr.abs _section_cstart, $3  }
0xc7: {  	[dreg:$0x1] =	wrdreg $0xFFFFFFFF  }
0xc8: {  	_ =	task.clear_ibuf [dreg:s11], $0x2FFFF;
	_ =	strace $0x9FFFFFFF  }
0xc9: {  	(tm) =	ssettm $0x7FFFFFFF  }
tec
execute0_lowered:
.L_overlay_start_1:
0x0: {  	(tag) =	ssettag $0x1  }
0x1: {  	v0 =	vlaneseq.u32  }
0x2: {  	s0 =	rddreg [dreg:$0x0];
	v0 =	vmul.u32 $0x400, v0  }
0x3: {  	s3 =	rddreg [dreg:$0x1]  }
0x4: {  	s1 =	rddreg [dreg:$0x2];
	v1 =	vor.u32 $0x80, v0  }
0x5: {  	s2 =	rddreg [dreg:$0x3];
	v2 =	vor.u32 $0x100, v0;
	v3 =	vor.u32 $0x180, v0;
	v4 =	vor.u32 $0x200, v0  }
0x6: {  	s5 =	rddreg [dreg:$0x4];
	s6 =	srdreg.scid;
	v5 =	vor.u32 $0x280, v0;
	v6 =	vor.u32 $0x300, v0;
	v7 =	vor.u32 $0x380, v0  }
0x7: {  	s4 =	simm.s32 $0x0;
	s8 =	stileid.u32;
	s6 =	sand.u32 $0x1, s6;
	v8 =	vor.u32 $0x4000, v0;
	v9 =	vor.u32 $0x4080, v0;
	v10 =	vor.u32 $0x4100, v0  }
0x8: {  	s8 =	sshll.u32 s8, $0x7;
	s7 =	ssub.s32 $0x2, s6;
	s6 =	sshll.u32 s6, $0x6;
	v11 =	vor.u32 $0x4180, v0;
	v12 =	vor.u32 $0x4200, v0;
	v13 =	vor.u32 $0x4280, v0  }
0x9: {  	[smem:$0x7FF] =	sst s4;
	s6 =	sor.u32 s6, s8;
	v14 =	vor.u32 $0x4300, v0;
	v15 =	vor.u32 $0x4380, v0;
	v16 =	vor.u32 $0x8000, v0  }
0xa: {  	s25 =	simm.s32 $0x2;
	_ =	strace $0x80000047;
	v17 =	vor.u32 $0x8080, v0;
	v18 =	vor.u32 $0x8100, v0;
	v19 =	vor.u32 $0x8180, v0;
	s0 =	sadd.s32 s0, s6  }
0xb: {  	s9 =	sshrl.u32 s7, $0x1;
	v20 =	vor.u32 $0x8200, v0;
	v21 =	vor.u32 $0x8280, v0;
	v22 =	vor.u32 $0x8300, v0;
	s29 =	sadd.s32 s3, s6;
	[dreg:$0x6] =	wrdreg s0  }
0xc: {  	v23 =	vor.u32 $0x8380, v0;
	v24 =	vor.u32 $0xC000, v0;
	v25 =	vor.u32 $0xC080, v0;
	s7 =	ssub.s32 s7, s9;
	s30 =	sadd.s32 s5, s6;
	[dreg:$0x7] =	wrdreg s29  }
0xd: {  	s11 =	simm.s32 $0x1;
	v26 =	vor.u32 $0xC100, v0;
	v27 =	vor.u32 $0xC180, v0;
	v28 =	vor.u32 $0xC200, v0;
	[dreg:$0x8] =	wrdreg s30;
	s31 =	smax.u32 s7, $0x1  }
0xe: {  	s12 =	simm.s32 $0x400;
	v29 =	vor.u32 $0xC280, v0;
	v30 =	vor.u32 $0xC300, v0;
	v31 =	vor.u32 $0xC380, v0;
	s0 =	simm.s32 $0x0;
	[dreg:$0x9] =	wrdreg s31  }
.LBB2_1:
0xf: {  	[dreg:$0xa] =	wrdreg s0  }
0x10: {  	s24 =	rddreg [dreg:$0x6];
	s26 =	simm.s32 $0x200  }
0x11: {  	s28 =	simm.s32 $0x0;
	s0 =	simm.s32 $0x5800;
	s23 =	simm.s32 $0x1800  }
0x12: {  	s22 =	simm.s32 $0xD400;
	s21 =	simm.s32 $0x9400;
	s20 =	simm.s32 $0x5400  }
0x13: {  	s19 =	simm.s32 $0x1400;
	s18 =	simm.s32 $0xD000;
	s17 =	simm.s32 $0x9000  }
0x14: {  	[tilespmem:s4], [sflag:$0x2] =	stream.linear.gather [hbm4b:s24+s4], $0x200, $0x38;
	[tilespmem:$0x14600] =	vst v63  }
0x15: {  	s16 =	simm.s32 $0x5000;
	s15 =	simm.s32 $0x1000;
	_ =	swait.ge [sflag:s25], $0x200  }
0x16: {  	s14 =	simm.s32 $0xCC00;
	s13 =	simm.s32 $0x8C00;
	[sflag:s25] =	ssyncset.done $0x0  }
0x17: {  	s9 =	simm.s32 $0x4C00;
	s30 =	rddreg [dreg:$0x7];
	[sflag:s25] =	ssyncadd.s32 $0xFFFFFE00  }
0x18: {  	[tilespmem:s26], [sflag:$0x2] =	stream.linear.gather [hbm4b:s30+s4], $0x200, $0x38;
	[tilespmem:$0x14600] =	vst v63  }
0x19: {  	s7 =	simm.s32 $0xC800;
	s5 =	simm.s32 $0x4800;
	_ =	swait.ge [sflag:s25], $0x200  }
0x1a: {  	s3 =	simm.s32 $0xC400;
	s31 =	simm.s32 $0x4400;
	[sflag:s25] =	ssyncset.done $0x0  }
0x1b: {  	s24 =	simm.s32 $0x10500;
	s26 =	simm.s32 $0x10500;
	[sflag:s25] =	ssyncadd.s32 $0xFFFFFE00  }
.LBB2_2:
0x1c: {  	s25 =	sshra.s32 s28, $0x2  }
0x1d: {  	v32 =	vld [tilespmem:s25+$0x0];
	_ =	sdelay $0x4  }
0x1e: {  	(v2sf) =	vpush v32, $0x0;
	_ =	sdelay $0xe  }
0x1f: {  	s8 =	spop (v2sf)  }
0x20: {  	s29 =	sand.u32 $0x7F, s8  }
0x21: {  	(v2sf) =	vpush v32, $0x1;
	s30 =	sshra.s32 s8, $0x1F;
	p0 =	slt.s32 s8, $0x1;
	p1 =	sne.s32 s29, $0x0  }
0x22: {  	s30 =	sshrl.u32 s30, $0x19;
	p0 =	por !p0, !p1  }
0x23: {  	s29 =	simm.s32 $0x1;
	s25 =	sadd.s32 s30, s8;
	p0 =	por !p0, !p0  }
0x24: {  	s25 =	sshrl.u32 s25, $0x7;
	s29 =	simm.s32 @!p0 $0x0  }
0x25: {  	s25 =	ssub.s32 s25, s29  }
0x26: {  	s25 =	sshll.u32 s25, $0x7  }
0x27: {  	s25 =	sand.u32 $0x1FFFFF80, s25  }
0x28: {  	s29 =	sadd.s32 s1, s25;
	s25 =	simm.s32 $0x0  }
0x29: {  	[tilespmem:s12], [sflag:$0x1] =	stream.linear.gather [hbm4b:s29+s25], $0x400, $0x38;
	[tilespmem:$0x14600] =	vst v63  }
0x2a: {  	s8 =	sadd.s32 $0xF4280, s29  }
0x2b: {  	[tilespmem:s31], [sflag:$0x1] =	stream.linear.gather [hbm4b:s8+s25], $0x400, $0x38;
	[tilespmem:$0x14600] =	vst v63  }
0x2c: {  	s30 =	sadd.s32 $0x1E8500, s29;
	s8 =	simm.s32 $0x8400  }
0x2d: {  	[tilespmem:s8], [sflag:$0x1] =	stream.linear.gather [hbm4b:s30+s25], $0x400, $0x38;
	[tilespmem:$0x14600] =	vst v63  }
0x2e: {  	s29 =	sadd.s32 $0x2DC780, s29  }
0x2f: {  	[tilespmem:s3], [sflag:$0x1] =	stream.linear.gather [hbm4b:s29+s25], $0x400, $0x38;
	[tilespmem:$0x14600] =	vst v63  }
0x30: {  	s29 =	spop (v2sf)  }
0x31: {  	s8 =	sand.u32 $0x7F, s29  }
0x32: {  	(v2sf) =	vpush v32, $0x2;
	p2 =	slt.s32 s29, $0x1;
	p1 =	sne.s32 s8, $0x0;
	s8 =	sshra.s32 s29, $0x1F  }
0x33: {  	s30 =	sshrl.u32 s8, $0x19;
	p0 =	por !p2, !p1  }
0x34: {  	s29 =	sadd.s32 s30, s29;
	p0 =	por !p0, !p0;
	s30 =	simm.s32 $0x1  }
0x35: {  	s29 =	sshrl.u32 s29, $0x7;
	s30 =	simm.s32 @!p0 $0x0  }
0x36: {  	s29 =	ssub.s32 s29, s30  }
0x37: {  	s29 =	sshll.u32 s29, $0x7  }
0x38: {  	s29 =	sand.u32 $0x1FFFFF80, s29  }
0x39: {  	s30 =	simm.s32 $0x800;
	s29 =	sadd.s32 s1, s29  }
0x3a: {  	[tilespmem:s30], [sflag:$0x1] =	stream.linear.gather [hbm4b:s29+s25], $0x400, $0x38;
	[tilespmem:$0x14600] =	vst v63  }
0x3b: {  	s8 =	sadd.s32 $0xF4280, s29  }
0x3c: {  	[tilespmem:s5], [sflag:$0x1] =	stream.linear.gather [hbm4b:s8+s25], $0x400, $0x38;
	[tilespmem:$0x14600] =	vst v63  }
0x3d: {  	s30 =	sadd.s32 $0x1E8500, s29;
	s8 =	simm.s32 $0x8800  }
0x3e: {  	[tilespmem:s8], [sflag:$0x1] =	stream.linear.gather [hbm4b:s30+s25], $0x400, $0x38;
	[tilespmem:$0x14600] =	vst v63  }
0x3f: {  	s29 =	sadd.s32 $0x2DC780, s29  }
0x40: {  	[tilespmem:s7], [sflag:$0x1] =	stream.linear.gather [hbm4b:s29+s25], $0x400, $0x38;
	[tilespmem:$0x14600] =	vst v63  }
0x41: {  	s29 =	spop (v2sf)  }
0x42: {  	s8 =	sand.u32 $0x7F, s29  }
0x43: {  	(v2sf) =	vpush v32, $0x3;
	p4 =	slt.s32 s29, $0x1;
	p3 =	sne.s32 s8, $0x0;
	s8 =	sshra.s32 s29, $0x1F  }
0x44: {  	s30 =	sshrl.u32 s8, $0x19;
	p0 =	por !p4, !p3  }
0x45: {  	s29 =	sadd.s32 s30, s29;
	p0 =	por !p0, !p0;
	s30 =	simm.s32 $0x1  }
0x46: {  	s29 =	sshrl.u32 s29, $0x7;
	s30 =	simm.s32 @!p0 $0x0  }
0x47: {  	s29 =	ssub.s32 s29, s30  }
0x48: {  	s29 =	sshll.u32 s29, $0x7  }
0x49: {  	s29 =	sand.u32 $0x1FFFFF80, s29  }
0x4a: {  	s30 =	simm.s32 $0xC00;
	s29 =	sadd.s32 s1, s29  }
0x4b: {  	[tilespmem:s30], [sflag:$0x1] =	stream.linear.gather [hbm4b:s29+s25], $0x400, $0x38;
	[tilespmem:$0x14600] =	vst v63  }
0x4c: {  	s8 =	sadd.s32 $0xF4280, s29  }
0x4d: {  	[tilespmem:s9], [sflag:$0x1] =	stream.linear.gather [hbm4b:s8+s25], $0x400, $0x38;
	[tilespmem:$0x14600] =	vst v63  }
0x4e: {  	s8 =	sadd.s32 $0x1E8500, s29  }
0x4f: {  	[tilespmem:s13], [sflag:$0x1] =	stream.linear.gather [hbm4b:s8+s25], $0x400, $0x38;
	[tilespmem:$0x14600] =	vst v63  }
0x50: {  	s29 =	sadd.s32 $0x2DC780, s29  }
0x51: {  	[tilespmem:s14], [sflag:$0x1] =	stream.linear.gather [hbm4b:s29+s25], $0x400, $0x38;
	[tilespmem:$0x14600] =	vst v63  }
0x52: {  	s29 =	spop (v2sf)  }
0x53: {  	s8 =	sand.u32 $0x7F, s29  }
0x54: {  	(v2sf) =	vpush v32, $0x4;
	p6 =	slt.s32 s29, $0x1;
	p5 =	sne.s32 s8, $0x0;
	s8 =	sshra.s32 s29, $0x1F  }
0x55: {  	s30 =	sshrl.u32 s8, $0x19;
	p0 =	por !p6, !p5  }
0x56: {  	s29 =	sadd.s32 s30, s29;
	p0 =	por !p0, !p0;
	s30 =	simm.s32 $0x1  }
0x57: {  	s29 =	sshrl.u32 s29, $0x7;
	s30 =	simm.s32 @!p0 $0x0  }
0x58: {  	s29 =	ssub.s32 s29, s30  }
0x59: {  	s29 =	sshll.u32 s29, $0x7  }
0x5a: {  	s29 =	sand.u32 $0x1FFFFF80, s29  }
0x5b: {  	s29 =	sadd.s32 s1, s29  }
0x5c: {  	[tilespmem:s15], [sflag:$0x1] =	stream.linear.gather [hbm4b:s29+s25], $0x400, $0x38;
	[tilespmem:$0x14600] =	vst v63  }
0x5d: {  	s8 =	sadd.s32 $0xF4280, s29  }
0x5e: {  	[tilespmem:s16], [sflag:$0x1] =	stream.linear.gather [hbm4b:s8+s25], $0x400, $0x38;
	[tilespmem:$0x14600] =	vst v63  }
0x5f: {  	s8 =	sadd.s32 $0x1E8500, s29  }
0x60: {  	[tilespmem:s17], [sflag:$0x1] =	stream.linear.gather [hbm4b:s8+s25], $0x400, $0x38;
	[tilespmem:$0x14600] =	vst v63  }
0x61: {  	s29 =	sadd.s32 $0x2DC780, s29  }
0x62: {  	[tilespmem:s18], [sflag:$0x1] =	stream.linear.gather [hbm4b:s29+s25], $0x400, $0x38;
	[tilespmem:$0x14600] =	vst v63  }
0x63: {  	s29 =	spop (v2sf)  }
0x64: {  	s8 =	sand.u32 $0x7F, s29  }
0x65: {  	(v2sf) =	vpush v32, $0x5;
	p2 =	slt.s32 s29, $0x1;
	p1 =	sne.s32 s8, $0x0;
	s8 =	sshra.s32 s29, $0x1F  }
0x66: {  	s30 =	sshrl.u32 s8, $0x19;
	p0 =	por !p2, !p1  }
0x67: {  	s29 =	sadd.s32 s30, s29;
	p0 =	por !p0, !p0;
	s30 =	simm.s32 $0x1  }
0x68: {  	s29 =	sshrl.u32 s29, $0x7;
	s30 =	simm.s32 @!p0 $0x0  }
0x69: {  	s29 =	ssub.s32 s29, s30  }
0x6a: {  	s29 =	sshll.u32 s29, $0x7  }
0x6b: {  	s29 =	sand.u32 $0x1FFFFF80, s29  }
0x6c: {  	s29 =	sadd.s32 s1, s29  }
0x6d: {  	[tilespmem:s19], [sflag:$0x1] =	stream.linear.gather [hbm4b:s29+s25], $0x400, $0x38;
	[tilespmem:$0x14600] =	vst v63  }
0x6e: {  	s8 =	sadd.s32 $0xF4280, s29  }
0x6f: {  	[tilespmem:s20], [sflag:$0x1] =	stream.linear.gather [hbm4b:s8+s25], $0x400, $0x38;
	[tilespmem:$0x14600] =	vst v63  }
0x70: {  	s8 =	sadd.s32 $0x1E8500, s29  }
0x71: {  	[tilespmem:s21], [sflag:$0x1] =	stream.linear.gather [hbm4b:s8+s25], $0x400, $0x38;
	[tilespmem:$0x14600] =	vst v63  }
0x72: {  	s29 =	sadd.s32 $0x2DC780, s29  }
0x73: {  	[tilespmem:s22], [sflag:$0x1] =	stream.linear.gather [hbm4b:s29+s25], $0x400, $0x38;
	[tilespmem:$0x14600] =	vst v63  }
0x74: {  	s29 =	spop (v2sf)  }
0x75: {  	s8 =	sand.u32 $0x7F, s29  }
0x76: {  	(v2sf) =	vpush v32, $0x6;
	p4 =	slt.s32 s29, $0x1;
	p3 =	sne.s32 s8, $0x0;
	s8 =	sshra.s32 s29, $0x1F  }
0x77: {  	s30 =	sshrl.u32 s8, $0x19;
	p0 =	por !p4, !p3  }
0x78: {  	s29 =	sadd.s32 s30, s29;
	p0 =	por !p0, !p0;
	s30 =	simm.s32 $0x1  }
0x79: {  	s29 =	sshrl.u32 s29, $0x7;
	s30 =	simm.s32 @!p0 $0x0  }
0x7a: {  	s29 =	ssub.s32 s29, s30  }
0x7b: {  	s29 =	sshll.u32 s29, $0x7  }
0x7c: {  	s29 =	sand.u32 $0x1FFFFF80, s29  }
0x7d: {  	s29 =	sadd.s32 s1, s29  }
0x7e: {  	[tilespmem:s23], [sflag:$0x1] =	stream.linear.gather [hbm4b:s29+s25], $0x400, $0x38;
	[tilespmem:$0x14600] =	vst v63  }
0x7f: {  	s8 =	sadd.s32 $0xF4280, s29  }
0x80: {  	[tilespmem:s0], [sflag:$0x1] =	stream.linear.gather [hbm4b:s8+s25], $0x400, $0x38;
	[tilespmem:$0x14600] =	vst v63  }
0x81: {  	s30 =	sadd.s32 $0x1E8500, s29;
	s8 =	simm.s32 $0x9800  }
0x82: {  	[tilespmem:s8], [sflag:$0x1] =	stream.linear.gather [hbm4b:s30+s25], $0x400, $0x38;
	[tilespmem:$0x14600] =	vst v63  }
0x83: {  	s29 =	sadd.s32 $0x2DC780, s29;
	s30 =	simm.s32 $0xD800  }
0x84: {  	[tilespmem:s30], [sflag:$0x1] =	stream.linear.gather [hbm4b:s29+s25], $0x400, $0x38;
	[tilespmem:$0x14600] =	vst v63  }
0x85: {  	s29 =	spop (v2sf)  }
0x86: {  	s8 =	sand.u32 $0x7F, s29  }
0x87: {  	(v2sf) =	vpush v32, $0x7;
	p6 =	slt.s32 s29, $0x1;
	p5 =	sne.s32 s8, $0x0;
	s8 =	sshra.s32 s29, $0x1F  }
0x88: {  	s30 =	sshrl.u32 s8, $0x19;
	p0 =	por !p6, !p5  }
0x89: {  	s29 =	sadd.s32 s30, s29;
	p0 =	por !p0, !p0;
	s30 =	simm.s32 $0x1  }
0x8a: {  	s29 =	sshrl.u32 s29, $0x7;
	s30 =	simm.s32 @!p0 $0x0  }
0x8b: {  	s29 =	ssub.s32 s29, s30  }
0x8c: {  	s29 =	sshll.u32 s29, $0x7  }
0x8d: {  	s29 =	sand.u32 $0x1FFFFF80, s29  }
0x8e: {  	s30 =	simm.s32 $0x1C00;
	s29 =	sadd.s32 s1, s29  }
0x8f: {  	[tilespmem:s30], [sflag:$0x1] =	stream.linear.gather [hbm4b:s29+s25], $0x400, $0x38;
	[tilespmem:$0x14600] =	vst v63  }
0x90: {  	s8 =	simm.s32 $0x5C00;
	s30 =	sadd.s32 $0xF4280, s29  }
0x91: {  	[tilespmem:s8], [sflag:$0x1] =	stream.linear.gather [hbm4b:s30+s25], $0x400, $0x38;
	[tilespmem:$0x14600] =	vst v63  }
0x92: {  	s30 =	sadd.s32 $0x1E8500, s29;
	s8 =	simm.s32 $0x9C00  }
0x93: {  	[tilespmem:s8], [sflag:$0x1] =	stream.linear.gather [hbm4b:s30+s25], $0x400, $0x38;
	[tilespmem:$0x14600] =	vst v63  }
0x94: {  	s29 =	sadd.s32 $0x2DC780, s29;
	s30 =	simm.s32 $0xDC00  }
0x95: {  	[tilespmem:s30], [sflag:$0x1] =	stream.linear.gather [hbm4b:s29+s25], $0x400, $0x38;
	[tilespmem:$0x14600] =	vst v63  }
0x96: {  	s29 =	spop (v2sf)  }
0x97: {  	s8 =	sand.u32 $0x7F, s29  }
0x98: {  	(v2sf) =	vpush v32, $0x8;
	p2 =	slt.s32 s29, $0x1;
	p1 =	sne.s32 s8, $0x0;
	s8 =	sshra.s32 s29, $0x1F  }
0x99: {  	s30 =	sshrl.u32 s8, $0x19;
	p0 =	por !p2, !p1  }
0x9a: {  	s29 =	sadd.s32 s30, s29;
	p0 =	por !p0, !p0;
	s30 =	simm.s32 $0x1  }
0x9b: {  	s29 =	sshrl.u32 s29, $0x7;
	s30 =	simm.s32 @!p0 $0x0  }
0x9c: {  	s29 =	ssub.s32 s29, s30  }
0x9d: {  	s29 =	sshll.u32 s29, $0x7  }
0x9e: {  	s29 =	sand.u32 $0x1FFFFF80, s29  }
0x9f: {  	s30 =	simm.s32 $0x2000;
	s29 =	sadd.s32 s1, s29  }
0xa0: {  	[tilespmem:s30], [sflag:$0x1] =	stream.linear.gather [hbm4b:s29+s25], $0x400, $0x38;
	[tilespmem:$0x14600] =	vst v63  }
0xa1: {  	s8 =	simm.s32 $0x6000;
	s30 =	sadd.s32 $0xF4280, s29  }
0xa2: {  	[tilespmem:s8], [sflag:$0x1] =	stream.linear.gather [hbm4b:s30+s25], $0x400, $0x38;
	[tilespmem:$0x14600] =	vst v63  }
0xa3: {  	s30 =	sadd.s32 $0x1E8500, s29;
	s8 =	simm.s32 $0xA000  }
0xa4: {  	[tilespmem:s8], [sflag:$0x1] =	stream.linear.gather [hbm4b:s30+s25], $0x400, $0x38;
	[tilespmem:$0x14600] =	vst v63  }
0xa5: {  	s29 =	sadd.s32 $0x2DC780, s29;
	s30 =	simm.s32 $0xE000  }
0xa6: {  	[tilespmem:s30], [sflag:$0x1] =	stream.linear.gather [hbm4b:s29+s25], $0x400, $0x38;
	[tilespmem:$0x14600] =	vst v63  }
0xa7: {  	s29 =	spop (v2sf)  }
0xa8: {  	s8 =	sand.u32 $0x7F, s29  }
0xa9: {  	(v2sf) =	vpush v32, $0x9;
	p4 =	slt.s32 s29, $0x1;
	p3 =	sne.s32 s8, $0x0;
	s8 =	sshra.s32 s29, $0x1F  }
0xaa: {  	s30 =	sshrl.u32 s8, $0x19;
	p0 =	por !p4, !p3  }
0xab: {  	s29 =	sadd.s32 s30, s29;
	p0 =	por !p0, !p0;
	s30 =	simm.s32 $0x1  }
0xac: {  	s29 =	sshrl.u32 s29, $0x7;
	s30 =	simm.s32 @!p0 $0x0  }
0xad: {  	s29 =	ssub.s32 s29, s30  }
0xae: {  	s29 =	sshll.u32 s29, $0x7  }
0xaf: {  	s29 =	sand.u32 $0x1FFFFF80, s29  }
0xb0: {  	s30 =	simm.s32 $0x2400;
	s29 =	sadd.s32 s1, s29  }
0xb1: {  	[tilespmem:s30], [sflag:$0x1] =	stream.linear.gather [hbm4b:s29+s25], $0x400, $0x38;
	[tilespmem:$0x14600] =	vst v63  }
0xb2: {  	s8 =	simm.s32 $0x6400;
	s30 =	sadd.s32 $0xF4280, s29  }
0xb3: {  	[tilespmem:s8], [sflag:$0x1] =	stream.linear.gather [hbm4b:s30+s25], $0x400, $0x38;
	[tilespmem:$0x14600] =	vst v63  }
0xb4: {  	s30 =	sadd.s32 $0x1E8500, s29;
	s8 =	simm.s32 $0xA400  }
0xb5: {  	[tilespmem:s8], [sflag:$0x1] =	stream.linear.gather [hbm4b:s30+s25], $0x400, $0x38;
	[tilespmem:$0x14600] =	vst v63  }
0xb6: {  	s29 =	sadd.s32 $0x2DC780, s29;
	s30 =	simm.s32 $0xE400  }
0xb7: {  	[tilespmem:s30], [sflag:$0x1] =	stream.linear.gather [hbm4b:s29+s25], $0x400, $0x38;
	[tilespmem:$0x14600] =	vst v63  }
0xb8: {  	s29 =	spop (v2sf)  }
0xb9: {  	s8 =	sand.u32 $0x7F, s29  }
0xba: {  	(v2sf) =	vpush v32, $0xA;
	p6 =	slt.s32 s29, $0x1;
	p5 =	sne.s32 s8, $0x0;
	s8 =	sshra.s32 s29, $0x1F  }
0xbb: {  	s30 =	sshrl.u32 s8, $0x19;
	p0 =	por !p6, !p5  }
0xbc: {  	s29 =	sadd.s32 s30, s29;
	p0 =	por !p0, !p0;
	s30 =	simm.s32 $0x1  }
0xbd: {  	s29 =	sshrl.u32 s29, $0x7;
	s30 =	simm.s32 @!p0 $0x0  }
0xbe: {  	s29 =	ssub.s32 s29, s30  }
0xbf: {  	s29 =	sshll.u32 s29, $0x7  }
0xc0: {  	s29 =	sand.u32 $0x1FFFFF80, s29  }
0xc1: {  	s30 =	simm.s32 $0x2800;
	s29 =	sadd.s32 s1, s29  }
0xc2: {  	[tilespmem:s30], [sflag:$0x1] =	stream.linear.gather [hbm4b:s29+s25], $0x400, $0x38;
	[tilespmem:$0x14600] =	vst v63  }
0xc3: {  	s8 =	simm.s32 $0x6800;
	s30 =	sadd.s32 $0xF4280, s29  }
0xc4: {  	[tilespmem:s8], [sflag:$0x1] =	stream.linear.gather [hbm4b:s30+s25], $0x400, $0x38;
	[tilespmem:$0x14600] =	vst v63  }
0xc5: {  	s30 =	sadd.s32 $0x1E8500, s29;
	s8 =	simm.s32 $0xA800  }
0xc6: {  	[tilespmem:s8], [sflag:$0x1] =	stream.linear.gather [hbm4b:s30+s25], $0x400, $0x38;
	[tilespmem:$0x14600] =	vst v63  }
0xc7: {  	s29 =	sadd.s32 $0x2DC780, s29;
	s30 =	simm.s32 $0xE800  }
0xc8: {  	[tilespmem:s30], [sflag:$0x1] =	stream.linear.gather [hbm4b:s29+s25], $0x400, $0x38;
	[tilespmem:$0x14600] =	vst v63  }
0xc9: {  	s29 =	spop (v2sf)  }
0xca: {  	s8 =	sand.u32 $0x7F, s29  }
0xcb: {  	(v2sf) =	vpush v32, $0xB;
	p2 =	slt.s32 s29, $0x1;
	p1 =	sne.s32 s8, $0x0;
	s8 =	sshra.s32 s29, $0x1F  }
0xcc: {  	s30 =	sshrl.u32 s8, $0x19;
	p0 =	por !p2, !p1  }
0xcd: {  	s29 =	sadd.s32 s30, s29;
	p0 =	por !p0, !p0;
	s30 =	simm.s32 $0x1  }
0xce: {  	s29 =	sshrl.u32 s29, $0x7;
	s30 =	simm.s32 @!p0 $0x0  }
0xcf: {  	s29 =	ssub.s32 s29, s30  }
0xd0: {  	s29 =	sshll.u32 s29, $0x7  }
0xd1: {  	s29 =	sand.u32 $0x1FFFFF80, s29  }
0xd2: {  	s30 =	simm.s32 $0x2C00;
	s29 =	sadd.s32 s1, s29  }
0xd3: {  	[tilespmem:s30], [sflag:$0x1] =	stream.linear.gather [hbm4b:s29+s25], $0x400, $0x38;
	[tilespmem:$0x14600] =	vst v63  }
0xd4: {  	s8 =	simm.s32 $0x6C00;
	s30 =	sadd.s32 $0xF4280, s29  }
0xd5: {  	[tilespmem:s8], [sflag:$0x1] =	stream.linear.gather [hbm4b:s30+s25], $0x400, $0x38;
	[tilespmem:$0x14600] =	vst v63  }
0xd6: {  	s30 =	sadd.s32 $0x1E8500, s29;
	s8 =	simm.s32 $0xAC00  }
0xd7: {  	[tilespmem:s8], [sflag:$0x1] =	stream.linear.gather [hbm4b:s30+s25], $0x400, $0x38;
	[tilespmem:$0x14600] =	vst v63  }
0xd8: {  	s29 =	sadd.s32 $0x2DC780, s29;
	s30 =	simm.s32 $0xEC00  }
0xd9: {  	[tilespmem:s30], [sflag:$0x1] =	stream.linear.gather [hbm4b:s29+s25], $0x400, $0x38;
	[tilespmem:$0x14600] =	vst v63  }
0xda: {  	s29 =	spop (v2sf)  }
0xdb: {  	s8 =	sand.u32 $0x7F, s29  }
0xdc: {  	(v2sf) =	vpush v32, $0xC;
	p4 =	slt.s32 s29, $0x1;
	p3 =	sne.s32 s8, $0x0;
	s8 =	sshra.s32 s29, $0x1F  }
0xdd: {  	s30 =	sshrl.u32 s8, $0x19;
	p0 =	por !p4, !p3  }
0xde: {  	s29 =	sadd.s32 s30, s29;
	p0 =	por !p0, !p0;
	s30 =	simm.s32 $0x1  }
0xdf: {  	s29 =	sshrl.u32 s29, $0x7;
	s30 =	simm.s32 @!p0 $0x0  }
0xe0: {  	s29 =	ssub.s32 s29, s30  }
0xe1: {  	s29 =	sshll.u32 s29, $0x7  }
0xe2: {  	s29 =	sand.u32 $0x1FFFFF80, s29  }
0xe3: {  	s30 =	simm.s32 $0x3000;
	s29 =	sadd.s32 s1, s29  }
0xe4: {  	[tilespmem:s30], [sflag:$0x1] =	stream.linear.gather [hbm4b:s29+s25], $0x400, $0x38;
	[tilespmem:$0x14600] =	vst v63  }
0xe5: {  	s8 =	simm.s32 $0x7000;
	s30 =	sadd.s32 $0xF4280, s29  }
0xe6: {  	[tilespmem:s8], [sflag:$0x1] =	stream.linear.gather [hbm4b:s30+s25], $0x400, $0x38;
	[tilespmem:$0x14600] =	vst v63  }
0xe7: {  	s30 =	sadd.s32 $0x1E8500, s29;
	s8 =	simm.s32 $0xB000  }
0xe8: {  	[tilespmem:s8], [sflag:$0x1] =	stream.linear.gather [hbm4b:s30+s25], $0x400, $0x38;
	[tilespmem:$0x14600] =	vst v63  }
0xe9: {  	s29 =	sadd.s32 $0x2DC780, s29;
	s30 =	simm.s32 $0xF000  }
0xea: {  	[tilespmem:s30], [sflag:$0x1] =	stream.linear.gather [hbm4b:s29+s25], $0x400, $0x38;
	[tilespmem:$0x14600] =	vst v63  }
0xeb: {  	s29 =	spop (v2sf)  }
0xec: {  	s8 =	sand.u32 $0x7F, s29  }
0xed: {  	(v2sf) =	vpush v32, $0xD;
	p6 =	slt.s32 s29, $0x1;
	p5 =	sne.s32 s8, $0x0;
	s8 =	sshra.s32 s29, $0x1F  }
0xee: {  	s30 =	sshrl.u32 s8, $0x19;
	p0 =	por !p6, !p5  }
0xef: {  	s29 =	sadd.s32 s30, s29;
	p0 =	por !p0, !p0;
	s30 =	simm.s32 $0x1  }
0xf0: {  	s29 =	sshrl.u32 s29, $0x7;
	s30 =	simm.s32 @!p0 $0x0  }
0xf1: {  	s29 =	ssub.s32 s29, s30  }
0xf2: {  	s29 =	sshll.u32 s29, $0x7  }
0xf3: {  	s29 =	sand.u32 $0x1FFFFF80, s29  }
0xf4: {  	s30 =	simm.s32 $0x3400;
	s29 =	sadd.s32 s1, s29  }
0xf5: {  	[tilespmem:s30], [sflag:$0x1] =	stream.linear.gather [hbm4b:s29+s25], $0x400, $0x38;
	[tilespmem:$0x14600] =	vst v63  }
0xf6: {  	s8 =	simm.s32 $0x7400;
	s30 =	sadd.s32 $0xF4280, s29  }
0xf7: {  	[tilespmem:s8], [sflag:$0x1] =	stream.linear.gather [hbm4b:s30+s25], $0x400, $0x38;
	[tilespmem:$0x14600] =	vst v63  }
0xf8: {  	s30 =	sadd.s32 $0x1E8500, s29;
	s8 =	simm.s32 $0xB400  }
0xf9: {  	[tilespmem:s8], [sflag:$0x1] =	stream.linear.gather [hbm4b:s30+s25], $0x400, $0x38;
	[tilespmem:$0x14600] =	vst v63  }
0xfa: {  	s29 =	sadd.s32 $0x2DC780, s29;
	s30 =	simm.s32 $0xF400  }
0xfb: {  	[tilespmem:s30], [sflag:$0x1] =	stream.linear.gather [hbm4b:s29+s25], $0x400, $0x38;
	[tilespmem:$0x14600] =	vst v63  }
0xfc: {  	s29 =	spop (v2sf)  }
0xfd: {  	s8 =	sand.u32 $0x7F, s29  }
0xfe: {  	(v2sf) =	vpush v32, $0xE;
	p2 =	slt.s32 s29, $0x1;
	p1 =	sne.s32 s8, $0x0;
	s8 =	sshra.s32 s29, $0x1F  }
0xff: {  	s30 =	sshrl.u32 s8, $0x19;
	p0 =	por !p2, !p1  }
0x100: {  	s29 =	sadd.s32 s30, s29;
	p0 =	por !p0, !p0;
	s30 =	simm.s32 $0x1  }
0x101: {  	s29 =	sshrl.u32 s29, $0x7;
	s30 =	simm.s32 @!p0 $0x0  }
0x102: {  	s29 =	ssub.s32 s29, s30  }
0x103: {  	s29 =	sshll.u32 s29, $0x7  }
0x104: {  	s29 =	sand.u32 $0x1FFFFF80, s29  }
0x105: {  	s30 =	simm.s32 $0x3800;
	s29 =	sadd.s32 s1, s29  }
0x106: {  	[tilespmem:s30], [sflag:$0x1] =	stream.linear.gather [hbm4b:s29+s25], $0x400, $0x38;
	[tilespmem:$0x14600] =	vst v63  }
0x107: {  	s8 =	simm.s32 $0x7800;
	s30 =	sadd.s32 $0xF4280, s29  }
0x108: {  	[tilespmem:s8], [sflag:$0x1] =	stream.linear.gather [hbm4b:s30+s25], $0x400, $0x38;
	[tilespmem:$0x14600] =	vst v63  }
0x109: {  	s30 =	sadd.s32 $0x1E8500, s29;
	s8 =	simm.s32 $0xB800  }
0x10a: {  	[tilespmem:s8], [sflag:$0x1] =	stream.linear.gather [hbm4b:s30+s25], $0x400, $0x38;
	[tilespmem:$0x14600] =	vst v63  }
0x10b: {  	s29 =	sadd.s32 $0x2DC780, s29;
	s30 =	simm.s32 $0xF800  }
0x10c: {  	[tilespmem:s30], [sflag:$0x1] =	stream.linear.gather [hbm4b:s29+s25], $0x400, $0x38;
	[tilespmem:$0x14600] =	vst v63  }
0x10d: {  	s29 =	spop (v2sf)  }
0x10e: {  	s8 =	sand.u32 $0x7F, s29  }
0x10f: {  	(v2sf) =	vpush v32, $0xF;
	p4 =	slt.s32 s29, $0x1;
	p3 =	sne.s32 s8, $0x0;
	s8 =	sshra.s32 s29, $0x1F  }
0x110: {  	s30 =	sshrl.u32 s8, $0x19;
	p0 =	por !p4, !p3  }
0x111: {  	s29 =	sadd.s32 s30, s29;
	p0 =	por !p0, !p0;
	s30 =	simm.s32 $0x1  }
0x112: {  	s29 =	sshrl.u32 s29, $0x7;
	s30 =	simm.s32 @!p0 $0x0  }
0x113: {  	s29 =	ssub.s32 s29, s30  }
0x114: {  	s29 =	sshll.u32 s29, $0x7  }
0x115: {  	s29 =	sand.u32 $0x1FFFFF80, s29  }
0x116: {  	s30 =	simm.s32 $0x3C00;
	s29 =	sadd.s32 s1, s29  }
0x117: {  	[tilespmem:s30], [sflag:$0x1] =	stream.linear.gather [hbm4b:s29+s25], $0x400, $0x38;
	[tilespmem:$0x14600] =	vst v63  }
0x118: {  	s8 =	simm.s32 $0x7C00;
	s30 =	sadd.s32 $0xF4280, s29  }
0x119: {  	[tilespmem:s8], [sflag:$0x1] =	stream.linear.gather [hbm4b:s30+s25], $0x400, $0x38;
	[tilespmem:$0x14600] =	vst v63  }
0x11a: {  	s30 =	sadd.s32 $0x1E8500, s29;
	s8 =	simm.s32 $0xBC00  }
0x11b: {  	[tilespmem:s8], [sflag:$0x1] =	stream.linear.gather [hbm4b:s30+s25], $0x400, $0x38;
	[tilespmem:$0x14600] =	vst v63  }
0x11c: {  	s29 =	sadd.s32 $0x2DC780, s29;
	s30 =	simm.s32 $0xFC00  }
0x11d: {  	[tilespmem:s30], [sflag:$0x1] =	stream.linear.gather [hbm4b:s29+s25], $0x400, $0x38;
	[tilespmem:$0x14600] =	vst v63  }
0x11e: {  	s29 =	spop (v2sf)  }
0x11f: {  	s8 =	sand.u32 $0x7F, s29  }
0x120: {  	p6 =	slt.s32 s29, $0x1;
	p5 =	sne.s32 s8, $0x0;
	s8 =	sshra.s32 s29, $0x1F  }
0x121: {  	s30 =	sshrl.u32 s8, $0x19;
	p0 =	por !p6, !p5  }
0x122: {  	s29 =	sadd.s32 s30, s29;
	p0 =	por !p0, !p0;
	s30 =	simm.s32 $0x1  }
0x123: {  	s29 =	sshrl.u32 s29, $0x7;
	s30 =	simm.s32 @!p0 $0x0  }
0x124: {  	s29 =	ssub.s32 s29, s30  }
0x125: {  	s29 =	sshll.u32 s29, $0x7  }
0x126: {  	s29 =	sand.u32 $0x1FFFFF80, s29  }
0x127: {  	s30 =	simm.s32 $0x4000;
	s29 =	sadd.s32 s1, s29  }
0x128: {  	[tilespmem:s30], [sflag:$0x1] =	stream.linear.gather [hbm4b:s29+s25], $0x400, $0x38;
	[tilespmem:$0x14600] =	vst v63  }
0x129: {  	s8 =	simm.s32 $0x8000;
	s30 =	sadd.s32 $0xF4280, s29  }
0x12a: {  	[tilespmem:s8], [sflag:$0x1] =	stream.linear.gather [hbm4b:s30+s25], $0x400, $0x38;
	[tilespmem:$0x14600] =	vst v63  }
0x12b: {  	s10 =	simm.s32 $0xC000;
	s8 =	sadd.s32 $0x1E8500, s29  }
0x12c: {  	v32 =	vand.u32 $0x7F, v32;
	[tilespmem:s10], [sflag:$0x1] =	stream.linear.gather [hbm4b:s8+s25], $0x400, $0x38;
	[tilespmem:$0x14600] =	vst v63  }
0x12d: {  	s6 =	simm.s32 $0x10000;
	v33 =	vor.u32 v0, v32;
	s29 =	sadd.s32 $0x2DC780, s29  }
0x12e: {  	[tilespmem:s6], [sflag:$0x1] =	stream.linear.gather [hbm4b:s29+s25], $0x400, $0x38;
	[tilespmem:$0x14600] =	vst v63  }
0x12f: {  	_ =	swait.ge [sflag:s11], $0x10000  }
0x130: {  	[sflag:s11] =	ssyncset.done $0x0  }
0x131: {  	[sflag:s11] =	ssyncadd.s32 $0xFFFF0000  }
0x132: {  	v33 =	vld.idx.msk [tilespmem:v33+s12+$0x0], $0xffff  }
0x133: {  	v34 =	vor.u32 v1, v32;
	_ =	sdelay $0x3  }
0x134: {  	[tilespmem:s26+$0xFFFFFF00] =	vst v33  }
0x135: {  	v33 =	vld.idx.msk [tilespmem:v34+s12+$0x0], $0xffff  }
0x136: {  	v63 =	vor.u32 v2, v32;
	_ =	sdelay $0x3  }
0x137: {  	[tilespmem:s26+$0xFFFFFF10] =	vst v33  }
0x138: {  	v33 =	vld.idx.msk [tilespmem:v63+s12+$0x0], $0xffff  }
0x139: {  	v36 =	vor.u32 v3, v32;
	_ =	sdelay $0x3  }
0x13a: {  	[tilespmem:s26+$0xFFFFFF20] =	vst v33  }
0x13b: {  	v33 =	vld.idx.msk [tilespmem:v36+s12+$0x0], $0xffff  }
0x13c: {  	v37 =	vor.u32 v4, v32;
	_ =	sdelay $0x3  }
0x13d: {  	[tilespmem:s26+$0xFFFFFF30] =	vst v33  }
0x13e: {  	v33 =	vld.idx.msk [tilespmem:v37+s12+$0x0], $0xffff  }
0x13f: {  	v38 =	vor.u32 v5, v32;
	_ =	sdelay $0x3  }
0x140: {  	[tilespmem:s26+$0xFFFFFF40] =	vst v33  }
0x141: {  	v33 =	vld.idx.msk [tilespmem:v38+s12+$0x0], $0xffff  }
0x142: {  	v39 =	vor.u32 v6, v32;
	_ =	sdelay $0x3  }
0x143: {  	[tilespmem:s26+$0xFFFFFF50] =	vst v33  }
0x144: {  	v33 =	vld.idx.msk [tilespmem:v39+s12+$0x0], $0xffff  }
0x145: {  	v40 =	vor.u32 v7, v32;
	_ =	sdelay $0x3  }
0x146: {  	[tilespmem:s26+$0xFFFFFF60] =	vst v33  }
0x147: {  	v33 =	vld.idx.msk [tilespmem:v40+s12+$0x0], $0xffff  }
0x148: {  	v41 =	vor.u32 v8, v32;
	_ =	sdelay $0x3  }
0x149: {  	[tilespmem:s26+$0xFFFFFF70] =	vst v33  }
0x14a: {  	v33 =	vld.idx.msk [tilespmem:v41+s12+$0x0], $0xffff  }
0x14b: {  	v42 =	vor.u32 v9, v32;
	_ =	sdelay $0x3  }
0x14c: {  	[tilespmem:s26+$0xFFFFFF80] =	vst v33  }
0x14d: {  	v33 =	vld.idx.msk [tilespmem:v42+s12+$0x0], $0xffff  }
0x14e: {  	v43 =	vor.u32 v10, v32;
	_ =	sdelay $0x3  }
0x14f: {  	[tilespmem:s26+$0xFFFFFF90] =	vst v33  }
0x150: {  	v33 =	vld.idx.msk [tilespmem:v43+s12+$0x0], $0xffff  }
0x151: {  	v44 =	vor.u32 v11, v32;
	_ =	sdelay $0x3  }
0x152: {  	[tilespmem:s26+$0xFFFFFFA0] =	vst v33  }
0x153: {  	v33 =	vld.idx.msk [tilespmem:v44+s12+$0x0], $0xffff  }
0x154: {  	v45 =	vor.u32 v12, v32;
	_ =	sdelay $0x3  }
0x155: {  	[tilespmem:s26+$0xFFFFFFB0] =	vst v33  }
0x156: {  	v33 =	vld.idx.msk [tilespmem:v45+s12+$0x0], $0xffff  }
0x157: {  	v46 =	vor.u32 v13, v32;
	_ =	sdelay $0x3  }
0x158: {  	[tilespmem:s26+$0xFFFFFFC0] =	vst v33  }
0x159: {  	v33 =	vld.idx.msk [tilespmem:v46+s12+$0x0], $0xffff  }
0x15a: {  	v47 =	vor.u32 v14, v32;
	_ =	sdelay $0x3  }
0x15b: {  	[tilespmem:s26+$0xFFFFFFD0] =	vst v33  }
0x15c: {  	v33 =	vld.idx.msk [tilespmem:v47+s12+$0x0], $0xffff  }
0x15d: {  	v48 =	vor.u32 v15, v32;
	_ =	sdelay $0x3  }
0x15e: {  	[tilespmem:s26+$0xFFFFFFE0] =	vst v33  }
0x15f: {  	v33 =	vld.idx.msk [tilespmem:v48+s12+$0x0], $0xffff  }
0x160: {  	v49 =	vor.u32 v16, v32;
	_ =	sdelay $0x3  }
0x161: {  	[tilespmem:s26+$0xFFFFFFF0] =	vst v33  }
0x162: {  	v33 =	vld.idx.msk [tilespmem:v49+s12+$0x0], $0xffff  }
0x163: {  	v50 =	vor.u32 v17, v32;
	_ =	sdelay $0x3  }
0x164: {  	[tilespmem:s26+$0x0] =	vst v33  }
0x165: {  	v33 =	vld.idx.msk [tilespmem:v50+s12+$0x0], $0xffff  }
0x166: {  	v51 =	vor.u32 v18, v32;
	_ =	sdelay $0x3  }
0x167: {  	[tilespmem:s26+$0x10] =	vst v33  }
0x168: {  	v33 =	vld.idx.msk [tilespmem:v51+s12+$0x0], $0xffff  }
0x169: {  	v52 =	vor.u32 v19, v32;
	_ =	sdelay $0x3  }
0x16a: {  	[tilespmem:s26+$0x20] =	vst v33  }
0x16b: {  	v33 =	vld.idx.msk [tilespmem:v52+s12+$0x0], $0xffff  }
0x16c: {  	v53 =	vor.u32 v20, v32;
	_ =	sdelay $0x3  }
0x16d: {  	[tilespmem:s26+$0x30] =	vst v33  }
0x16e: {  	v33 =	vld.idx.msk [tilespmem:v53+s12+$0x0], $0xffff  }
0x16f: {  	v54 =	vor.u32 v21, v32;
	_ =	sdelay $0x3  }
0x170: {  	[tilespmem:s26+$0x40] =	vst v33  }
0x171: {  	v33 =	vld.idx.msk [tilespmem:v54+s12+$0x0], $0xffff  }
0x172: {  	v55 =	vor.u32 v22, v32;
	_ =	sdelay $0x3  }
0x173: {  	[tilespmem:s26+$0x50] =	vst v33  }
0x174: {  	v33 =	vld.idx.msk [tilespmem:v55+s12+$0x0], $0xffff  }
0x175: {  	v56 =	vor.u32 v23, v32;
	_ =	sdelay $0x3  }
0x176: {  	[tilespmem:s26+$0x60] =	vst v33  }
0x177: {  	v33 =	vld.idx.msk [tilespmem:v56+s12+$0x0], $0xffff  }
0x178: {  	v57 =	vor.u32 v24, v32;
	_ =	sdelay $0x3  }
0x179: {  	[tilespmem:s26+$0x70] =	vst v33  }
0x17a: {  	v33 =	vld.idx.msk [tilespmem:v57+s12+$0x0], $0xffff  }
0x17b: {  	v58 =	vor.u32 v25, v32;
	_ =	sdelay $0x3  }
0x17c: {  	[tilespmem:s26+$0x80] =	vst v33  }
0x17d: {  	v33 =	vld.idx.msk [tilespmem:v58+s12+$0x0], $0xffff  }
0x17e: {  	v59 =	vor.u32 v26, v32;
	_ =	sdelay $0x3  }
0x17f: {  	[tilespmem:s26+$0x90] =	vst v33  }
0x180: {  	v33 =	vld.idx.msk [tilespmem:v59+s12+$0x0], $0xffff  }
0x181: {  	v60 =	vor.u32 v27, v32;
	_ =	sdelay $0x3  }
0x182: {  	[tilespmem:s26+$0xA0] =	vst v33  }
0x183: {  	v33 =	vld.idx.msk [tilespmem:v60+s12+$0x0], $0xffff  }
0x184: {  	v61 =	vor.u32 v28, v32;
	_ =	sdelay $0x3  }
0x185: {  	[tilespmem:s26+$0xB0] =	vst v33  }
0x186: {  	v33 =	vld.idx.msk [tilespmem:v61+s12+$0x0], $0xffff  }
0x187: {  	v62 =	vor.u32 v29, v32;
	_ =	sdelay $0x3  }
0x188: {  	[tilespmem:s26+$0xC0] =	vst v33  }
0x189: {  	v33 =	vld.idx.msk [tilespmem:v62+s12+$0x0], $0xffff  }
0x18a: {  	v63 =	vor.u32 v30, v32;
	_ =	sdelay $0x3  }
0x18b: {  	[tilespmem:s26+$0xD0] =	vst v33  }
0x18c: {  	v33 =	vld.idx.msk [tilespmem:v63+s12+$0x0], $0xffff  }
0x18d: {  	v32 =	vor.u32 v31, v32;
	_ =	sdelay $0x3  }
0x18e: {  	[tilespmem:s26+$0xE0] =	vst v33  }
0x18f: {  	p0 =	sne.s32 s28, $0x7C0;
	v32 =	vld.idx.msk [tilespmem:v32+s12+$0x0], $0xffff  }
.Ltmp0:
0x190: {  	_ = 	snop;
	(pc) =	sbr.rel @p0 .LBB2_2-.Ltmp0, $2  }
0x191: {  	_ =	sdelay $0x2  }
0x192: {  	s28 =	sadd.s32 $0x40, s28;
	[tilespmem:s26+$0xF0] =	vst v32;
	s26 =	sadd.s32 $0x200, s26  }
0x193: {  	s31 =	simm.s32 $0x8400;
	s0 =	simm.s32 $0xC400  }
0x194: {  	s3 =	simm.s32 $0x800;
	s10 =	simm.s32 $0x4800;
	s5 =	simm.s32 $0x8800  }
0x195: {  	s6 =	simm.s32 $0xC800;
	s7 =	simm.s32 $0xC00;
	s8 =	simm.s32 $0x4C00  }
0x196: {  	s9 =	simm.s32 $0x8C00;
	s13 =	simm.s32 $0xCC00;
	s14 =	simm.s32 $0x1000  }
0x197: {  	s15 =	simm.s32 $0x5000;
	s16 =	simm.s32 $0x9000;
	s17 =	simm.s32 $0xD000  }
0x198: {  	s18 =	simm.s32 $0x1400;
	s19 =	simm.s32 $0x5400;
	s20 =	simm.s32 $0x9400  }
0x199: {  	s21 =	simm.s32 $0xD400;
	s22 =	simm.s32 $0x1800;
	s23 =	simm.s32 $0x5800  }
.LBB2_4:
0x19a: {  	s26 =	sshra.s32 s25, $0x2  }
0x19b: {  	v32 =	vld [tilespmem:s26+$0x200];
	_ =	sdelay $0x4  }
0x19c: {  	(v2sf) =	vpush v32, $0x0;
	_ =	sdelay $0xe  }
0x19d: {  	s28 =	spop (v2sf)  }
0x19e: {  	s29 =	sand.u32 $0x7F, s28  }
0x19f: {  	(v2sf) =	vpush v32, $0x1;
	s30 =	sshra.s32 s28, $0x1F;
	p1 =	slt.s32 s28, $0x1;
	p0 =	sne.s32 s29, $0x0  }
0x1a0: {  	s29 =	sshrl.u32 s30, $0x19;
	p0 =	por !p1, !p0  }
0x1a1: {  	s28 =	sadd.s32 s29, s28;
	s29 =	simm.s32 $0x1;
	p0 =	por !p0, !p0  }
0x1a2: {  	s28 =	sshrl.u32 s28, $0x7;
	s29 =	simm.s32 @!p0 $0x0  }
0x1a3: {  	s28 =	ssub.s32 s28, s29  }
0x1a4: {  	s28 =	sshll.u32 s28, $0x7  }
0x1a5: {  	s28 =	sand.u32 $0x1FFFFF80, s28  }
0x1a6: {  	s28 =	sadd.s32 s2, s28  }
0x1a7: {  	[tilespmem:s12], [sflag:$0x1] =	stream.linear.gather [hbm4b:s28+s4], $0x400, $0x38;
	[tilespmem:$0x14600] =	vst v63  }
0x1a8: {  	s30 =	simm.s32 $0x4400;
	s29 =	sadd.s32 $0xF4280, s28  }
0x1a9: {  	[tilespmem:s30], [sflag:$0x1] =	stream.linear.gather [hbm4b:s29+s4], $0x400, $0x38;
	[tilespmem:$0x14600] =	vst v63  }
0x1aa: {  	s30 =	sadd.s32 $0x1E8500, s28  }
0x1ab: {  	[tilespmem:s31], [sflag:$0x1] =	stream.linear.gather [hbm4b:s30+s4], $0x400, $0x38;
	[tilespmem:$0x14600] =	vst v63  }
0x1ac: {  	s28 =	sadd.s32 $0x2DC780, s28  }
0x1ad: {  	[tilespmem:s0], [sflag:$0x1] =	stream.linear.gather [hbm4b:s28+s4], $0x400, $0x38;
	[tilespmem:$0x14600] =	vst v63  }
0x1ae: {  	s28 =	spop (v2sf)  }
0x1af: {  	s30 =	sand.u32 $0x7F, s28  }
0x1b0: {  	(v2sf) =	vpush v32, $0x2;
	p2 =	slt.s32 s28, $0x1;
	p1 =	sne.s32 s30, $0x0;
	s30 =	sshra.s32 s28, $0x1F  }
0x1b1: {  	s29 =	sshrl.u32 s30, $0x19;
	p0 =	por !p2, !p1  }
0x1b2: {  	s28 =	sadd.s32 s29, s28;
	p0 =	por !p0, !p0;
	s29 =	simm.s32 $0x1  }
0x1b3: {  	s28 =	sshrl.u32 s28, $0x7;
	s29 =	simm.s32 @!p0 $0x0  }
0x1b4: {  	s28 =	ssub.s32 s28, s29  }
0x1b5: {  	s28 =	sshll.u32 s28, $0x7  }
0x1b6: {  	s28 =	sand.u32 $0x1FFFFF80, s28  }
0x1b7: {  	s28 =	sadd.s32 s2, s28  }
0x1b8: {  	[tilespmem:s3], [sflag:$0x1] =	stream.linear.gather [hbm4b:s28+s4], $0x400, $0x38;
	[tilespmem:$0x14600] =	vst v63  }
0x1b9: {  	s30 =	sadd.s32 $0xF4280, s28  }
0x1ba: {  	[tilespmem:s10], [sflag:$0x1] =	stream.linear.gather [hbm4b:s30+s4], $0x400, $0x38;
	[tilespmem:$0x14600] =	vst v63  }
0x1bb: {  	s30 =	sadd.s32 $0x1E8500, s28  }
0x1bc: {  	[tilespmem:s5], [sflag:$0x1] =	stream.linear.gather [hbm4b:s30+s4], $0x400, $0x38;
	[tilespmem:$0x14600] =	vst v63  }
0x1bd: {  	s28 =	sadd.s32 $0x2DC780, s28  }
0x1be: {  	[tilespmem:s6], [sflag:$0x1] =	stream.linear.gather [hbm4b:s28+s4], $0x400, $0x38;
	[tilespmem:$0x14600] =	vst v63  }
0x1bf: {  	s28 =	spop (v2sf)  }
0x1c0: {  	s30 =	sand.u32 $0x7F, s28  }
0x1c1: {  	(v2sf) =	vpush v32, $0x3;
	p4 =	slt.s32 s28, $0x1;
	p3 =	sne.s32 s30, $0x0;
	s30 =	sshra.s32 s28, $0x1F  }
0x1c2: {  	s29 =	sshrl.u32 s30, $0x19;
	p0 =	por !p4, !p3  }
0x1c3: {  	s28 =	sadd.s32 s29, s28;
	p0 =	por !p0, !p0;
	s29 =	simm.s32 $0x1  }
0x1c4: {  	s28 =	sshrl.u32 s28, $0x7;
	s29 =	simm.s32 @!p0 $0x0  }
0x1c5: {  	s28 =	ssub.s32 s28, s29  }
0x1c6: {  	s28 =	sshll.u32 s28, $0x7  }
0x1c7: {  	s28 =	sand.u32 $0x1FFFFF80, s28  }
0x1c8: {  	s28 =	sadd.s32 s2, s28  }
0x1c9: {  	[tilespmem:s7], [sflag:$0x1] =	stream.linear.gather [hbm4b:s28+s4], $0x400, $0x38;
	[tilespmem:$0x14600] =	vst v63  }
0x1ca: {  	s30 =	sadd.s32 $0xF4280, s28  }
0x1cb: {  	[tilespmem:s8], [sflag:$0x1] =	stream.linear.gather [hbm4b:s30+s4], $0x400, $0x38;
	[tilespmem:$0x14600] =	vst v63  }
0x1cc: {  	s30 =	sadd.s32 $0x1E8500, s28  }
0x1cd: {  	[tilespmem:s9], [sflag:$0x1] =	stream.linear.gather [hbm4b:s30+s4], $0x400, $0x38;
	[tilespmem:$0x14600] =	vst v63  }
0x1ce: {  	s28 =	sadd.s32 $0x2DC780, s28  }
0x1cf: {  	[tilespmem:s13], [sflag:$0x1] =	stream.linear.gather [hbm4b:s28+s4], $0x400, $0x38;
	[tilespmem:$0x14600] =	vst v63  }
0x1d0: {  	s28 =	spop (v2sf)  }
0x1d1: {  	s30 =	sand.u32 $0x7F, s28  }
0x1d2: {  	(v2sf) =	vpush v32, $0x4;
	p6 =	slt.s32 s28, $0x1;
	p5 =	sne.s32 s30, $0x0;
	s30 =	sshra.s32 s28, $0x1F  }
0x1d3: {  	s29 =	sshrl.u32 s30, $0x19;
	p0 =	por !p6, !p5  }
0x1d4: {  	s28 =	sadd.s32 s29, s28;
	p0 =	por !p0, !p0;
	s29 =	simm.s32 $0x1  }
0x1d5: {  	s28 =	sshrl.u32 s28, $0x7;
	s29 =	simm.s32 @!p0 $0x0  }
0x1d6: {  	s28 =	ssub.s32 s28, s29  }
0x1d7: {  	s28 =	sshll.u32 s28, $0x7  }
0x1d8: {  	s28 =	sand.u32 $0x1FFFFF80, s28  }
0x1d9: {  	s28 =	sadd.s32 s2, s28  }
0x1da: {  	[tilespmem:s14], [sflag:$0x1] =	stream.linear.gather [hbm4b:s28+s4], $0x400, $0x38;
	[tilespmem:$0x14600] =	vst v63  }
0x1db: {  	s30 =	sadd.s32 $0xF4280, s28  }
0x1dc: {  	[tilespmem:s15], [sflag:$0x1] =	stream.linear.gather [hbm4b:s30+s4], $0x400, $0x38;
	[tilespmem:$0x14600] =	vst v63  }
0x1dd: {  	s30 =	sadd.s32 $0x1E8500, s28  }
0x1de: {  	[tilespmem:s16], [sflag:$0x1] =	stream.linear.gather [hbm4b:s30+s4], $0x400, $0x38;
	[tilespmem:$0x14600] =	vst v63  }
0x1df: {  	s28 =	sadd.s32 $0x2DC780, s28  }
0x1e0: {  	[tilespmem:s17], [sflag:$0x1] =	stream.linear.gather [hbm4b:s28+s4], $0x400, $0x38;
	[tilespmem:$0x14600] =	vst v63  }
0x1e1: {  	s28 =	spop (v2sf)  }
0x1e2: {  	s30 =	sand.u32 $0x7F, s28  }
0x1e3: {  	(v2sf) =	vpush v32, $0x5;
	p2 =	slt.s32 s28, $0x1;
	p1 =	sne.s32 s30, $0x0;
	s30 =	sshra.s32 s28, $0x1F  }
0x1e4: {  	s29 =	sshrl.u32 s30, $0x19;
	p0 =	por !p2, !p1  }
0x1e5: {  	s28 =	sadd.s32 s29, s28;
	p0 =	por !p0, !p0;
	s29 =	simm.s32 $0x1  }
0x1e6: {  	s28 =	sshrl.u32 s28, $0x7;
	s29 =	simm.s32 @!p0 $0x0  }
0x1e7: {  	s28 =	ssub.s32 s28, s29  }
0x1e8: {  	s28 =	sshll.u32 s28, $0x7  }
0x1e9: {  	s28 =	sand.u32 $0x1FFFFF80, s28  }
0x1ea: {  	s28 =	sadd.s32 s2, s28  }
0x1eb: {  	[tilespmem:s18], [sflag:$0x1] =	stream.linear.gather [hbm4b:s28+s4], $0x400, $0x38;
	[tilespmem:$0x14600] =	vst v63  }
0x1ec: {  	s30 =	sadd.s32 $0xF4280, s28  }
0x1ed: {  	[tilespmem:s19], [sflag:$0x1] =	stream.linear.gather [hbm4b:s30+s4], $0x400, $0x38;
	[tilespmem:$0x14600] =	vst v63  }
0x1ee: {  	s30 =	sadd.s32 $0x1E8500, s28  }
0x1ef: {  	[tilespmem:s20], [sflag:$0x1] =	stream.linear.gather [hbm4b:s30+s4], $0x400, $0x38;
	[tilespmem:$0x14600] =	vst v63  }
0x1f0: {  	s28 =	sadd.s32 $0x2DC780, s28  }
0x1f1: {  	[tilespmem:s21], [sflag:$0x1] =	stream.linear.gather [hbm4b:s28+s4], $0x400, $0x38;
	[tilespmem:$0x14600] =	vst v63  }
0x1f2: {  	s28 =	spop (v2sf)  }
0x1f3: {  	s30 =	sand.u32 $0x7F, s28  }
0x1f4: {  	(v2sf) =	vpush v32, $0x6;
	p4 =	slt.s32 s28, $0x1;
	p3 =	sne.s32 s30, $0x0;
	s30 =	sshra.s32 s28, $0x1F  }
0x1f5: {  	s29 =	sshrl.u32 s30, $0x19;
	p0 =	por !p4, !p3  }
0x1f6: {  	s28 =	sadd.s32 s29, s28;
	p0 =	por !p0, !p0;
	s29 =	simm.s32 $0x1  }
0x1f7: {  	s28 =	sshrl.u32 s28, $0x7;
	s29 =	simm.s32 @!p0 $0x0  }
0x1f8: {  	s28 =	ssub.s32 s28, s29  }
0x1f9: {  	s28 =	sshll.u32 s28, $0x7  }
0x1fa: {  	s28 =	sand.u32 $0x1FFFFF80, s28  }
0x1fb: {  	s28 =	sadd.s32 s2, s28  }
0x1fc: {  	[tilespmem:s22], [sflag:$0x1] =	stream.linear.gather [hbm4b:s28+s4], $0x400, $0x38;
	[tilespmem:$0x14600] =	vst v63  }
0x1fd: {  	s30 =	sadd.s32 $0xF4280, s28  }
0x1fe: {  	[tilespmem:s23], [sflag:$0x1] =	stream.linear.gather [hbm4b:s30+s4], $0x400, $0x38;
	[tilespmem:$0x14600] =	vst v63  }
0x1ff: {  	s29 =	sadd.s32 $0x1E8500, s28;
	s30 =	simm.s32 $0x9800  }
0x200: {  	[tilespmem:s30], [sflag:$0x1] =	stream.linear.gather [hbm4b:s29+s4], $0x400, $0x38;
	[tilespmem:$0x14600] =	vst v63  }
0x201: {  	s28 =	sadd.s32 $0x2DC780, s28;
	s30 =	simm.s32 $0xD800  }
0x202: {  	[tilespmem:s30], [sflag:$0x1] =	stream.linear.gather [hbm4b:s28+s4], $0x400, $0x38;
	[tilespmem:$0x14600] =	vst v63  }
0x203: {  	s28 =	spop (v2sf)  }
0x204: {  	s30 =	sand.u32 $0x7F, s28  }
0x205: {  	(v2sf) =	vpush v32, $0x7;
	p6 =	slt.s32 s28, $0x1;
	p5 =	sne.s32 s30, $0x0;
	s30 =	sshra.s32 s28, $0x1F  }
0x206: {  	s29 =	sshrl.u32 s30, $0x19;
	p0 =	por !p6, !p5  }
0x207: {  	s28 =	sadd.s32 s29, s28;
	p0 =	por !p0, !p0;
	s29 =	simm.s32 $0x1  }
0x208: {  	s28 =	sshrl.u32 s28, $0x7;
	s29 =	simm.s32 @!p0 $0x0  }
0x209: {  	s28 =	ssub.s32 s28, s29  }
0x20a: {  	s28 =	sshll.u32 s28, $0x7  }
0x20b: {  	s28 =	sand.u32 $0x1FFFFF80, s28  }
0x20c: {  	s30 =	simm.s32 $0x1C00;
	s28 =	sadd.s32 s2, s28  }
0x20d: {  	[tilespmem:s30], [sflag:$0x1] =	stream.linear.gather [hbm4b:s28+s4], $0x400, $0x38;
	[tilespmem:$0x14600] =	vst v63  }
0x20e: {  	s29 =	sadd.s32 $0xF4280, s28;
	s30 =	simm.s32 $0x5C00  }
0x20f: {  	[tilespmem:s30], [sflag:$0x1] =	stream.linear.gather [hbm4b:s29+s4], $0x400, $0x38;
	[tilespmem:$0x14600] =	vst v63  }
0x210: {  	s29 =	sadd.s32 $0x1E8500, s28;
	s30 =	simm.s32 $0x9C00  }
0x211: {  	[tilespmem:s30], [sflag:$0x1] =	stream.linear.gather [hbm4b:s29+s4], $0x400, $0x38;
	[tilespmem:$0x14600] =	vst v63  }
0x212: {  	s28 =	sadd.s32 $0x2DC780, s28;
	s30 =	simm.s32 $0xDC00  }
0x213: {  	[tilespmem:s30], [sflag:$0x1] =	stream.linear.gather [hbm4b:s28+s4], $0x400, $0x38;
	[tilespmem:$0x14600] =	vst v63  }
0x214: {  	s28 =	spop (v2sf)  }
0x215: {  	s30 =	sand.u32 $0x7F, s28  }
0x216: {  	(v2sf) =	vpush v32, $0x8;
	p2 =	slt.s32 s28, $0x1;
	p1 =	sne.s32 s30, $0x0;
	s30 =	sshra.s32 s28, $0x1F  }
0x217: {  	s29 =	sshrl.u32 s30, $0x19;
	p0 =	por !p2, !p1  }
0x218: {  	s28 =	sadd.s32 s29, s28;
	p0 =	por !p0, !p0;
	s29 =	simm.s32 $0x1  }
0x219: {  	s28 =	sshrl.u32 s28, $0x7;
	s29 =	simm.s32 @!p0 $0x0  }
0x21a: {  	s28 =	ssub.s32 s28, s29  }
0x21b: {  	s28 =	sshll.u32 s28, $0x7  }
0x21c: {  	s28 =	sand.u32 $0x1FFFFF80, s28  }
0x21d: {  	s30 =	simm.s32 $0x2000;
	s28 =	sadd.s32 s2, s28  }
0x21e: {  	[tilespmem:s30], [sflag:$0x1] =	stream.linear.gather [hbm4b:s28+s4], $0x400, $0x38;
	[tilespmem:$0x14600] =	vst v63  }
0x21f: {  	s29 =	sadd.s32 $0xF4280, s28;
	s30 =	simm.s32 $0x6000  }
0x220: {  	[tilespmem:s30], [sflag:$0x1] =	stream.linear.gather [hbm4b:s29+s4], $0x400, $0x38;
	[tilespmem:$0x14600] =	vst v63  }
0x221: {  	s29 =	sadd.s32 $0x1E8500, s28;
	s30 =	simm.s32 $0xA000  }
0x222: {  	[tilespmem:s30], [sflag:$0x1] =	stream.linear.gather [hbm4b:s29+s4], $0x400, $0x38;
	[tilespmem:$0x14600] =	vst v63  }
0x223: {  	s28 =	sadd.s32 $0x2DC780, s28;
	s30 =	simm.s32 $0xE000  }
0x224: {  	[tilespmem:s30], [sflag:$0x1] =	stream.linear.gather [hbm4b:s28+s4], $0x400, $0x38;
	[tilespmem:$0x14600] =	vst v63  }
0x225: {  	s28 =	spop (v2sf)  }
0x226: {  	s30 =	sand.u32 $0x7F, s28  }
0x227: {  	(v2sf) =	vpush v32, $0x9;
	p4 =	slt.s32 s28, $0x1;
	p3 =	sne.s32 s30, $0x0;
	s30 =	sshra.s32 s28, $0x1F  }
0x228: {  	s29 =	sshrl.u32 s30, $0x19;
	p0 =	por !p4, !p3  }
0x229: {  	s28 =	sadd.s32 s29, s28;
	p0 =	por !p0, !p0;
	s29 =	simm.s32 $0x1  }
0x22a: {  	s28 =	sshrl.u32 s28, $0x7;
	s29 =	simm.s32 @!p0 $0x0  }
0x22b: {  	s28 =	ssub.s32 s28, s29  }
0x22c: {  	s28 =	sshll.u32 s28, $0x7  }
0x22d: {  	s28 =	sand.u32 $0x1FFFFF80, s28  }
0x22e: {  	s30 =	simm.s32 $0x2400;
	s28 =	sadd.s32 s2, s28  }
0x22f: {  	[tilespmem:s30], [sflag:$0x1] =	stream.linear.gather [hbm4b:s28+s4], $0x400, $0x38;
	[tilespmem:$0x14600] =	vst v63  }
0x230: {  	s29 =	sadd.s32 $0xF4280, s28;
	s30 =	simm.s32 $0x6400  }
0x231: {  	[tilespmem:s30], [sflag:$0x1] =	stream.linear.gather [hbm4b:s29+s4], $0x400, $0x38;
	[tilespmem:$0x14600] =	vst v63  }
0x232: {  	s29 =	sadd.s32 $0x1E8500, s28;
	s30 =	simm.s32 $0xA400  }
0x233: {  	[tilespmem:s30], [sflag:$0x1] =	stream.linear.gather [hbm4b:s29+s4], $0x400, $0x38;
	[tilespmem:$0x14600] =	vst v63  }
0x234: {  	s28 =	sadd.s32 $0x2DC780, s28;
	s30 =	simm.s32 $0xE400  }
0x235: {  	[tilespmem:s30], [sflag:$0x1] =	stream.linear.gather [hbm4b:s28+s4], $0x400, $0x38;
	[tilespmem:$0x14600] =	vst v63  }
0x236: {  	s28 =	spop (v2sf)  }
0x237: {  	s30 =	sand.u32 $0x7F, s28  }
0x238: {  	(v2sf) =	vpush v32, $0xA;
	p6 =	slt.s32 s28, $0x1;
	p5 =	sne.s32 s30, $0x0;
	s30 =	sshra.s32 s28, $0x1F  }
0x239: {  	s29 =	sshrl.u32 s30, $0x19;
	p0 =	por !p6, !p5  }
0x23a: {  	s28 =	sadd.s32 s29, s28;
	p0 =	por !p0, !p0;
	s29 =	simm.s32 $0x1  }
0x23b: {  	s28 =	sshrl.u32 s28, $0x7;
	s29 =	simm.s32 @!p0 $0x0  }
0x23c: {  	s28 =	ssub.s32 s28, s29  }
0x23d: {  	s28 =	sshll.u32 s28, $0x7  }
0x23e: {  	s28 =	sand.u32 $0x1FFFFF80, s28  }
0x23f: {  	s30 =	simm.s32 $0x2800;
	s28 =	sadd.s32 s2, s28  }
0x240: {  	[tilespmem:s30], [sflag:$0x1] =	stream.linear.gather [hbm4b:s28+s4], $0x400, $0x38;
	[tilespmem:$0x14600] =	vst v63  }
0x241: {  	s29 =	sadd.s32 $0xF4280, s28;
	s30 =	simm.s32 $0x6800  }
0x242: {  	[tilespmem:s30], [sflag:$0x1] =	stream.linear.gather [hbm4b:s29+s4], $0x400, $0x38;
	[tilespmem:$0x14600] =	vst v63  }
0x243: {  	s29 =	sadd.s32 $0x1E8500, s28;
	s30 =	simm.s32 $0xA800  }
0x244: {  	[tilespmem:s30], [sflag:$0x1] =	stream.linear.gather [hbm4b:s29+s4], $0x400, $0x38;
	[tilespmem:$0x14600] =	vst v63  }
0x245: {  	s28 =	sadd.s32 $0x2DC780, s28;
	s30 =	simm.s32 $0xE800  }
0x246: {  	[tilespmem:s30], [sflag:$0x1] =	stream.linear.gather [hbm4b:s28+s4], $0x400, $0x38;
	[tilespmem:$0x14600] =	vst v63  }
0x247: {  	s28 =	spop (v2sf)  }
0x248: {  	s30 =	sand.u32 $0x7F, s28  }
0x249: {  	(v2sf) =	vpush v32, $0xB;
	p2 =	slt.s32 s28, $0x1;
	p1 =	sne.s32 s30, $0x0;
	s30 =	sshra.s32 s28, $0x1F  }
0x24a: {  	s29 =	sshrl.u32 s30, $0x19;
	p0 =	por !p2, !p1  }
0x24b: {  	s28 =	sadd.s32 s29, s28;
	p0 =	por !p0, !p0;
	s29 =	simm.s32 $0x1  }
0x24c: {  	s28 =	sshrl.u32 s28, $0x7;
	s29 =	simm.s32 @!p0 $0x0  }
0x24d: {  	s28 =	ssub.s32 s28, s29  }
0x24e: {  	s28 =	sshll.u32 s28, $0x7  }
0x24f: {  	s28 =	sand.u32 $0x1FFFFF80, s28  }
0x250: {  	s30 =	simm.s32 $0x2C00;
	s28 =	sadd.s32 s2, s28  }
0x251: {  	[tilespmem:s30], [sflag:$0x1] =	stream.linear.gather [hbm4b:s28+s4], $0x400, $0x38;
	[tilespmem:$0x14600] =	vst v63  }
0x252: {  	s29 =	sadd.s32 $0xF4280, s28;
	s30 =	simm.s32 $0x6C00  }
0x253: {  	[tilespmem:s30], [sflag:$0x1] =	stream.linear.gather [hbm4b:s29+s4], $0x400, $0x38;
	[tilespmem:$0x14600] =	vst v63  }
0x254: {  	s29 =	sadd.s32 $0x1E8500, s28;
	s30 =	simm.s32 $0xAC00  }
0x255: {  	[tilespmem:s30], [sflag:$0x1] =	stream.linear.gather [hbm4b:s29+s4], $0x400, $0x38;
	[tilespmem:$0x14600] =	vst v63  }
0x256: {  	s28 =	sadd.s32 $0x2DC780, s28;
	s30 =	simm.s32 $0xEC00  }
0x257: {  	[tilespmem:s30], [sflag:$0x1] =	stream.linear.gather [hbm4b:s28+s4], $0x400, $0x38;
	[tilespmem:$0x14600] =	vst v63  }
0x258: {  	s28 =	spop (v2sf)  }
0x259: {  	s30 =	sand.u32 $0x7F, s28  }
0x25a: {  	(v2sf) =	vpush v32, $0xC;
	p4 =	slt.s32 s28, $0x1;
	p3 =	sne.s32 s30, $0x0;
	s30 =	sshra.s32 s28, $0x1F  }
0x25b: {  	s29 =	sshrl.u32 s30, $0x19;
	p0 =	por !p4, !p3  }
0x25c: {  	s28 =	sadd.s32 s29, s28;
	p0 =	por !p0, !p0;
	s29 =	simm.s32 $0x1  }
0x25d: {  	s28 =	sshrl.u32 s28, $0x7;
	s29 =	simm.s32 @!p0 $0x0  }
0x25e: {  	s28 =	ssub.s32 s28, s29  }
0x25f: {  	s28 =	sshll.u32 s28, $0x7  }
0x260: {  	s28 =	sand.u32 $0x1FFFFF80, s28  }
0x261: {  	s30 =	simm.s32 $0x3000;
	s28 =	sadd.s32 s2, s28  }
0x262: {  	[tilespmem:s30], [sflag:$0x1] =	stream.linear.gather [hbm4b:s28+s4], $0x400, $0x38;
	[tilespmem:$0x14600] =	vst v63  }
0x263: {  	s29 =	sadd.s32 $0xF4280, s28;
	s30 =	simm.s32 $0x7000  }
0x264: {  	[tilespmem:s30], [sflag:$0x1] =	stream.linear.gather [hbm4b:s29+s4], $0x400, $0x38;
	[tilespmem:$0x14600] =	vst v63  }
0x265: {  	s29 =	sadd.s32 $0x1E8500, s28;
	s30 =	simm.s32 $0xB000  }
0x266: {  	[tilespmem:s30], [sflag:$0x1] =	stream.linear.gather [hbm4b:s29+s4], $0x400, $0x38;
	[tilespmem:$0x14600] =	vst v63  }
0x267: {  	s28 =	sadd.s32 $0x2DC780, s28;
	s30 =	simm.s32 $0xF000  }
0x268: {  	[tilespmem:s30], [sflag:$0x1] =	stream.linear.gather [hbm4b:s28+s4], $0x400, $0x38;
	[tilespmem:$0x14600] =	vst v63  }
0x269: {  	s28 =	spop (v2sf)  }
0x26a: {  	s30 =	sand.u32 $0x7F, s28  }
0x26b: {  	(v2sf) =	vpush v32, $0xD;
	p6 =	slt.s32 s28, $0x1;
	p5 =	sne.s32 s30, $0x0;
	s30 =	sshra.s32 s28, $0x1F  }
0x26c: {  	s29 =	sshrl.u32 s30, $0x19;
	p0 =	por !p6, !p5  }
0x26d: {  	s28 =	sadd.s32 s29, s28;
	p0 =	por !p0, !p0;
	s29 =	simm.s32 $0x1  }
0x26e: {  	s28 =	sshrl.u32 s28, $0x7;
	s29 =	simm.s32 @!p0 $0x0  }
0x26f: {  	s28 =	ssub.s32 s28, s29  }
0x270: {  	s28 =	sshll.u32 s28, $0x7  }
0x271: {  	s28 =	sand.u32 $0x1FFFFF80, s28  }
0x272: {  	s30 =	simm.s32 $0x3400;
	s28 =	sadd.s32 s2, s28  }
0x273: {  	[tilespmem:s30], [sflag:$0x1] =	stream.linear.gather [hbm4b:s28+s4], $0x400, $0x38;
	[tilespmem:$0x14600] =	vst v63  }
0x274: {  	s29 =	sadd.s32 $0xF4280, s28;
	s30 =	simm.s32 $0x7400  }
0x275: {  	[tilespmem:s30], [sflag:$0x1] =	stream.linear.gather [hbm4b:s29+s4], $0x400, $0x38;
	[tilespmem:$0x14600] =	vst v63  }
0x276: {  	s29 =	sadd.s32 $0x1E8500, s28;
	s30 =	simm.s32 $0xB400  }
0x277: {  	[tilespmem:s30], [sflag:$0x1] =	stream.linear.gather [hbm4b:s29+s4], $0x400, $0x38;
	[tilespmem:$0x14600] =	vst v63  }
0x278: {  	s28 =	sadd.s32 $0x2DC780, s28;
	s30 =	simm.s32 $0xF400  }
0x279: {  	[tilespmem:s30], [sflag:$0x1] =	stream.linear.gather [hbm4b:s28+s4], $0x400, $0x38;
	[tilespmem:$0x14600] =	vst v63  }
0x27a: {  	s28 =	spop (v2sf)  }
0x27b: {  	s30 =	sand.u32 $0x7F, s28  }
0x27c: {  	(v2sf) =	vpush v32, $0xE;
	p2 =	slt.s32 s28, $0x1;
	p1 =	sne.s32 s30, $0x0;
	s30 =	sshra.s32 s28, $0x1F  }
0x27d: {  	s29 =	sshrl.u32 s30, $0x19;
	p0 =	por !p2, !p1  }
0x27e: {  	s28 =	sadd.s32 s29, s28;
	p0 =	por !p0, !p0;
	s29 =	simm.s32 $0x1  }
0x27f: {  	s28 =	sshrl.u32 s28, $0x7;
	s29 =	simm.s32 @!p0 $0x0  }
0x280: {  	s28 =	ssub.s32 s28, s29  }
0x281: {  	s28 =	sshll.u32 s28, $0x7  }
0x282: {  	s28 =	sand.u32 $0x1FFFFF80, s28  }
0x283: {  	s30 =	simm.s32 $0x3800;
	s28 =	sadd.s32 s2, s28  }
0x284: {  	[tilespmem:s30], [sflag:$0x1] =	stream.linear.gather [hbm4b:s28+s4], $0x400, $0x38;
	[tilespmem:$0x14600] =	vst v63  }
0x285: {  	s29 =	sadd.s32 $0xF4280, s28;
	s30 =	simm.s32 $0x7800  }
0x286: {  	[tilespmem:s30], [sflag:$0x1] =	stream.linear.gather [hbm4b:s29+s4], $0x400, $0x38;
	[tilespmem:$0x14600] =	vst v63  }
0x287: {  	s29 =	sadd.s32 $0x1E8500, s28;
	s30 =	simm.s32 $0xB800  }
0x288: {  	[tilespmem:s30], [sflag:$0x1] =	stream.linear.gather [hbm4b:s29+s4], $0x400, $0x38;
	[tilespmem:$0x14600] =	vst v63  }
0x289: {  	s28 =	sadd.s32 $0x2DC780, s28;
	s30 =	simm.s32 $0xF800  }
0x28a: {  	[tilespmem:s30], [sflag:$0x1] =	stream.linear.gather [hbm4b:s28+s4], $0x400, $0x38;
	[tilespmem:$0x14600] =	vst v63  }
0x28b: {  	s28 =	spop (v2sf)  }
0x28c: {  	s30 =	sand.u32 $0x7F, s28  }
0x28d: {  	(v2sf) =	vpush v32, $0xF;
	p4 =	slt.s32 s28, $0x1;
	p3 =	sne.s32 s30, $0x0;
	s30 =	sshra.s32 s28, $0x1F  }
0x28e: {  	s29 =	sshrl.u32 s30, $0x19;
	p0 =	por !p4, !p3  }
0x28f: {  	s28 =	sadd.s32 s29, s28;
	p0 =	por !p0, !p0;
	s29 =	simm.s32 $0x1  }
0x290: {  	s28 =	sshrl.u32 s28, $0x7;
	s29 =	simm.s32 @!p0 $0x0  }
0x291: {  	s28 =	ssub.s32 s28, s29  }
0x292: {  	s28 =	sshll.u32 s28, $0x7  }
0x293: {  	s28 =	sand.u32 $0x1FFFFF80, s28  }
0x294: {  	s30 =	simm.s32 $0x3C00;
	s28 =	sadd.s32 s2, s28  }
0x295: {  	[tilespmem:s30], [sflag:$0x1] =	stream.linear.gather [hbm4b:s28+s4], $0x400, $0x38;
	[tilespmem:$0x14600] =	vst v63  }
0x296: {  	s29 =	sadd.s32 $0xF4280, s28;
	s30 =	simm.s32 $0x7C00  }
0x297: {  	[tilespmem:s30], [sflag:$0x1] =	stream.linear.gather [hbm4b:s29+s4], $0x400, $0x38;
	[tilespmem:$0x14600] =	vst v63  }
0x298: {  	s29 =	sadd.s32 $0x1E8500, s28;
	s30 =	simm.s32 $0xBC00  }
0x299: {  	[tilespmem:s30], [sflag:$0x1] =	stream.linear.gather [hbm4b:s29+s4], $0x400, $0x38;
	[tilespmem:$0x14600] =	vst v63  }
0x29a: {  	s28 =	sadd.s32 $0x2DC780, s28;
	s30 =	simm.s32 $0xFC00  }
0x29b: {  	[tilespmem:s30], [sflag:$0x1] =	stream.linear.gather [hbm4b:s28+s4], $0x400, $0x38;
	[tilespmem:$0x14600] =	vst v63  }
0x29c: {  	s28 =	spop (v2sf)  }
0x29d: {  	s30 =	sand.u32 $0x7F, s28  }
0x29e: {  	p6 =	slt.s32 s28, $0x1;
	p5 =	sne.s32 s30, $0x0;
	s30 =	sshra.s32 s28, $0x1F  }
0x29f: {  	s29 =	sshrl.u32 s30, $0x19;
	p0 =	por !p6, !p5  }
0x2a0: {  	s28 =	sadd.s32 s29, s28;
	p0 =	por !p0, !p0;
	s29 =	simm.s32 $0x1  }
0x2a1: {  	s28 =	sshrl.u32 s28, $0x7;
	s29 =	simm.s32 @!p0 $0x0  }
0x2a2: {  	s28 =	ssub.s32 s28, s29  }
0x2a3: {  	s28 =	sshll.u32 s28, $0x7  }
0x2a4: {  	s28 =	sand.u32 $0x1FFFFF80, s28  }
0x2a5: {  	s30 =	simm.s32 $0x4000;
	s28 =	sadd.s32 s2, s28  }
0x2a6: {  	[tilespmem:s30], [sflag:$0x1] =	stream.linear.gather [hbm4b:s28+s4], $0x400, $0x38;
	[tilespmem:$0x14600] =	vst v63  }
0x2a7: {  	s29 =	sadd.s32 $0xF4280, s28;
	s30 =	simm.s32 $0x8000  }
0x2a8: {  	[tilespmem:s30], [sflag:$0x1] =	stream.linear.gather [hbm4b:s29+s4], $0x400, $0x38;
	[tilespmem:$0x14600] =	vst v63  }
0x2a9: {  	s30 =	simm.s32 $0xC000;
	s29 =	sadd.s32 $0x1E8500, s28  }
0x2aa: {  	v32 =	vand.u32 $0x7F, v32;
	[tilespmem:s30], [sflag:$0x1] =	stream.linear.gather [hbm4b:s29+s4], $0x400, $0x38;
	[tilespmem:$0x14600] =	vst v63  }
0x2ab: {  	v33 =	vor.u32 v0, v32;
	s28 =	sadd.s32 $0x2DC780, s28;
	s30 =	simm.s32 $0x10000  }
0x2ac: {  	[tilespmem:s30], [sflag:$0x1] =	stream.linear.gather [hbm4b:s28+s4], $0x400, $0x38;
	[tilespmem:$0x14600] =	vst v63  }
0x2ad: {  	v34 =	vor.u32 v1, v32;
	_ =	swait.ge [sflag:s11], $0x10000  }
0x2ae: {  	[sflag:s11] =	ssyncset.done $0x0  }
0x2af: {  	v35 =	vor.u32 v2, v32;
	[sflag:s11] =	ssyncadd.s32 $0xFFFF0000  }
0x2b0: {  	v33 =	vld.idx.msk [tilespmem:v33+s12+$0x0], $0xffff  }
0x2b1: {  	v37 =	vor.u32 v3, v32;
	v36 =	vld [tilespmem:s24+$0xFFFFFF00]  }
0x2b2: {  	v34 =	vld.idx.msk [tilespmem:v34+s12+$0x0], $0xffff  }
0x2b3: {  	v39 =	vor.u32 v4, v32;
	v38 =	vld [tilespmem:s24+$0xFFFFFF10]  }
0x2b4: {  	v35 =	vld.idx.msk [tilespmem:v35+s12+$0x0], $0xffff  }
0x2b5: {  	v41 =	vor.u32 v5, v32;
	v40 =	vld [tilespmem:s24+$0xFFFFFF20]  }
0x2b6: {  	v50 =	vld.idx.msk [tilespmem:v37+s12+$0x0], $0xffff;
	v33 =	vmul.f32 v36, v33  }
0x2b7: {  	v42 =	vor.u32 v6, v32;
	v51 =	vld [tilespmem:s24+$0xFFFFFF30]  }
0x2b8: {  	v52 =	vld.idx.msk [tilespmem:v39+s12+$0x0], $0xffff;
	v34 =	vmul.f32 v38, v34;
	v33 =	vadd.f32 $0.0e+00, v33  }
0x2b9: {  	v43 =	vor.u32 v7, v32;
	v53 =	vld [tilespmem:s24+$0xFFFFFF40]  }
0x2ba: {  	v55 =	vld.idx.msk [tilespmem:v41+s12+$0x0], $0xffff;
	v54 =	vmul.f32 v40, v35;
	v33 =	vadd.f32 v34, v33  }
0x2bb: {  	v57 =	vor.u32 v8, v32;
	v56 =	vld [tilespmem:s24+$0xFFFFFF50]  }
0x2bc: {  	v59 =	vld.idx.msk [tilespmem:v42+s12+$0x0], $0xffff;
	v58 =	vmul.f32 v51, v50;
	v33 =	vadd.f32 v54, v33  }
0x2bd: {  	v61 =	vor.u32 v9, v32;
	v60 =	vld [tilespmem:s24+$0xFFFFFF60]  }
0x2be: {  	v63 =	vld.idx.msk [tilespmem:v43+s12+$0x0], $0xffff;
	v62 =	vmul.f32 v53, v52;
	v33 =	vadd.f32 v58, v33  }
0x2bf: {  	v45 =	vld [tilespmem:s24+$0xFFFFFF70]  }
0x2c0: {  	v46 =	vor.u32 v10, v32;
	v48 =	vld.idx.msk [tilespmem:v57+s12+$0x0], $0xffff;
	v47 =	vmul.f32 v56, v55;
	v33 =	vadd.f32 v62, v33  }
0x2c1: {  	v49 =	vld [tilespmem:s24+$0xFFFFFF80]  }
0x2c2: {  	v50 =	vor.u32 v11, v32;
	v51 =	vmul.f32 v60, v59;
	v52 =	vld.idx.msk [tilespmem:v61+s12+$0x0], $0xffff;
	v33 =	vadd.f32 v47, v33  }
0x2c3: {  	v53 =	vld [tilespmem:s24+$0xFFFFFF90]  }
0x2c4: {  	v57 =	vld [tilespmem:s24+$0xFFFFFFA0];
	v55 =	vmul.f32 v45, v63;
	v54 =	vor.u32 v12, v32;
	v33 =	vadd.f32 v51, v33  }
0x2c5: {  	v56 =	vld.idx.msk [tilespmem:v46+s12+$0x0], $0xffff  }
0x2c6: {  	v59 =	vmul.f32 v49, v48;
	v61 =	vld [tilespmem:s24+$0xFFFFFFB0];
	v58 =	vor.u32 v13, v32;
	v33 =	vadd.f32 v55, v33  }
0x2c7: {  	v60 =	vld.idx.msk [tilespmem:v50+s12+$0x0], $0xffff  }
0x2c8: {  	v46 =	vld [tilespmem:s24+$0xFFFFFFC0];
	v63 =	vmul.f32 v53, v52;
	v62 =	vor.u32 v14, v32;
	v33 =	vadd.f32 v59, v33  }
0x2c9: {  	v45 =	vld.idx.msk [tilespmem:v54+s12+$0x0], $0xffff  }
0x2ca: {  	v48 =	vmul.f32 v57, v56;
	v50 =	vld [tilespmem:s24+$0xFFFFFFD0];
	v47 =	vor.u32 v15, v32;
	v33 =	vadd.f32 v63, v33  }
0x2cb: {  	v49 =	vld.idx.msk [tilespmem:v58+s12+$0x0], $0xffff  }
0x2cc: {  	v52 =	vmul.f32 v61, v60;
	v54 =	vld [tilespmem:s24+$0xFFFFFFE0];
	v51 =	vor.u32 v16, v32;
	v33 =	vadd.f32 v48, v33  }
0x2cd: {  	v53 =	vld.idx.msk [tilespmem:v62+s12+$0x0], $0xffff  }
0x2ce: {  	v58 =	vld [tilespmem:s24+$0xFFFFFFF0];
	v55 =	vor.u32 v17, v32;
	v56 =	vmul.f32 v46, v45;
	v33 =	vadd.f32 v52, v33  }
0x2cf: {  	v57 =	vld.idx.msk [tilespmem:v47+s12+$0x0], $0xffff  }
0x2d0: {  	v62 =	vld [tilespmem:s24+$0x0];
	v59 =	vor.u32 v18, v32;
	v60 =	vmul.f32 v50, v49;
	v33 =	vadd.f32 v56, v33  }
0x2d1: {  	v61 =	vld.idx.msk [tilespmem:v51+s12+$0x0], $0xffff  }
0x2d2: {  	v47 =	vld [tilespmem:s24+$0x10];
	v63 =	vor.u32 v19, v32;
	v45 =	vmul.f32 v54, v53;
	v33 =	vadd.f32 v60, v33  }
0x2d3: {  	v46 =	vld.idx.msk [tilespmem:v55+s12+$0x0], $0xffff  }
0x2d4: {  	v51 =	vld [tilespmem:s24+$0x20];
	v48 =	vor.u32 v20, v32;
	v49 =	vmul.f32 v58, v57;
	v33 =	vadd.f32 v45, v33  }
0x2d5: {  	v50 =	vld.idx.msk [tilespmem:v59+s12+$0x0], $0xffff  }
0x2d6: {  	v55 =	vld [tilespmem:s24+$0x30];
	v52 =	vor.u32 v21, v32;
	v53 =	vmul.f32 v62, v61;
	v33 =	vadd.f32 v49, v33  }
0x2d7: {  	v54 =	vld.idx.msk [tilespmem:v63+s12+$0x0], $0xffff  }
0x2d8: {  	v59 =	vld [tilespmem:s24+$0x40];
	v56 =	vor.u32 v22, v32;
	v57 =	vmul.f32 v47, v46;
	v33 =	vadd.f32 v53, v33  }
0x2d9: {  	v58 =	vld.idx.msk [tilespmem:v48+s12+$0x0], $0xffff  }
0x2da: {  	v63 =	vld [tilespmem:s24+$0x50];
	v60 =	vor.u32 v23, v32;
	v61 =	vmul.f32 v51, v50;
	v33 =	vadd.f32 v57, v33  }
0x2db: {  	v62 =	vld.idx.msk [tilespmem:v52+s12+$0x0], $0xffff  }
0x2dc: {  	v48 =	vld [tilespmem:s24+$0x60];
	v45 =	vor.u32 v24, v32;
	v46 =	vmul.f32 v55, v54;
	v33 =	vadd.f32 v61, v33  }
0x2dd: {  	v47 =	vld.idx.msk [tilespmem:v56+s12+$0x0], $0xffff  }
0x2de: {  	v52 =	vld [tilespmem:s24+$0x70];
	v49 =	vor.u32 v25, v32;
	v50 =	vmul.f32 v59, v58;
	v33 =	vadd.f32 v46, v33  }
0x2df: {  	v51 =	vld.idx.msk [tilespmem:v60+s12+$0x0], $0xffff  }
0x2e0: {  	v56 =	vld [tilespmem:s24+$0x80];
	v53 =	vor.u32 v26, v32;
	v54 =	vmul.f32 v63, v62;
	v33 =	vadd.f32 v50, v33  }
0x2e1: {  	v55 =	vld.idx.msk [tilespmem:v45+s12+$0x0], $0xffff  }
0x2e2: {  	v60 =	vld [tilespmem:s24+$0x90];
	v57 =	vor.u32 v27, v32;
	v58 =	vmul.f32 v48, v47;
	v33 =	vadd.f32 v54, v33  }
0x2e3: {  	v59 =	vld.idx.msk [tilespmem:v49+s12+$0x0], $0xffff  }
0x2e4: {  	v45 =	vld [tilespmem:s24+$0xA0];
	v61 =	vor.u32 v28, v32;
	v62 =	vmul.f32 v52, v51;
	v33 =	vadd.f32 v58, v33  }
0x2e5: {  	v63 =	vld.idx.msk [tilespmem:v53+s12+$0x0], $0xffff  }
0x2e6: {  	v49 =	vld [tilespmem:s24+$0xB0];
	v46 =	vor.u32 v29, v32;
	v47 =	vmul.f32 v56, v55;
	v33 =	vadd.f32 v62, v33  }
0x2e7: {  	v48 =	vld.idx.msk [tilespmem:v57+s12+$0x0], $0xffff  }
0x2e8: {  	v53 =	vld [tilespmem:s24+$0xC0];
	v50 =	vor.u32 v30, v32;
	v51 =	vmul.f32 v60, v59;
	v33 =	vadd.f32 v47, v33  }
0x2e9: {  	v52 =	vld.idx.msk [tilespmem:v61+s12+$0x0], $0xffff  }
0x2ea: {  	v56 =	vld [tilespmem:s24+$0xD0];
	v32 =	vor.u32 v31, v32;
	v54 =	vmul.f32 v45, v63;
	v33 =	vadd.f32 v51, v33  }
0x2eb: {  	v55 =	vld.idx.msk [tilespmem:v46+s12+$0x0], $0xffff  }
0x2ec: {  	v59 =	vld [tilespmem:s24+$0xE0];
	v57 =	vmul.f32 v49, v48;
	v33 =	vadd.f32 v54, v33  }
0x2ed: {  	v58 =	vld.idx.msk [tilespmem:v50+s12+$0x0], $0xffff  }
0x2ee: {  	v61 =	vld [tilespmem:s24+$0xF0];
	v60 =	vmul.f32 v53, v52;
	v33 =	vadd.f32 v57, v33  }
0x2ef: {  	v32 =	vld.idx.msk [tilespmem:v32+s12+$0x0], $0xffff  }
0x2f0: {  	v62 =	vmul.f32 v56, v55;
	v33 =	vadd.f32 v60, v33;
	_ =	sdelay $0x1  }
0x2f1: {  	v63 =	vmul.f32 v59, v58;
	v33 =	vadd.f32 v62, v33  }
0x2f2: {  	p0 =	sne.s32 s25, $0x7C0  }
.Ltmp1:
0x2f3: {  	v32 =	vmul.f32 v61, v32;
	v33 =	vadd.f32 v63, v33;
	(pc) =	sbr.rel @p0 .LBB2_4-.Ltmp1, $3  }
0x2f4: {  	_ = 	snop  }
0x2f5: {  	v32 =	vadd.f32 v32, v33;
	_ =	sdelay $0x1  }
0x2f6: {  	s25 =	sadd.s32 $0x40, s25;
	s24 =	sadd.s32 $0x200, s24;
	[tilespmem:s26+$0x14400] =	vst v32  }
0x2f7: {  	s24 =	rddreg [dreg:$0x8];
	s0 =	simm.s32 $0x14400;
	s25 =	simm.s32 $0x2  }
0x2f8: {  	[hbm4b:s24+s4] =	stream.linear.scatter [tilespmem:s0], [sflag:$0x2], $0x200, $0x38;
	[tilespmem:$0x14600] =	vst v63  }
0x2f9: {  	_ =	swait.ge [sflag:s25], $0x200  }
0x2fa: {  	s30 =	rddreg [dreg:$0xa]  }
0x2fb: {  	s31 =	rddreg [dreg:$0x9];
	s0 =	sadd.s32 $0x1, s30  }
0x2fc: {  	p0 =	sne.s32 s0, s31  }
.Ltmp2:
0x2fd: {  	_ = 	snop;
	(pc) =	sbr.rel @p0 .LBB2_1-.Ltmp2, $3  }
0x2fe: {  	_ =	sdelay $0x1  }
0x2ff: {  	[sflag:s25] =	ssyncset.done $0x0  }
0x300: {  	[sflag:s25] =	ssyncadd.s32 $0xFFFFFE00  }
0x301: {  	_ =	sfence.sel $0x180000  }
0x302: {  	[bflag:$0x0] =	sbarrier.arrive $0xFFFF  }
0x303: {  	_ =	strace $0x90000047  }
0x304: {  	s0 =	stileid.u32;
	[bflag:$0x2] =	sbarrier.arrive $0xFFFF  }
0x305: {  	p0 =	sne.s32 s0, $0x0;
	s0 =	rddreg [dreg:$0x5]  }
0x306: {  	s0 =	sadd.s32 @!p0 $0x100000, s0  }
0x307: {  	[sflag:s0] =	ssyncadd.tile.s32 @!p0 $0x1;
	_ =	shalt  }
.Lfunc_end2:
_tile_overlayer_lowered:
.L_overlay_start_2:
0x308: {  	(tag) =	ssettag $0x2  }
0x309: {  	s0 =	rddreg [dreg:$0x0];
	s2 =	stileid.u32  }
0x30a: {  	s1 =	rddreg [dreg:$0x1];
	p0 =	sne.s32 s2, $0x0  }
0x30b: {  	s3 =	rddreg [dreg:$0x2];
	[bflag:$0x3] =	sbarrier.arrive $0xFFFF;
	s2 =	simm.s32 @!p0 $0x1C02  }
0x30c: {  	[timem:s3], [sflag:s2] =	dma.local @!p0 [hbm:s0], s1  }
0x30d: {  	s0 =	simm.s32 @!p0 $0x2  }
0x30e: {  	_ =	swait.ge @!p0 [sflag:s0], s1  }
0x30f: {  	s1 =	ssub.s32 @!p0 $0x0, s1;
	[sflag:s0] =	ssyncset.done @!p0 $0x0  }
0x310: {  	[sflag:s0] =	ssyncadd.s32 @!p0 s1  }
0x311: {  	[bflag:$0x3] =	sbarrier.arrive $0xFFFF  }
0x312: {  	_ =	shalt  }

</sc_bundles>
